<compile_context>
chip_gen: v7x
topology: tpu7x:2x2x1
jax: 0.10.2.dev20260603
libtpu: 0.0.44.dev20260713+nightly
codegen_flags: <defaults>
</compile_context>

<pallas_src>
import dataclasses
import functools

import jax
import jax.numpy as jnp
from jax import lax
from jax.experimental import pallas as pl
from jax.experimental.pallas import tpu as pltpu
from jax.experimental.pallas import tpu_sc as plsc

N = 10000
F = 128
C = 16
E = 320000
NC = 2
NS = 16
NW = NC * NS
W = 128
GCH = E // W
TSTEPS = (GCH + NW - 1) // NW
NSLOT = 4
TLOOP = ((TSTEPS + NSLOT - 1) // NSLOT) * NSLOT
FAKE0 = NW * TLOOP * W - E

B0 = 632
BL = N - (NS - 1) * B0

_mesh = plsc.VectorSubcoreMesh(core_axis_name="c", subcore_axis_name="s")

_cp = pltpu.CompilerParams()
if "needs_layout_passes" in pltpu.CompilerParams.__dataclass_fields__:
    _cp = dataclasses.replace(_cp, needs_layout_passes=False)


def _part_init(zeros_hbm, acc_sh, s):
    base = pl.multiple_of(s * B0, 8)

    @pl.when(s < NS - 1)
    def _():
        pltpu.sync_copy(zeros_hbm, acc_sh.at[pl.ds(base, B0)])

    @pl.when(s == NS - 1)
    def _():
        pltpu.sync_copy(zeros_hbm.at[pl.ds(0, BL)], acc_sh.at[pl.ds(base, BL)])


def _part_copyout(acc_sh, out_hbm, c, s):
    base = pl.multiple_of(s * B0, 8)

    @pl.when(s < NS - 1)
    def _():
        pltpu.sync_copy(acc_sh.at[pl.ds(base, B0)],
                        out_hbm.at[c, pl.ds(base, B0)])

    @pl.when(s == NS - 1)
    def _():
        pltpu.sync_copy(acc_sh.at[pl.ds(base, BL)],
                        out_hbm.at[c, pl.ds(base, BL)])


@functools.partial(
    pl.kernel, mesh=_mesh,
    out_type=jax.ShapeDtypeStruct((NW, N), jnp.float32),
    compiler_params=_cp,
    scratch_types=[
        pltpu.VMEM((TLOOP, W), jnp.int32),
        pltpu.VMEM((N,), jnp.float32),
        pltpu.SemaphoreType.DMA,
    ],
)
def _sc_degree(ei_hbm, out_hbm, stage_v, hist_v, dsem):
    c = lax.axis_index("c")
    s = lax.axis_index("s")
    wid = s * NC + c

    zeros16 = jnp.zeros((16,), jnp.int32)
    for r in (TLOOP - 2, TLOOP - 1):
        for j in range(W // 16):
            stage_v[r, pl.ds(j * 16, 16)] = zeros16

    @pl.loop(0, TLOOP)
    def _(t):
        g = t * NW + wid

        @pl.when(g < GCH)
        def _():
            off = pl.multiple_of(g * W, 128)
            pltpu.async_copy(ei_hbm.at[1, pl.ds(off, W)], stage_v.at[t], dsem)

    @pl.loop(0, N // 16)
    def _(i):
        hist_v[pl.ds(i * 16, 16)] = jnp.zeros((16,), jnp.float32)

    @pl.loop(0, TLOOP)
    def _(t):
        @pl.when(t * NW + wid < GCH)
        def _():
            pltpu.make_async_copy(ei_hbm.at[1, pl.ds(0, W)],
                                  stage_v.at[t], dsem).wait()

    ones16 = jnp.ones((16,), jnp.float32)

    @pl.loop(0, TLOOP)
    def _(t):
        for j in range(W // 16):
            idx16 = stage_v[t, pl.ds(j * 16, 16)]
            plsc.addupdate_scatter(hist_v, [idx16], ones16)

    pltpu.sync_copy(hist_v, out_hbm.at[wid])


@functools.partial(
    pl.kernel, mesh=_mesh,
    out_type=jax.ShapeDtypeStruct((NC, N, F), jnp.float32),
    scratch_types=[
        pltpu.VMEM((NSLOT, W), jnp.int32),
        pltpu.VMEM((NSLOT, W), jnp.int32),
        pltpu.VMEM((2 * W, F), jnp.float32),
        pltpu.VMEM_SHARED((N, F), jnp.float32),
        pltpu.SemaphoreType.DMA,
        pltpu.SemaphoreType.DMA,
        pltpu.SemaphoreType.DMA,
        pltpu.SemaphoreType.DMA,
        pltpu.SemaphoreType.DMA,
        pltpu.SemaphoreType.DMA,
        pltpu.SemaphoreType.DMA,
        pltpu.SemaphoreType.DMA,
        pltpu.SemaphoreType.DMA,
        pltpu.SemaphoreType.DMA,
        pltpu.SemaphoreType.DMA,
        pltpu.SemaphoreType.DMA,
    ],
)
def _sc_prop(ei_hbm, vals_hbm, zeros_hbm, out_hbm,
             sidx_v, didx_v, rows_v, acc_sh,
             gs0, gs1, ss0, ss1, si0, si1, si2, si3, di0, di1, di2, di3):
    c = lax.axis_index("c")
    s = lax.axis_index("s")
    wid = s * NC + c
    gsem = (gs0, gs1)
    ssem = (ss0, ss1)
    sisem = (si0, si1, si2, si3)
    disem = (di0, di1, di2, di3)

    def load_idx(row, t, q, slots, sems):
        off = pl.multiple_of((t * NW + wid) * W, 128)
        pltpu.async_copy(ei_hbm.at[row, pl.ds(off, W)], slots.at[q], sems[q])

    def gather(q, half):
        pltpu.async_copy(vals_hbm.at[sidx_v.at[q]],
                         rows_v.at[pl.ds(half * W, W)], gsem[half])

    def scatter(q, half):
        pltpu.async_copy(rows_v.at[pl.ds(half * W, W)],
                         acc_sh.at[didx_v.at[q]], ssem[half], add=True)

    def drain_rows(sems, half):
        pltpu.make_async_copy(vals_hbm.at[pl.ds(0, W)],
                              rows_v.at[pl.ds(half * W, W)],
                              sems[half]).wait()

    def drain_slot(slots, sems, q):
        pltpu.make_async_copy(ei_hbm.at[0, pl.ds(0, W)], slots.at[q],
                              sems[q]).wait()

    for q in range(NSLOT):
        load_idx(0, q, q, sidx_v, sisem)
        load_idx(1, q, q, didx_v, disem)
    drain_slot(sidx_v, sisem, 0)
    gather(0, 0)
    _part_init(zeros_hbm, acc_sh, s)
    plsc.subcore_barrier()

    @pl.loop(0, TLOOP // NSLOT)
    def _(k):
        for q in range(NSLOT):
            half = q % 2
            t = NSLOT * k + q
            g = t * NW + wid

            @pl.when(g + NW < GCH)
            def _():
                drain_slot(sidx_v, sisem, (q + 1) % NSLOT)
                gather((q + 1) % NSLOT, 1 - half)

            @pl.when(g < GCH)
            def _():
                drain_rows(gsem, half)

            @pl.when(g + NSLOT * NW < GCH)
            def _():
                load_idx(0, t + NSLOT, q, sidx_v, sisem)

            @pl.when(g < GCH)
            def _():
                drain_slot(didx_v, disem, q)
                scatter(q, half)
                drain_rows(ssem, half)

            @pl.when(g + NSLOT * NW < GCH)
            def _():
                load_idx(1, t + NSLOT, q, didx_v, disem)

    plsc.subcore_barrier()
    _part_copyout(acc_sh, out_hbm, c, s)


def _tc1_body(degp_ref, x_ref, w1_ref, xw1p_ref, dis_ref):
    dsum = jnp.sum(degp_ref[...], axis=0)[:, None]
    row = lax.broadcasted_iota(jnp.int32, (N, 1), 0)
    deg = dsum - jnp.where(row == 0, jnp.float32(FAKE0), 0.0) + 1.0
    dis = 1.0 / jnp.sqrt(deg)
    xw1 = jnp.dot(x_ref[...], w1_ref[...], preferred_element_type=jnp.float32)
    xw1p_ref[...] = dis * xw1
    dis_ref[...] = dis


def _tc2_body(acc_ref, xw1p_ref, dis_ref, b1_ref, hp_ref):
    t = dis_ref[...] * (acc_ref[0] + acc_ref[1] + xw1p_ref[...]) + b1_ref[...]
    hp_ref[...] = dis_ref[...] * jnp.maximum(t, 0.0)


def _tc3_body(acc_ref, hp_ref, dis_ref, w2_ref, b2_ref, out_ref):
    g = dis_ref[...] * (acc_ref[0] + acc_ref[1] + hp_ref[...])
    out_ref[...] = (jnp.dot(g, w2_ref[...],
                            preferred_element_type=jnp.float32) + b2_ref[...])


def kernel(x, edge_index, W1, b1, W2, b2):
    x = x.astype(jnp.float32)
    ei = edge_index.astype(jnp.int32)
    zeros_f = jnp.zeros((B0, F), jnp.float32)

    degp = _sc_degree(ei)

    xw1p, dis = pl.pallas_call(
        _tc1_body,
        out_shape=[
            jax.ShapeDtypeStruct((N, F), jnp.float32),
            jax.ShapeDtypeStruct((N, 1), jnp.float32),
        ],
    )(degp, x, W1)

    acc1 = _sc_prop(ei, xw1p, zeros_f)

    hp = pl.pallas_call(
        _tc2_body,
        out_shape=jax.ShapeDtypeStruct((N, F), jnp.float32),
    )(acc1, xw1p, dis, b1)

    acc2 = _sc_prop(ei, hp, zeros_f)

    out = pl.pallas_call(
        _tc3_body,
        out_shape=jax.ShapeDtypeStruct((N, C), jnp.float32),
    )(acc2, hp, dis, W2, b2)

    return out

# --- scband reference (transcript-rebuilt; emitter-appended) ---
"""Pipeline reference for scband-gnngraph-coloring-36223754174949 (READ-ONLY COPY).

The authoritative reference and input builder live on the scoring server;
editing this copy changes nothing except your own understanding.
"""

import jax, jax.numpy as jnp
import numpy as np

NUM_NODES = 10000
NUM_FEATURES = 128
HIDDEN = 128
NUM_CLASSES = 16
NUM_EDGES = 320000


def gcn_conv(x, edge_index, W, b, num_nodes):
    # PyG GCNConv: add self-loops, symmetric normalization D^-1/2 A_hat D^-1/2 X W + b
    src = edge_index[0]
    dst = edge_index[1]
    loop = jnp.arange(num_nodes, dtype=edge_index.dtype)
    src = jnp.concatenate([src, loop])
    dst = jnp.concatenate([dst, loop])
    deg = jnp.zeros((num_nodes,), dtype=x.dtype).at[dst].add(1.0)
    deg_inv_sqrt = jnp.where(deg > 0, 1.0 / jnp.sqrt(deg), 0.0)
    norm = deg_inv_sqrt[src] * deg_inv_sqrt[dst]
    xw = x @ W
    msg = xw[src] * norm[:, None]
    out = jax.ops.segment_sum(msg, dst, num_segments=num_nodes)
    return out + b


def setup_inputs(seed: int = 0) -> dict:
    key = jax.random.key(seed)
    k1, k2, k3, k4, k5, k6 = jax.random.split(key, 6)
    x = jax.random.normal(k1, (NUM_NODES, NUM_FEATURES), dtype=jnp.float32)
    edge_index = jax.random.randint(k2, (2, NUM_EDGES), 0, NUM_NODES, dtype=jnp.int64)
    s1 = 1.0 / np.sqrt(NUM_FEATURES)
    s2 = 1.0 / np.sqrt(HIDDEN)
    W1 = jax.random.uniform(k3, (NUM_FEATURES, HIDDEN), dtype=jnp.float32, minval=-s1, maxval=s1)
    b1 = jnp.zeros((HIDDEN,), dtype=jnp.float32)
    W2 = jax.random.uniform(k4, (HIDDEN, NUM_CLASSES), dtype=jnp.float32, minval=-s2, maxval=s2)
    b2 = jnp.zeros((NUM_CLASSES,), dtype=jnp.float32)
    return {"x": x, "edge_index": edge_index, "W1": W1, "b1": b1, "W2": W2, "b2": b2}


def reference(x, edge_index, W1, b1, W2, b2):
    x = x.astype(jnp.float32)
    h = gcn_conv(x, edge_index, W1, b1, NUM_NODES)
    h = jax.nn.relu(h)
    # F.dropout(p=0.5, training=self.training): identity in eval mode
    out = gcn_conv(h, edge_index, W2, b2, NUM_NODES)
    return out

if __name__ == "__main__":
    import jax
    _d = setup_inputs()
    print(jax.jit(kernel)(*tuple(_d.values())))

</pallas_src>

<mosaic_0001>
#map = affine_map<(d0, d1) -> (0, 0)>
#map1 = affine_map<(d0, d1) -> (0, 0, 0)>
module attributes {stable_mosaic.version = 14 : i64} {
  func.func @_sc_prop(%arg0: i32, %arg1: i32, %arg2: memref<2x320000xi32, #tpu.memory_space<hbm>>, %arg3: memref<10000x128xf32, #tpu.memory_space<hbm>>, %arg4: memref<632x128xf32, #tpu.memory_space<hbm>>, %arg5: memref<2x10000x128xf32, #tpu.memory_space<hbm>>, %arg6: memref<4x128xi32, #tpu.memory_space<vmem>>, %arg7: memref<4x128xi32, #tpu.memory_space<vmem>>, %arg8: memref<256x128xf32, #tpu.memory_space<vmem>>, %arg9: memref<10000x128xf32, #tpu.memory_space<vmem_shared>>, %arg10: memref<!tpu.dma_semaphore, #tpu.memory_space<semaphore_mem>>, %arg11: memref<!tpu.dma_semaphore, #tpu.memory_space<semaphore_mem>>, %arg12: memref<!tpu.dma_semaphore, #tpu.memory_space<semaphore_mem>>, %arg13: memref<!tpu.dma_semaphore, #tpu.memory_space<semaphore_mem>>, %arg14: memref<!tpu.dma_semaphore, #tpu.memory_space<semaphore_mem>>, %arg15: memref<!tpu.dma_semaphore, #tpu.memory_space<semaphore_mem>>, %arg16: memref<!tpu.dma_semaphore, #tpu.memory_space<semaphore_mem>>, %arg17: memref<!tpu.dma_semaphore, #tpu.memory_space<semaphore_mem>>, %arg18: memref<!tpu.dma_semaphore, #tpu.memory_space<semaphore_mem>>, %arg19: memref<!tpu.dma_semaphore, #tpu.memory_space<semaphore_mem>>, %arg20: memref<!tpu.dma_semaphore, #tpu.memory_space<semaphore_mem>>, %arg21: memref<!tpu.dma_semaphore, #tpu.memory_space<semaphore_mem>>) attributes {dimension_semantics = [#tpu.dimension_semantics<core_parallel>, #tpu.dimension_semantics<subcore_parallel>], iteration_bounds = array<i64: 2, 16>, scalar_prefetch = 0 : i64, scratch_operands = 16 : i64, tpu.core_type = #tpu.core_type<sc_vector_subcore>, window_params = [{transform_indices = #map}, {transform_indices = #map}, {transform_indices = #map}, {transform_indices = #map1}]} {
    %mul3A = arith.constant 2 : i32
    %mul3A_0 = arith.muli %arg1, %mul3A : i32
    %add3A = arith.addi %mul3A_0, %arg0 : i32
    %add3A_1 = arith.constant 0 : i32
    %add3A_2 = arith.addi %add3A_1, %add3A : i32
    %mul3A_3 = arith.constant 128 : i32
    %mul3A_4 = arith.muli %add3A_2, %mul3A_3 : i32
    %multiple_of3A = tpu.assume_multiple %mul3A_4, 128 : i32
    %dma_start3A = arith.constant 0 : i32
    %dma_start3A_5 = arith.constant 0 : i32
    %dma_start3A_6 = arith.constant 0 : i32
    %dma_start3A_7 = tpu.memref_slice %arg6[%dma_start3A_5, %dma_start3A_6] : memref<4x128xi32, #tpu.memory_space<vmem>> -> memref<1x128xi32, #tpu.memory_space<vmem>>
    %dma_start3A_8 = tpu.memref_squeeze %dma_start3A_7 : memref<1x128xi32, #tpu.memory_space<vmem>> -> memref<128xi32, #tpu.memory_space<vmem>>
    %dma_start3A_9 = tpu.memref_slice %arg2[%dma_start3A, %multiple_of3A] : memref<2x320000xi32, #tpu.memory_space<hbm>> -> memref<1x128xi32, #tpu.memory_space<hbm>>
    %dma_start3A_10 = tpu.memref_squeeze %dma_start3A_9 : memref<1x128xi32, #tpu.memory_space<hbm>> -> memref<128xi32, #tpu.memory_space<hbm>>
    %dma_start3A_11 = arith.constant 0 : i32
    %dma_start3A_12 = tpu.memref_slice %arg6[%dma_start3A_5, %dma_start3A_11] : memref<4x128xi32, #tpu.memory_space<vmem>> -> memref<1x128xi32, #tpu.memory_space<vmem>>
    %dma_start3A_13 = tpu.memref_squeeze %dma_start3A_12 : memref<1x128xi32, #tpu.memory_space<vmem>> -> memref<128xi32, #tpu.memory_space<vmem>>
    %dma_start3A_14 = tpu.memref_slice %arg2[%dma_start3A, %multiple_of3A] : memref<2x320000xi32, #tpu.memory_space<hbm>> -> memref<1x128xi32, #tpu.memory_space<hbm>>
    %dma_start3A_15 = tpu.memref_squeeze %dma_start3A_14 : memref<1x128xi32, #tpu.memory_space<hbm>> -> memref<128xi32, #tpu.memory_space<hbm>>
    tpu.enqueue_dma source(%dma_start3A_15 : memref<128xi32, #tpu.memory_space<hbm>>) target(%dma_start3A_13 : memref<128xi32, #tpu.memory_space<vmem>>) target_semaphore(%arg14 : memref<!tpu.dma_semaphore, #tpu.memory_space<semaphore_mem>>)
    %add3A_16 = arith.constant 0 : i32
    %add3A_17 = arith.addi %add3A_16, %add3A : i32
    %mul3A_18 = arith.constant 128 : i32
    %mul3A_19 = arith.muli %add3A_17, %mul3A_18 : i32
    %multiple_of3A_20 = tpu.assume_multiple %mul3A_19, 128 : i32
    %dma_start3A_21 = arith.constant 1 : i32
    %dma_start3A_22 = arith.constant 0 : i32
    %dma_start3A_23 = arith.constant 0 : i32
    %dma_start3A_24 = tpu.memref_slice %arg7[%dma_start3A_22, %dma_start3A_23] : memref<4x128xi32, #tpu.memory_space<vmem>> -> memref<1x128xi32, #tpu.memory_space<vmem>>
    %dma_start3A_25 = tpu.memref_squeeze %dma_start3A_24 : memref<1x128xi32, #tpu.memory_space<vmem>> -> memref<128xi32, #tpu.memory_space<vmem>>
    %dma_start3A_26 = tpu.memref_slice %arg2[%dma_start3A_21, %multiple_of3A_20] : memref<2x320000xi32, #tpu.memory_space<hbm>> -> memref<1x128xi32, #tpu.memory_space<hbm>>
    %dma_start3A_27 = tpu.memref_squeeze %dma_start3A_26 : memref<1x128xi32, #tpu.memory_space<hbm>> -> memref<128xi32, #tpu.memory_space<hbm>>
    %dma_start3A_28 = arith.constant 0 : i32
    %dma_start3A_29 = tpu.memref_slice %arg7[%dma_start3A_22, %dma_start3A_28] : memref<4x128xi32, #tpu.memory_space<vmem>> -> memref<1x128xi32, #tpu.memory_space<vmem>>
    %dma_start3A_30 = tpu.memref_squeeze %dma_start3A_29 : memref<1x128xi32, #tpu.memory_space<vmem>> -> memref<128xi32, #tpu.memory_space<vmem>>
    %dma_start3A_31 = tpu.memref_slice %arg2[%dma_start3A_21, %multiple_of3A_20] : memref<2x320000xi32, #tpu.memory_space<hbm>> -> memref<1x128xi32, #tpu.memory_space<hbm>>
    %dma_start3A_32 = tpu.memref_squeeze %dma_start3A_31 : memref<1x128xi32, #tpu.memory_space<hbm>> -> memref<128xi32, #tpu.memory_space<hbm>>
    tpu.enqueue_dma source(%dma_start3A_32 : memref<128xi32, #tpu.memory_space<hbm>>) target(%dma_start3A_30 : memref<128xi32, #tpu.memory_space<vmem>>) target_semaphore(%arg18 : memref<!tpu.dma_semaphore, #tpu.memory_space<semaphore_mem>>)
    %add3A_33 = arith.constant 32 : i32
    %add3A_34 = arith.addi %add3A_33, %add3A : i32
    %mul3A_35 = arith.constant 128 : i32
    %mul3A_36 = arith.muli %add3A_34, %mul3A_35 : i32
    %multiple_of3A_37 = tpu.assume_multiple %mul3A_36, 128 : i32
    %dma_start3A_38 = arith.constant 0 : i32
    %dma_start3A_39 = arith.constant 1 : i32
    %dma_start3A_40 = arith.constant 0 : i32
    %dma_start3A_41 = tpu.memref_slice %arg6[%dma_start3A_39, %dma_start3A_40] : memref<4x128xi32, #tpu.memory_space<vmem>> -> memref<1x128xi32, #tpu.memory_space<vmem>>
    %dma_start3A_42 = tpu.memref_squeeze %dma_start3A_41 : memref<1x128xi32, #tpu.memory_space<vmem>> -> memref<128xi32, #tpu.memory_space<vmem>>
    %dma_start3A_43 = tpu.memref_slice %arg2[%dma_start3A_38, %multiple_of3A_37] : memref<2x320000xi32, #tpu.memory_space<hbm>> -> memref<1x128xi32, #tpu.memory_space<hbm>>
    %dma_start3A_44 = tpu.memref_squeeze %dma_start3A_43 : memref<1x128xi32, #tpu.memory_space<hbm>> -> memref<128xi32, #tpu.memory_space<hbm>>
    %dma_start3A_45 = arith.constant 0 : i32
    %dma_start3A_46 = tpu.memref_slice %arg6[%dma_start3A_39, %dma_start3A_45] : memref<4x128xi32, #tpu.memory_space<vmem>> -> memref<1x128xi32, #tpu.memory_space<vmem>>
    %dma_start3A_47 = tpu.memref_squeeze %dma_start3A_46 : memref<1x128xi32, #tpu.memory_space<vmem>> -> memref<128xi32, #tpu.memory_space<vmem>>
    %dma_start3A_48 = tpu.memref_slice %arg2[%dma_start3A_38, %multiple_of3A_37] : memref<2x320000xi32, #tpu.memory_space<hbm>> -> memref<1x128xi32, #tpu.memory_space<hbm>>
    %dma_start3A_49 = tpu.memref_squeeze %dma_start3A_48 : memref<1x128xi32, #tpu.memory_space<hbm>> -> memref<128xi32, #tpu.memory_space<hbm>>
    tpu.enqueue_dma source(%dma_start3A_49 : memref<128xi32, #tpu.memory_space<hbm>>) target(%dma_start3A_47 : memref<128xi32, #tpu.memory_space<vmem>>) target_semaphore(%arg15 : memref<!tpu.dma_semaphore, #tpu.memory_space<semaphore_mem>>)
    %add3A_50 = arith.constant 32 : i32
    %add3A_51 = arith.addi %add3A_50, %add3A : i32
    %mul3A_52 = arith.constant 128 : i32
    %mul3A_53 = arith.muli %add3A_51, %mul3A_52 : i32
    %multiple_of3A_54 = tpu.assume_multiple %mul3A_53, 128 : i32
    %dma_start3A_55 = arith.constant 1 : i32
    %dma_start3A_56 = arith.constant 1 : i32
    %dma_start3A_57 = arith.constant 0 : i32
    %dma_start3A_58 = tpu.memref_slice %arg7[%dma_start3A_56, %dma_start3A_57] : memref<4x128xi32, #tpu.memory_space<vmem>> -> memref<1x128xi32, #tpu.memory_space<vmem>>
    %dma_start3A_59 = tpu.memref_squeeze %dma_start3A_58 : memref<1x128xi32, #tpu.memory_space<vmem>> -> memref<128xi32, #tpu.memory_space<vmem>>
    %dma_start3A_60 = tpu.memref_slice %arg2[%dma_start3A_55, %multiple_of3A_54] : memref<2x320000xi32, #tpu.memory_space<hbm>> -> memref<1x128xi32, #tpu.memory_space<hbm>>
    %dma_start3A_61 = tpu.memref_squeeze %dma_start3A_60 : memref<1x128xi32, #tpu.memory_space<hbm>> -> memref<128xi32, #tpu.memory_space<hbm>>
    %dma_start3A_62 = arith.constant 0 : i32
    %dma_start3A_63 = tpu.memref_slice %arg7[%dma_start3A_56, %dma_start3A_62] : memref<4x128xi32, #tpu.memory_space<vmem>> -> memref<1x128xi32, #tpu.memory_space<vmem>>
    %dma_start3A_64 = tpu.memref_squeeze %dma_start3A_63 : memref<1x128xi32, #tpu.memory_space<vmem>> -> memref<128xi32, #tpu.memory_space<vmem>>
    %dma_start3A_65 = tpu.memref_slice %arg2[%dma_start3A_55, %multiple_of3A_54] : memref<2x320000xi32, #tpu.memory_space<hbm>> -> memref<1x128xi32, #tpu.memory_space<hbm>>
    %dma_start3A_66 = tpu.memref_squeeze %dma_start3A_65 : memref<1x128xi32, #tpu.memory_space<hbm>> -> memref<128xi32, #tpu.memory_space<hbm>>
    tpu.enqueue_dma source(%dma_start3A_66 : memref<128xi32, #tpu.memory_space<hbm>>) target(%dma_start3A_64 : memref<128xi32, #tpu.memory_space<vmem>>) target_semaphore(%arg19 : memref<!tpu.dma_semaphore, #tpu.memory_space<semaphore_mem>>)
    %add3A_67 = arith.constant 64 : i32
    %add3A_68 = arith.addi %add3A_67, %add3A : i32
    %mul3A_69 = arith.constant 128 : i32
    %mul3A_70 = arith.muli %add3A_68, %mul3A_69 : i32
    %multiple_of3A_71 = tpu.assume_multiple %mul3A_70, 128 : i32
    %dma_start3A_72 = arith.constant 0 : i32
    %dma_start3A_73 = arith.constant 2 : i32
    %dma_start3A_74 = arith.constant 0 : i32
    %dma_start3A_75 = tpu.memref_slice %arg6[%dma_start3A_73, %dma_start3A_74] : memref<4x128xi32, #tpu.memory_space<vmem>> -> memref<1x128xi32, #tpu.memory_space<vmem>>
    %dma_start3A_76 = tpu.memref_squeeze %dma_start3A_75 : memref<1x128xi32, #tpu.memory_space<vmem>> -> memref<128xi32, #tpu.memory_space<vmem>>
    %dma_start3A_77 = tpu.memref_slice %arg2[%dma_start3A_72, %multiple_of3A_71] : memref<2x320000xi32, #tpu.memory_space<hbm>> -> memref<1x128xi32, #tpu.memory_space<hbm>>
    %dma_start3A_78 = tpu.memref_squeeze %dma_start3A_77 : memref<1x128xi32, #tpu.memory_space<hbm>> -> memref<128xi32, #tpu.memory_space<hbm>>
    %dma_start3A_79 = arith.constant 0 : i32
    %dma_start3A_80 = tpu.memref_slice %arg6[%dma_start3A_73, %dma_start3A_79] : memref<4x128xi32, #tpu.memory_space<vmem>> -> memref<1x128xi32, #tpu.memory_space<vmem>>
    %dma_start3A_81 = tpu.memref_squeeze %dma_start3A_80 : memref<1x128xi32, #tpu.memory_space<vmem>> -> memref<128xi32, #tpu.memory_space<vmem>>
    %dma_start3A_82 = tpu.memref_slice %arg2[%dma_start3A_72, %multiple_of3A_71] : memref<2x320000xi32, #tpu.memory_space<hbm>> -> memref<1x128xi32, #tpu.memory_space<hbm>>
    %dma_start3A_83 = tpu.memref_squeeze %dma_start3A_82 : memref<1x128xi32, #tpu.memory_space<hbm>> -> memref<128xi32, #tpu.memory_space<hbm>>
    tpu.enqueue_dma source(%dma_start3A_83 : memref<128xi32, #tpu.memory_space<hbm>>) target(%dma_start3A_81 : memref<128xi32, #tpu.memory_space<vmem>>) target_semaphore(%arg16 : memref<!tpu.dma_semaphore, #tpu.memory_space<semaphore_mem>>)
    %add3A_84 = arith.constant 64 : i32
    %add3A_85 = arith.addi %add3A_84, %add3A : i32
    %mul3A_86 = arith.constant 128 : i32
    %mul3A_87 = arith.muli %add3A_85, %mul3A_86 : i32
    %multiple_of3A_88 = tpu.assume_multiple %mul3A_87, 128 : i32
    %dma_start3A_89 = arith.constant 1 : i32
    %dma_start3A_90 = arith.constant 2 : i32
    %dma_start3A_91 = arith.constant 0 : i32
    %dma_start3A_92 = tpu.memref_slice %arg7[%dma_start3A_90, %dma_start3A_91] : memref<4x128xi32, #tpu.memory_space<vmem>> -> memref<1x128xi32, #tpu.memory_space<vmem>>
    %dma_start3A_93 = tpu.memref_squeeze %dma_start3A_92 : memref<1x128xi32, #tpu.memory_space<vmem>> -> memref<128xi32, #tpu.memory_space<vmem>>
    %dma_start3A_94 = tpu.memref_slice %arg2[%dma_start3A_89, %multiple_of3A_88] : memref<2x320000xi32, #tpu.memory_space<hbm>> -> memref<1x128xi32, #tpu.memory_space<hbm>>
    %dma_start3A_95 = tpu.memref_squeeze %dma_start3A_94 : memref<1x128xi32, #tpu.memory_space<hbm>> -> memref<128xi32, #tpu.memory_space<hbm>>
    %dma_start3A_96 = arith.constant 0 : i32
    %dma_start3A_97 = tpu.memref_slice %arg7[%dma_start3A_90, %dma_start3A_96] : memref<4x128xi32, #tpu.memory_space<vmem>> -> memref<1x128xi32, #tpu.memory_space<vmem>>
    %dma_start3A_98 = tpu.memref_squeeze %dma_start3A_97 : memref<1x128xi32, #tpu.memory_space<vmem>> -> memref<128xi32, #tpu.memory_space<vmem>>
    %dma_start3A_99 = tpu.memref_slice %arg2[%dma_start3A_89, %multiple_of3A_88] : memref<2x320000xi32, #tpu.memory_space<hbm>> -> memref<1x128xi32, #tpu.memory_space<hbm>>
    %dma_start3A_100 = tpu.memref_squeeze %dma_start3A_99 : memref<1x128xi32, #tpu.memory_space<hbm>> -> memref<128xi32, #tpu.memory_space<hbm>>
    tpu.enqueue_dma source(%dma_start3A_100 : memref<128xi32, #tpu.memory_space<hbm>>) target(%dma_start3A_98 : memref<128xi32, #tpu.memory_space<vmem>>) target_semaphore(%arg20 : memref<!tpu.dma_semaphore, #tpu.memory_space<semaphore_mem>>)
    %add3A_101 = arith.constant 96 : i32
    %add3A_102 = arith.addi %add3A_101, %add3A : i32
    %mul3A_103 = arith.constant 128 : i32
    %mul3A_104 = arith.muli %add3A_102, %mul3A_103 : i32
    %multiple_of3A_105 = tpu.assume_multiple %mul3A_104, 128 : i32
    %dma_start3A_106 = arith.constant 0 : i32
    %dma_start3A_107 = arith.constant 3 : i32
    %dma_start3A_108 = arith.constant 0 : i32
    %dma_start3A_109 = tpu.memref_slice %arg6[%dma_start3A_107, %dma_start3A_108] : memref<4x128xi32, #tpu.memory_space<vmem>> -> memref<1x128xi32, #tpu.memory_space<vmem>>
    %dma_start3A_110 = tpu.memref_squeeze %dma_start3A_109 : memref<1x128xi32, #tpu.memory_space<vmem>> -> memref<128xi32, #tpu.memory_space<vmem>>
    %dma_start3A_111 = tpu.memref_slice %arg2[%dma_start3A_106, %multiple_of3A_105] : memref<2x320000xi32, #tpu.memory_space<hbm>> -> memref<1x128xi32, #tpu.memory_space<hbm>>
    %dma_start3A_112 = tpu.memref_squeeze %dma_start3A_111 : memref<1x128xi32, #tpu.memory_space<hbm>> -> memref<128xi32, #tpu.memory_space<hbm>>
    %dma_start3A_113 = arith.constant 0 : i32
    %dma_start3A_114 = tpu.memref_slice %arg6[%dma_start3A_107, %dma_start3A_113] : memref<4x128xi32, #tpu.memory_space<vmem>> -> memref<1x128xi32, #tpu.memory_space<vmem>>
    %dma_start3A_115 = tpu.memref_squeeze %dma_start3A_114 : memref<1x128xi32, #tpu.memory_space<vmem>> -> memref<128xi32, #tpu.memory_space<vmem>>
    %dma_start3A_116 = tpu.memref_slice %arg2[%dma_start3A_106, %multiple_of3A_105] : memref<2x320000xi32, #tpu.memory_space<hbm>> -> memref<1x128xi32, #tpu.memory_space<hbm>>
    %dma_start3A_117 = tpu.memref_squeeze %dma_start3A_116 : memref<1x128xi32, #tpu.memory_space<hbm>> -> memref<128xi32, #tpu.memory_space<hbm>>
    tpu.enqueue_dma source(%dma_start3A_117 : memref<128xi32, #tpu.memory_space<hbm>>) target(%dma_start3A_115 : memref<128xi32, #tpu.memory_space<vmem>>) target_semaphore(%arg17 : memref<!tpu.dma_semaphore, #tpu.memory_space<semaphore_mem>>)
    %add3A_118 = arith.constant 96 : i32
    %add3A_119 = arith.addi %add3A_118, %add3A : i32
    %mul3A_120 = arith.constant 128 : i32
    %mul3A_121 = arith.muli %add3A_119, %mul3A_120 : i32
    %multiple_of3A_122 = tpu.assume_multiple %mul3A_121, 128 : i32
    %dma_start3A_123 = arith.constant 1 : i32
    %dma_start3A_124 = arith.constant 3 : i32
    %dma_start3A_125 = arith.constant 0 : i32
    %dma_start3A_126 = tpu.memref_slice %arg7[%dma_start3A_124, %dma_start3A_125] : memref<4x128xi32, #tpu.memory_space<vmem>> -> memref<1x128xi32, #tpu.memory_space<vmem>>
    %dma_start3A_127 = tpu.memref_squeeze %dma_start3A_126 : memref<1x128xi32, #tpu.memory_space<vmem>> -> memref<128xi32, #tpu.memory_space<vmem>>
    %dma_start3A_128 = tpu.memref_slice %arg2[%dma_start3A_123, %multiple_of3A_122] : memref<2x320000xi32, #tpu.memory_space<hbm>> -> memref<1x128xi32, #tpu.memory_space<hbm>>
    %dma_start3A_129 = tpu.memref_squeeze %dma_start3A_128 : memref<1x128xi32, #tpu.memory_space<hbm>> -> memref<128xi32, #tpu.memory_space<hbm>>
    %dma_start3A_130 = arith.constant 0 : i32
    %dma_start3A_131 = tpu.memref_slice %arg7[%dma_start3A_124, %dma_start3A_130] : memref<4x128xi32, #tpu.memory_space<vmem>> -> memref<1x128xi32, #tpu.memory_space<vmem>>
    %dma_start3A_132 = tpu.memref_squeeze %dma_start3A_131 : memref<1x128xi32, #tpu.memory_space<vmem>> -> memref<128xi32, #tpu.memory_space<vmem>>
    %dma_start3A_133 = tpu.memref_slice %arg2[%dma_start3A_123, %multiple_of3A_122] : memref<2x320000xi32, #tpu.memory_space<hbm>> -> memref<1x128xi32, #tpu.memory_space<hbm>>
    %dma_start3A_134 = tpu.memref_squeeze %dma_start3A_133 : memref<1x128xi32, #tpu.memory_space<hbm>> -> memref<128xi32, #tpu.memory_space<hbm>>
    tpu.enqueue_dma source(%dma_start3A_134 : memref<128xi32, #tpu.memory_space<hbm>>) target(%dma_start3A_132 : memref<128xi32, #tpu.memory_space<vmem>>) target_semaphore(%arg21 : memref<!tpu.dma_semaphore, #tpu.memory_space<semaphore_mem>>)
    %dma_wait3A = arith.constant 0 : i32
    %dma_wait3A_135 = arith.constant 0 : i32
    %dma_wait3A_136 = arith.constant 0 : i32
    %dma_wait3A_137 = tpu.memref_slice %arg6[%dma_wait3A_135, %dma_wait3A_136] : memref<4x128xi32, #tpu.memory_space<vmem>> -> memref<1x128xi32, #tpu.memory_space<vmem>>
    %dma_wait3A_138 = tpu.memref_squeeze %dma_wait3A_137 : memref<1x128xi32, #tpu.memory_space<vmem>> -> memref<128xi32, #tpu.memory_space<vmem>>
    %dma_wait3A_139 = arith.constant 0 : i32
    %dma_wait3A_140 = tpu.memref_slice %arg2[%dma_wait3A, %dma_wait3A_139] : memref<2x320000xi32, #tpu.memory_space<hbm>> -> memref<1x128xi32, #tpu.memory_space<hbm>>
    %dma_wait3A_141 = tpu.memref_squeeze %dma_wait3A_140 : memref<1x128xi32, #tpu.memory_space<hbm>> -> memref<128xi32, #tpu.memory_space<hbm>>
    %dma_wait3A_142 = arith.constant 0 : i32
    %dma_wait3A_143 = tpu.memref_slice %arg6[%dma_wait3A_135, %dma_wait3A_142] : memref<4x128xi32, #tpu.memory_space<vmem>> -> memref<1x128xi32, #tpu.memory_space<vmem>>
    %dma_wait3A_144 = tpu.memref_squeeze %dma_wait3A_143 : memref<1x128xi32, #tpu.memory_space<vmem>> -> memref<128xi32, #tpu.memory_space<vmem>>
    %dma_wait3A_145 = arith.constant 0 : i32
    %dma_wait3A_146 = tpu.memref_slice %arg2[%dma_wait3A, %dma_wait3A_145] : memref<2x320000xi32, #tpu.memory_space<hbm>> -> memref<1x128xi32, #tpu.memory_space<hbm>>
    %dma_wait3A_147 = tpu.memref_squeeze %dma_wait3A_146 : memref<1x128xi32, #tpu.memory_space<hbm>> -> memref<128xi32, #tpu.memory_space<hbm>>
    tpu.wait_dma2 semaphore(%arg14 : memref<!tpu.dma_semaphore, #tpu.memory_space<semaphore_mem>>) src(%dma_wait3A_147 : memref<128xi32, #tpu.memory_space<hbm>>) dst(%dma_wait3A_144 : memref<128xi32, #tpu.memory_space<vmem>>)
    %dma_start3A_148 = arith.constant 0 : i32
    %dma_start3A_149 = arith.constant 0 : i32
    %dma_start3A_150 = arith.constant 0 : i32
    %dma_start3A_151 = tpu.memref_slice %arg8[%dma_start3A_149, %dma_start3A_150] : memref<256x128xf32, #tpu.memory_space<vmem>> -> memref<128x128xf32, #tpu.memory_space<vmem>>
    %dma_start3A_152 = arith.constant 0 : i32
    %dma_start3A_153 = tpu.memref_slice %arg6[%dma_start3A_148, %dma_start3A_152] : memref<4x128xi32, #tpu.memory_space<vmem>> -> memref<1x128xi32, #tpu.memory_space<vmem>>
    %dma_start3A_154 = tpu.memref_squeeze %dma_start3A_153 : memref<1x128xi32, #tpu.memory_space<vmem>> -> memref<128xi32, #tpu.memory_space<vmem>>
    %dma_start3A_155 = arith.constant 0 : i32
    %dma_start3A_156 = arith.constant 0 : i32
    %dma_start3A_157 = tpu.memref_slice %arg3[%dma_start3A_155, %dma_start3A_156] : memref<10000x128xf32, #tpu.memory_space<hbm>> -> memref<10000x128xf32, #tpu.memory_space<hbm>>
    tpu.enqueue_indirect_dma source(%dma_start3A_157 : memref<10000x128xf32, #tpu.memory_space<hbm>>) target(%dma_start3A_151 : memref<128x128xf32, #tpu.memory_space<vmem>>) offsets(%dma_start3A_154 : memref<128xi32, #tpu.memory_space<vmem>>) semaphore(%arg10 : memref<!tpu.dma_semaphore, #tpu.memory_space<semaphore_mem>>)
    %mul3A_158 = arith.constant 632 : i32
    %mul3A_159 = arith.muli %arg1, %mul3A_158 : i32
    %multiple_of3A_160 = tpu.assume_multiple %mul3A_159, 8 : i32
    %lt3A = arith.constant 15 : i32
    %lt3A_161 = arith.cmpi slt, %arg1, %lt3A : i32
    %convert_element_type3A = arith.extui %lt3A_161 : i1 to i32
    %cond3A = arith.constant 0 : i32
    %cond3A_162 = arith.cmpi ne, %convert_element_type3A, %cond3A : i32
    scf.if %cond3A_162 {
      "tpu.region"() ({
        %run_scoped3A = tpu.sem_alloc : memref<!tpu.dma_semaphore, #tpu.memory_space<semaphore_mem>>
        %dma_start3A_185 = arith.constant 0 : i32
        %dma_start3A_186 = tpu.memref_slice %arg9[%multiple_of3A_160, %dma_start3A_185] : memref<10000x128xf32, #tpu.memory_space<vmem_shared>> -> memref<632x128xf32, #tpu.memory_space<vmem_shared>>
        tpu.enqueue_dma source(%arg4 : memref<632x128xf32, #tpu.memory_space<hbm>>) target(%dma_start3A_186 : memref<632x128xf32, #tpu.memory_space<vmem_shared>>) target_semaphore(%run_scoped3A : memref<!tpu.dma_semaphore, #tpu.memory_space<semaphore_mem>>)
        %dma_wait3A_187 = arith.constant 0 : i32
        %dma_wait3A_188 = tpu.memref_slice %arg9[%multiple_of3A_160, %dma_wait3A_187] : memref<10000x128xf32, #tpu.memory_space<vmem_shared>> -> memref<632x128xf32, #tpu.memory_space<vmem_shared>>
        tpu.wait_dma2 semaphore(%run_scoped3A : memref<!tpu.dma_semaphore, #tpu.memory_space<semaphore_mem>>) src(%arg4 : memref<632x128xf32, #tpu.memory_space<hbm>>) dst(%dma_wait3A_188 : memref<632x128xf32, #tpu.memory_space<vmem_shared>>)
        tpu.yield
      }) : () -> ()
    } else {
    }
    %eq3A = arith.constant 15 : i32
    %eq3A_163 = arith.cmpi eq, %arg1, %eq3A : i32
    %convert_element_type3A_164 = arith.extui %eq3A_163 : i1 to i32
    %cond3A_165 = arith.constant 0 : i32
    %cond3A_166 = arith.cmpi ne, %convert_element_type3A_164, %cond3A_165 : i32
    scf.if %cond3A_166 {
      "tpu.region"() ({
        %run_scoped3A = tpu.sem_alloc : memref<!tpu.dma_semaphore, #tpu.memory_space<semaphore_mem>>
        %dma_start3A_185 = arith.constant 0 : i32
        %dma_start3A_186 = tpu.memref_slice %arg9[%multiple_of3A_160, %dma_start3A_185] : memref<10000x128xf32, #tpu.memory_space<vmem_shared>> -> memref<520x128xf32, #tpu.memory_space<vmem_shared>>
        %dma_start3A_187 = arith.constant 0 : i32
        %dma_start3A_188 = arith.constant 0 : i32
        %dma_start3A_189 = tpu.memref_slice %arg4[%dma_start3A_187, %dma_start3A_188] : memref<632x128xf32, #tpu.memory_space<hbm>> -> memref<520x128xf32, #tpu.memory_space<hbm>>
        tpu.enqueue_dma source(%dma_start3A_189 : memref<520x128xf32, #tpu.memory_space<hbm>>) target(%dma_start3A_186 : memref<520x128xf32, #tpu.memory_space<vmem_shared>>) target_semaphore(%run_scoped3A : memref<!tpu.dma_semaphore, #tpu.memory_space<semaphore_mem>>)
        %dma_wait3A_190 = arith.constant 0 : i32
        %dma_wait3A_191 = tpu.memref_slice %arg9[%multiple_of3A_160, %dma_wait3A_190] : memref<10000x128xf32, #tpu.memory_space<vmem_shared>> -> memref<520x128xf32, #tpu.memory_space<vmem_shared>>
        %dma_wait3A_192 = arith.constant 0 : i32
        %dma_wait3A_193 = arith.constant 0 : i32
        %dma_wait3A_194 = tpu.memref_slice %arg4[%dma_wait3A_192, %dma_wait3A_193] : memref<632x128xf32, #tpu.memory_space<hbm>> -> memref<520x128xf32, #tpu.memory_space<hbm>>
        tpu.wait_dma2 semaphore(%run_scoped3A : memref<!tpu.dma_semaphore, #tpu.memory_space<semaphore_mem>>) src(%dma_wait3A_194 : memref<520x128xf32, #tpu.memory_space<hbm>>) dst(%dma_wait3A_191 : memref<520x128xf32, #tpu.memory_space<vmem_shared>>)
        tpu.yield
      }) : () -> ()
    } else {
    }
    %barrier3A = arith.constant 0 : index
    tpu.barrier barrier_id(%barrier3A)
    %scan3A = arith.constant 0 : i32
    %scan3A_167 = arith.constant 20 : i32
    %scan3A_168 = arith.addi %scan3A, %scan3A_167 : i32
    %scan3A_169 = arith.constant 1 : i32
    scf.for %scan3A_185 = %scan3A to %scan3A_168 step %scan3A_169  : i32 {
      %mul3A_186 = arith.constant 1 : i32
      %mul3A_187 = arith.muli %scan3A_185, %mul3A_186 : i32
      %add3A_188 = arith.constant 0 : i32
      %add3A_189 = arith.addi %add3A_188, %mul3A_187 : i32
      %mul3A_190 = arith.constant 4 : i32
      %mul3A_191 = arith.muli %mul3A_190, %add3A_189 : i32
      %add3A_192 = arith.constant 0 : i32
      %add3A_193 = arith.addi %mul3A_191, %add3A_192 : i32
      %mul3A_194 = arith.constant 32 : i32
      %mul3A_195 = arith.muli %add3A_193, %mul3A_194 : i32
      %add3A_196 = arith.addi %mul3A_195, %add3A : i32
      %add3A_197 = arith.constant 32 : i32
      %add3A_198 = arith.addi %add3A_196, %add3A_197 : i32
      %lt3A_199 = arith.constant 2500 : i32
      %lt3A_200 = arith.cmpi slt, %add3A_198, %lt3A_199 : i32
      %convert_element_type3A_201 = arith.extui %lt3A_200 : i1 to i32
      %cond3A_202 = arith.constant 0 : i32
      %cond3A_203 = arith.cmpi ne, %convert_element_type3A_201, %cond3A_202 : i32
      scf.if %cond3A_203 {
        %dma_wait3A_342 = arith.constant 0 : i32
        %dma_wait3A_343 = arith.constant 1 : i32
        %dma_wait3A_344 = arith.constant 0 : i32
        %dma_wait3A_345 = tpu.memref_slice %arg6[%dma_wait3A_343, %dma_wait3A_344] : memref<4x128xi32, #tpu.memory_space<vmem>> -> memref<1x128xi32, #tpu.memory_space<vmem>>
        %dma_wait3A_346 = tpu.memref_squeeze %dma_wait3A_345 : memref<1x128xi32, #tpu.memory_space<vmem>> -> memref<128xi32, #tpu.memory_space<vmem>>
        %dma_wait3A_347 = arith.constant 0 : i32
        %dma_wait3A_348 = tpu.memref_slice %arg2[%dma_wait3A_342, %dma_wait3A_347] : memref<2x320000xi32, #tpu.memory_space<hbm>> -> memref<1x128xi32, #tpu.memory_space<hbm>>
        %dma_wait3A_349 = tpu.memref_squeeze %dma_wait3A_348 : memref<1x128xi32, #tpu.memory_space<hbm>> -> memref<128xi32, #tpu.memory_space<hbm>>
        %dma_wait3A_350 = arith.constant 0 : i32
        %dma_wait3A_351 = tpu.memref_slice %arg6[%dma_wait3A_343, %dma_wait3A_350] : memref<4x128xi32, #tpu.memory_space<vmem>> -> memref<1x128xi32, #tpu.memory_space<vmem>>
        %dma_wait3A_352 = tpu.memref_squeeze %dma_wait3A_351 : memref<1x128xi32, #tpu.memory_space<vmem>> -> memref<128xi32, #tpu.memory_space<vmem>>
        %dma_wait3A_353 = arith.constant 0 : i32
        %dma_wait3A_354 = tpu.memref_slice %arg2[%dma_wait3A_342, %dma_wait3A_353] : memref<2x320000xi32, #tpu.memory_space<hbm>> -> memref<1x128xi32, #tpu.memory_space<hbm>>
        %dma_wait3A_355 = tpu.memref_squeeze %dma_wait3A_354 : memref<1x128xi32, #tpu.memory_space<hbm>> -> memref<128xi32, #tpu.memory_space<hbm>>
        tpu.wait_dma2 semaphore(%arg15 : memref<!tpu.dma_semaphore, #tpu.memory_space<semaphore_mem>>) src(%dma_wait3A_355 : memref<128xi32, #tpu.memory_space<hbm>>) dst(%dma_wait3A_352 : memref<128xi32, #tpu.memory_space<vmem>>)
        %dma_start3A_356 = arith.constant 1 : i32
        %dma_start3A_357 = arith.constant 128 : i32
        %dma_start3A_358 = arith.constant 0 : i32
        %dma_start3A_359 = tpu.memref_slice %arg8[%dma_start3A_357, %dma_start3A_358] : memref<256x128xf32, #tpu.memory_space<vmem>> -> memref<128x128xf32, #tpu.memory_space<vmem>>
        %dma_start3A_360 = arith.constant 0 : i32
        %dma_start3A_361 = tpu.memref_slice %arg6[%dma_start3A_356, %dma_start3A_360] : memref<4x128xi32, #tpu.memory_space<vmem>> -> memref<1x128xi32, #tpu.memory_space<vmem>>
        %dma_start3A_362 = tpu.memref_squeeze %dma_start3A_361 : memref<1x128xi32, #tpu.memory_space<vmem>> -> memref<128xi32, #tpu.memory_space<vmem>>
        %dma_start3A_363 = arith.constant 0 : i32
        %dma_start3A_364 = arith.constant 0 : i32
        %dma_start3A_365 = tpu.memref_slice %arg3[%dma_start3A_363, %dma_start3A_364] : memref<10000x128xf32, #tpu.memory_space<hbm>> -> memref<10000x128xf32, #tpu.memory_space<hbm>>
        tpu.enqueue_indirect_dma source(%dma_start3A_365 : memref<10000x128xf32, #tpu.memory_space<hbm>>) target(%dma_start3A_359 : memref<128x128xf32, #tpu.memory_space<vmem>>) offsets(%dma_start3A_362 : memref<128xi32, #tpu.memory_space<vmem>>) semaphore(%arg11 : memref<!tpu.dma_semaphore, #tpu.memory_space<semaphore_mem>>)
      } else {
      }
      %lt3A_204 = arith.constant 2500 : i32
      %lt3A_205 = arith.cmpi slt, %add3A_196, %lt3A_204 : i32
      %convert_element_type3A_206 = arith.extui %lt3A_205 : i1 to i32
      %cond3A_207 = arith.constant 0 : i32
      %cond3A_208 = arith.cmpi ne, %convert_element_type3A_206, %cond3A_207 : i32
      scf.if %cond3A_208 {
        %dma_wait3A_342 = arith.constant 0 : i32
        %dma_wait3A_343 = arith.constant 0 : i32
        %dma_wait3A_344 = tpu.memref_slice %arg8[%dma_wait3A_342, %dma_wait3A_343] : memref<256x128xf32, #tpu.memory_space<vmem>> -> memref<128x128xf32, #tpu.memory_space<vmem>>
        %dma_wait3A_345 = arith.constant 0 : i32
        %dma_wait3A_346 = arith.constant 0 : i32
        %dma_wait3A_347 = tpu.memref_slice %arg3[%dma_wait3A_345, %dma_wait3A_346] : memref<10000x128xf32, #tpu.memory_space<hbm>> -> memref<128x128xf32, #tpu.memory_space<hbm>>
        %dma_wait3A_348 = arith.constant 0 : i32
        %dma_wait3A_349 = arith.constant 0 : i32
        %dma_wait3A_350 = tpu.memref_slice %arg8[%dma_wait3A_348, %dma_wait3A_349] : memref<256x128xf32, #tpu.memory_space<vmem>> -> memref<128x128xf32, #tpu.memory_space<vmem>>
        %dma_wait3A_351 = arith.constant 0 : i32
        %dma_wait3A_352 = arith.constant 0 : i32
        %dma_wait3A_353 = tpu.memref_slice %arg3[%dma_wait3A_351, %dma_wait3A_352] : memref<10000x128xf32, #tpu.memory_space<hbm>> -> memref<128x128xf32, #tpu.memory_space<hbm>>
        tpu.wait_dma2 semaphore(%arg10 : memref<!tpu.dma_semaphore, #tpu.memory_space<semaphore_mem>>) src(%dma_wait3A_353 : memref<128x128xf32, #tpu.memory_space<hbm>>) dst(%dma_wait3A_350 : memref<128x128xf32, #tpu.memory_space<vmem>>)
      } else {
      }
      %add3A_209 = arith.constant 128 : i32
      %add3A_210 = arith.addi %add3A_196, %add3A_209 : i32
      %lt3A_211 = arith.constant 2500 : i32
      %lt3A_212 = arith.cmpi slt, %add3A_210, %lt3A_211 : i32
      %convert_element_type3A_213 = arith.extui %lt3A_212 : i1 to i32
      %cond3A_214 = arith.constant 0 : i32
      %cond3A_215 = arith.cmpi ne, %convert_element_type3A_213, %cond3A_214 : i32
      scf.if %cond3A_215 {
        %add3A_342 = arith.constant 4 : i32
        %add3A_343 = arith.addi %add3A_193, %add3A_342 : i32
        %mul3A_344 = arith.constant 32 : i32
        %mul3A_345 = arith.muli %add3A_343, %mul3A_344 : i32
        %add3A_346 = arith.addi %mul3A_345, %add3A : i32
        %mul3A_347 = arith.constant 128 : i32
        %mul3A_348 = arith.muli %add3A_346, %mul3A_347 : i32
        %multiple_of3A_349 = tpu.assume_multiple %mul3A_348, 128 : i32
        %dma_start3A_350 = arith.constant 0 : i32
        %dma_start3A_351 = arith.constant 0 : i32
        %dma_start3A_352 = arith.constant 0 : i32
        %dma_start3A_353 = tpu.memref_slice %arg6[%dma_start3A_351, %dma_start3A_352] : memref<4x128xi32, #tpu.memory_space<vmem>> -> memref<1x128xi32, #tpu.memory_space<vmem>>
        %dma_start3A_354 = tpu.memref_squeeze %dma_start3A_353 : memref<1x128xi32, #tpu.memory_space<vmem>> -> memref<128xi32, #tpu.memory_space<vmem>>
        %dma_start3A_355 = tpu.memref_slice %arg2[%dma_start3A_350, %multiple_of3A_349] : memref<2x320000xi32, #tpu.memory_space<hbm>> -> memref<1x128xi32, #tpu.memory_space<hbm>>
        %dma_start3A_356 = tpu.memref_squeeze %dma_start3A_355 : memref<1x128xi32, #tpu.memory_space<hbm>> -> memref<128xi32, #tpu.memory_space<hbm>>
        %dma_start3A_357 = arith.constant 0 : i32
        %dma_start3A_358 = tpu.memref_slice %arg6[%dma_start3A_351, %dma_start3A_357] : memref<4x128xi32, #tpu.memory_space<vmem>> -> memref<1x128xi32, #tpu.memory_space<vmem>>
        %dma_start3A_359 = tpu.memref_squeeze %dma_start3A_358 : memref<1x128xi32, #tpu.memory_space<vmem>> -> memref<128xi32, #tpu.memory_space<vmem>>
        %dma_start3A_360 = tpu.memref_slice %arg2[%dma_start3A_350, %multiple_of3A_349] : memref<2x320000xi32, #tpu.memory_space<hbm>> -> memref<1x128xi32, #tpu.memory_space<hbm>>
        %dma_start3A_361 = tpu.memref_squeeze %dma_start3A_360 : memref<1x128xi32, #tpu.memory_space<hbm>> -> memref<128xi32, #tpu.memory_space<hbm>>
        tpu.enqueue_dma source(%dma_start3A_361 : memref<128xi32, #tpu.memory_space<hbm>>) target(%dma_start3A_359 : memref<128xi32, #tpu.memory_space<vmem>>) target_semaphore(%arg14 : memref<!tpu.dma_semaphore, #tpu.memory_space<semaphore_mem>>)
      } else {
      }
      %lt3A_216 = arith.constant 2500 : i32
      %lt3A_217 = arith.cmpi slt, %add3A_196, %lt3A_216 : i32
      %convert_element_type3A_218 = arith.extui %lt3A_217 : i1 to i32
      %cond3A_219 = arith.constant 0 : i32
      %cond3A_220 = arith.cmpi ne, %convert_element_type3A_218, %cond3A_219 : i32
      scf.if %cond3A_220 {
        %dma_wait3A_342 = arith.constant 0 : i32
        %dma_wait3A_343 = arith.constant 0 : i32
        %dma_wait3A_344 = arith.constant 0 : i32
        %dma_wait3A_345 = tpu.memref_slice %arg7[%dma_wait3A_343, %dma_wait3A_344] : memref<4x128xi32, #tpu.memory_space<vmem>> -> memref<1x128xi32, #tpu.memory_space<vmem>>
        %dma_wait3A_346 = tpu.memref_squeeze %dma_wait3A_345 : memref<1x128xi32, #tpu.memory_space<vmem>> -> memref<128xi32, #tpu.memory_space<vmem>>
        %dma_wait3A_347 = arith.constant 0 : i32
        %dma_wait3A_348 = tpu.memref_slice %arg2[%dma_wait3A_342, %dma_wait3A_347] : memref<2x320000xi32, #tpu.memory_space<hbm>> -> memref<1x128xi32, #tpu.memory_space<hbm>>
        %dma_wait3A_349 = tpu.memref_squeeze %dma_wait3A_348 : memref<1x128xi32, #tpu.memory_space<hbm>> -> memref<128xi32, #tpu.memory_space<hbm>>
        %dma_wait3A_350 = arith.constant 0 : i32
        %dma_wait3A_351 = tpu.memref_slice %arg7[%dma_wait3A_343, %dma_wait3A_350] : memref<4x128xi32, #tpu.memory_space<vmem>> -> memref<1x128xi32, #tpu.memory_space<vmem>>
        %dma_wait3A_352 = tpu.memref_squeeze %dma_wait3A_351 : memref<1x128xi32, #tpu.memory_space<vmem>> -> memref<128xi32, #tpu.memory_space<vmem>>
        %dma_wait3A_353 = arith.constant 0 : i32
        %dma_wait3A_354 = tpu.memref_slice %arg2[%dma_wait3A_342, %dma_wait3A_353] : memref<2x320000xi32, #tpu.memory_space<hbm>> -> memref<1x128xi32, #tpu.memory_space<hbm>>
        %dma_wait3A_355 = tpu.memref_squeeze %dma_wait3A_354 : memref<1x128xi32, #tpu.memory_space<hbm>> -> memref<128xi32, #tpu.memory_space<hbm>>
        tpu.wait_dma2 semaphore(%arg18 : memref<!tpu.dma_semaphore, #tpu.memory_space<semaphore_mem>>) src(%dma_wait3A_355 : memref<128xi32, #tpu.memory_space<hbm>>) dst(%dma_wait3A_352 : memref<128xi32, #tpu.memory_space<vmem>>)
        %dma_start3A_356 = arith.constant 0 : i32
        %dma_start3A_357 = arith.constant 0 : i32
        %dma_start3A_358 = arith.constant 0 : i32
        %dma_start3A_359 = tpu.memref_slice %arg8[%dma_start3A_357, %dma_start3A_358] : memref<256x128xf32, #tpu.memory_space<vmem>> -> memref<128x128xf32, #tpu.memory_space<vmem>>
        %dma_start3A_360 = arith.constant 0 : i32
        %dma_start3A_361 = tpu.memref_slice %arg7[%dma_start3A_356, %dma_start3A_360] : memref<4x128xi32, #tpu.memory_space<vmem>> -> memref<1x128xi32, #tpu.memory_space<vmem>>
        %dma_start3A_362 = tpu.memref_squeeze %dma_start3A_361 : memref<1x128xi32, #tpu.memory_space<vmem>> -> memref<128xi32, #tpu.memory_space<vmem>>
        %dma_start3A_363 = arith.constant 0 : i32
        %dma_start3A_364 = arith.constant 0 : i32
        %dma_start3A_365 = tpu.memref_slice %arg9[%dma_start3A_363, %dma_start3A_364] : memref<10000x128xf32, #tpu.memory_space<vmem_shared>> -> memref<10000x128xf32, #tpu.memory_space<vmem_shared>>
        tpu.enqueue_indirect_dma source(%dma_start3A_359 : memref<128x128xf32, #tpu.memory_space<vmem>>) target(%dma_start3A_365 : memref<10000x128xf32, #tpu.memory_space<vmem_shared>>) offsets(%dma_start3A_362 : memref<128xi32, #tpu.memory_space<vmem>>) semaphore(%arg12 : memref<!tpu.dma_semaphore, #tpu.memory_space<semaphore_mem>>) {add = true}
        %dma_wait3A_366 = arith.constant 0 : i32
        %dma_wait3A_367 = arith.constant 0 : i32
        %dma_wait3A_368 = tpu.memref_slice %arg8[%dma_wait3A_366, %dma_wait3A_367] : memref<256x128xf32, #tpu.memory_space<vmem>> -> memref<128x128xf32, #tpu.memory_space<vmem>>
        %dma_wait3A_369 = arith.constant 0 : i32
        %dma_wait3A_370 = arith.constant 0 : i32
        %dma_wait3A_371 = tpu.memref_slice %arg3[%dma_wait3A_369, %dma_wait3A_370] : memref<10000x128xf32, #tpu.memory_space<hbm>> -> memref<128x128xf32, #tpu.memory_space<hbm>>
        %dma_wait3A_372 = arith.constant 0 : i32
        %dma_wait3A_373 = arith.constant 0 : i32
        %dma_wait3A_374 = tpu.memref_slice %arg8[%dma_wait3A_372, %dma_wait3A_373] : memref<256x128xf32, #tpu.memory_space<vmem>> -> memref<128x128xf32, #tpu.memory_space<vmem>>
        %dma_wait3A_375 = arith.constant 0 : i32
        %dma_wait3A_376 = arith.constant 0 : i32
        %dma_wait3A_377 = tpu.memref_slice %arg3[%dma_wait3A_375, %dma_wait3A_376] : memref<10000x128xf32, #tpu.memory_space<hbm>> -> memref<128x128xf32, #tpu.memory_space<hbm>>
        tpu.wait_dma2 semaphore(%arg12 : memref<!tpu.dma_semaphore, #tpu.memory_space<semaphore_mem>>) src(%dma_wait3A_377 : memref<128x128xf32, #tpu.memory_space<hbm>>) dst(%dma_wait3A_374 : memref<128x128xf32, #tpu.memory_space<vmem>>)
      } else {
      }
      %add3A_221 = arith.constant 128 : i32
      %add3A_222 = arith.addi %add3A_196, %add3A_221 : i32
      %lt3A_223 = arith.constant 2500 : i32
      %lt3A_224 = arith.cmpi slt, %add3A_222, %lt3A_223 : i32
      %convert_element_type3A_225 = arith.extui %lt3A_224 : i1 to i32
      %cond3A_226 = arith.constant 0 : i32
      %cond3A_227 = arith.cmpi ne, %convert_element_type3A_225, %cond3A_226 : i32
      scf.if %cond3A_227 {
        %add3A_342 = arith.constant 4 : i32
        %add3A_343 = arith.addi %add3A_193, %add3A_342 : i32
        %mul3A_344 = arith.constant 32 : i32
        %mul3A_345 = arith.muli %add3A_343, %mul3A_344 : i32
        %add3A_346 = arith.addi %mul3A_345, %add3A : i32
        %mul3A_347 = arith.constant 128 : i32
        %mul3A_348 = arith.muli %add3A_346, %mul3A_347 : i32
        %multiple_of3A_349 = tpu.assume_multiple %mul3A_348, 128 : i32
        %dma_start3A_350 = arith.constant 1 : i32
        %dma_start3A_351 = arith.constant 0 : i32
        %dma_start3A_352 = arith.constant 0 : i32
        %dma_start3A_353 = tpu.memref_slice %arg7[%dma_start3A_351, %dma_start3A_352] : memref<4x128xi32, #tpu.memory_space<vmem>> -> memref<1x128xi32, #tpu.memory_space<vmem>>
        %dma_start3A_354 = tpu.memref_squeeze %dma_start3A_353 : memref<1x128xi32, #tpu.memory_space<vmem>> -> memref<128xi32, #tpu.memory_space<vmem>>
        %dma_start3A_355 = tpu.memref_slice %arg2[%dma_start3A_350, %multiple_of3A_349] : memref<2x320000xi32, #tpu.memory_space<hbm>> -> memref<1x128xi32, #tpu.memory_space<hbm>>
        %dma_start3A_356 = tpu.memref_squeeze %dma_start3A_355 : memref<1x128xi32, #tpu.memory_space<hbm>> -> memref<128xi32, #tpu.memory_space<hbm>>
        %dma_start3A_357 = arith.constant 0 : i32
        %dma_start3A_358 = tpu.memref_slice %arg7[%dma_start3A_351, %dma_start3A_357] : memref<4x128xi32, #tpu.memory_space<vmem>> -> memref<1x128xi32, #tpu.memory_space<vmem>>
        %dma_start3A_359 = tpu.memref_squeeze %dma_start3A_358 : memref<1x128xi32, #tpu.memory_space<vmem>> -> memref<128xi32, #tpu.memory_space<vmem>>
        %dma_start3A_360 = tpu.memref_slice %arg2[%dma_start3A_350, %multiple_of3A_349] : memref<2x320000xi32, #tpu.memory_space<hbm>> -> memref<1x128xi32, #tpu.memory_space<hbm>>
        %dma_start3A_361 = tpu.memref_squeeze %dma_start3A_360 : memref<1x128xi32, #tpu.memory_space<hbm>> -> memref<128xi32, #tpu.memory_space<hbm>>
        tpu.enqueue_dma source(%dma_start3A_361 : memref<128xi32, #tpu.memory_space<hbm>>) target(%dma_start3A_359 : memref<128xi32, #tpu.memory_space<vmem>>) target_semaphore(%arg18 : memref<!tpu.dma_semaphore, #tpu.memory_space<semaphore_mem>>)
      } else {
      }
      %mul3A_228 = arith.constant 4 : i32
      %mul3A_229 = arith.muli %mul3A_228, %add3A_189 : i32
      %add3A_230 = arith.constant 1 : i32
      %add3A_231 = arith.addi %mul3A_229, %add3A_230 : i32
      %mul3A_232 = arith.constant 32 : i32
      %mul3A_233 = arith.muli %add3A_231, %mul3A_232 : i32
      %add3A_234 = arith.addi %mul3A_233, %add3A : i32
      %add3A_235 = arith.constant 32 : i32
      %add3A_236 = arith.addi %add3A_234, %add3A_235 : i32
      %lt3A_237 = arith.constant 2500 : i32
      %lt3A_238 = arith.cmpi slt, %add3A_236, %lt3A_237 : i32
      %convert_element_type3A_239 = arith.extui %lt3A_238 : i1 to i32
      %cond3A_240 = arith.constant 0 : i32
      %cond3A_241 = arith.cmpi ne, %convert_element_type3A_239, %cond3A_240 : i32
      scf.if %cond3A_241 {
        %dma_wait3A_342 = arith.constant 0 : i32
        %dma_wait3A_343 = arith.constant 2 : i32
        %dma_wait3A_344 = arith.constant 0 : i32
        %dma_wait3A_345 = tpu.memref_slice %arg6[%dma_wait3A_343, %dma_wait3A_344] : memref<4x128xi32, #tpu.memory_space<vmem>> -> memref<1x128xi32, #tpu.memory_space<vmem>>
        %dma_wait3A_346 = tpu.memref_squeeze %dma_wait3A_345 : memref<1x128xi32, #tpu.memory_space<vmem>> -> memref<128xi32, #tpu.memory_space<vmem>>
        %dma_wait3A_347 = arith.constant 0 : i32
        %dma_wait3A_348 = tpu.memref_slice %arg2[%dma_wait3A_342, %dma_wait3A_347] : memref<2x320000xi32, #tpu.memory_space<hbm>> -> memref<1x128xi32, #tpu.memory_space<hbm>>
        %dma_wait3A_349 = tpu.memref_squeeze %dma_wait3A_348 : memref<1x128xi32, #tpu.memory_space<hbm>> -> memref<128xi32, #tpu.memory_space<hbm>>
        %dma_wait3A_350 = arith.constant 0 : i32
        %dma_wait3A_351 = tpu.memref_slice %arg6[%dma_wait3A_343, %dma_wait3A_350] : memref<4x128xi32, #tpu.memory_space<vmem>> -> memref<1x128xi32, #tpu.memory_space<vmem>>
        %dma_wait3A_352 = tpu.memref_squeeze %dma_wait3A_351 : memref<1x128xi32, #tpu.memory_space<vmem>> -> memref<128xi32, #tpu.memory_space<vmem>>
        %dma_wait3A_353 = arith.constant 0 : i32
        %dma_wait3A_354 = tpu.memref_slice %arg2[%dma_wait3A_342, %dma_wait3A_353] : memref<2x320000xi32, #tpu.memory_space<hbm>> -> memref<1x128xi32, #tpu.memory_space<hbm>>
        %dma_wait3A_355 = tpu.memref_squeeze %dma_wait3A_354 : memref<1x128xi32, #tpu.memory_space<hbm>> -> memref<128xi32, #tpu.memory_space<hbm>>
        tpu.wait_dma2 semaphore(%arg16 : memref<!tpu.dma_semaphore, #tpu.memory_space<semaphore_mem>>) src(%dma_wait3A_355 : memref<128xi32, #tpu.memory_space<hbm>>) dst(%dma_wait3A_352 : memref<128xi32, #tpu.memory_space<vmem>>)
        %dma_start3A_356 = arith.constant 2 : i32
        %dma_start3A_357 = arith.constant 0 : i32
        %dma_start3A_358 = arith.constant 0 : i32
        %dma_start3A_359 = tpu.memref_slice %arg8[%dma_start3A_357, %dma_start3A_358] : memref<256x128xf32, #tpu.memory_space<vmem>> -> memref<128x128xf32, #tpu.memory_space<vmem>>
        %dma_start3A_360 = arith.constant 0 : i32
        %dma_start3A_361 = tpu.memref_slice %arg6[%dma_start3A_356, %dma_start3A_360] : memref<4x128xi32, #tpu.memory_space<vmem>> -> memref<1x128xi32, #tpu.memory_space<vmem>>
        %dma_start3A_362 = tpu.memref_squeeze %dma_start3A_361 : memref<1x128xi32, #tpu.memory_space<vmem>> -> memref<128xi32, #tpu.memory_space<vmem>>
        %dma_start3A_363 = arith.constant 0 : i32
        %dma_start3A_364 = arith.constant 0 : i32
        %dma_start3A_365 = tpu.memref_slice %arg3[%dma_start3A_363, %dma_start3A_364] : memref<10000x128xf32, #tpu.memory_space<hbm>> -> memref<10000x128xf32, #tpu.memory_space<hbm>>
        tpu.enqueue_indirect_dma source(%dma_start3A_365 : memref<10000x128xf32, #tpu.memory_space<hbm>>) target(%dma_start3A_359 : memref<128x128xf32, #tpu.memory_space<vmem>>) offsets(%dma_start3A_362 : memref<128xi32, #tpu.memory_space<vmem>>) semaphore(%arg10 : memref<!tpu.dma_semaphore, #tpu.memory_space<semaphore_mem>>)
      } else {
      }
      %lt3A_242 = arith.constant 2500 : i32
      %lt3A_243 = arith.cmpi slt, %add3A_234, %lt3A_242 : i32
      %convert_element_type3A_244 = arith.extui %lt3A_243 : i1 to i32
      %cond3A_245 = arith.constant 0 : i32
      %cond3A_246 = arith.cmpi ne, %convert_element_type3A_244, %cond3A_245 : i32
      scf.if %cond3A_246 {
        %dma_wait3A_342 = arith.constant 128 : i32
        %dma_wait3A_343 = arith.constant 0 : i32
        %dma_wait3A_344 = tpu.memref_slice %arg8[%dma_wait3A_342, %dma_wait3A_343] : memref<256x128xf32, #tpu.memory_space<vmem>> -> memref<128x128xf32, #tpu.memory_space<vmem>>
        %dma_wait3A_345 = arith.constant 0 : i32
        %dma_wait3A_346 = arith.constant 0 : i32
        %dma_wait3A_347 = tpu.memref_slice %arg3[%dma_wait3A_345, %dma_wait3A_346] : memref<10000x128xf32, #tpu.memory_space<hbm>> -> memref<128x128xf32, #tpu.memory_space<hbm>>
        %dma_wait3A_348 = arith.constant 128 : i32
        %dma_wait3A_349 = arith.constant 0 : i32
        %dma_wait3A_350 = tpu.memref_slice %arg8[%dma_wait3A_348, %dma_wait3A_349] : memref<256x128xf32, #tpu.memory_space<vmem>> -> memref<128x128xf32, #tpu.memory_space<vmem>>
        %dma_wait3A_351 = arith.constant 0 : i32
        %dma_wait3A_352 = arith.constant 0 : i32
        %dma_wait3A_353 = tpu.memref_slice %arg3[%dma_wait3A_351, %dma_wait3A_352] : memref<10000x128xf32, #tpu.memory_space<hbm>> -> memref<128x128xf32, #tpu.memory_space<hbm>>
        tpu.wait_dma2 semaphore(%arg11 : memref<!tpu.dma_semaphore, #tpu.memory_space<semaphore_mem>>) src(%dma_wait3A_353 : memref<128x128xf32, #tpu.memory_space<hbm>>) dst(%dma_wait3A_350 : memref<128x128xf32, #tpu.memory_space<vmem>>)
      } else {
      }
      %add3A_247 = arith.constant 128 : i32
      %add3A_248 = arith.addi %add3A_234, %add3A_247 : i32
      %lt3A_249 = arith.constant 2500 : i32
      %lt3A_250 = arith.cmpi slt, %add3A_248, %lt3A_249 : i32
      %convert_element_type3A_251 = arith.extui %lt3A_250 : i1 to i32
      %cond3A_252 = arith.constant 0 : i32
      %cond3A_253 = arith.cmpi ne, %convert_element_type3A_251, %cond3A_252 : i32
      scf.if %cond3A_253 {
        %add3A_342 = arith.constant 4 : i32
        %add3A_343 = arith.addi %add3A_231, %add3A_342 : i32
        %mul3A_344 = arith.constant 32 : i32
        %mul3A_345 = arith.muli %add3A_343, %mul3A_344 : i32
        %add3A_346 = arith.addi %mul3A_345, %add3A : i32
        %mul3A_347 = arith.constant 128 : i32
        %mul3A_348 = arith.muli %add3A_346, %mul3A_347 : i32
        %multiple_of3A_349 = tpu.assume_multiple %mul3A_348, 128 : i32
        %dma_start3A_350 = arith.constant 0 : i32
        %dma_start3A_351 = arith.constant 1 : i32
        %dma_start3A_352 = arith.constant 0 : i32
        %dma_start3A_353 = tpu.memref_slice %arg6[%dma_start3A_351, %dma_start3A_352] : memref<4x128xi32, #tpu.memory_space<vmem>> -> memref<1x128xi32, #tpu.memory_space<vmem>>
        %dma_start3A_354 = tpu.memref_squeeze %dma_start3A_353 : memref<1x128xi32, #tpu.memory_space<vmem>> -> memref<128xi32, #tpu.memory_space<vmem>>
        %dma_start3A_355 = tpu.memref_slice %arg2[%dma_start3A_350, %multiple_of3A_349] : memref<2x320000xi32, #tpu.memory_space<hbm>> -> memref<1x128xi32, #tpu.memory_space<hbm>>
        %dma_start3A_356 = tpu.memref_squeeze %dma_start3A_355 : memref<1x128xi32, #tpu.memory_space<hbm>> -> memref<128xi32, #tpu.memory_space<hbm>>
        %dma_start3A_357 = arith.constant 0 : i32
        %dma_start3A_358 = tpu.memref_slice %arg6[%dma_start3A_351, %dma_start3A_357] : memref<4x128xi32, #tpu.memory_space<vmem>> -> memref<1x128xi32, #tpu.memory_space<vmem>>
        %dma_start3A_359 = tpu.memref_squeeze %dma_start3A_358 : memref<1x128xi32, #tpu.memory_space<vmem>> -> memref<128xi32, #tpu.memory_space<vmem>>
        %dma_start3A_360 = tpu.memref_slice %arg2[%dma_start3A_350, %multiple_of3A_349] : memref<2x320000xi32, #tpu.memory_space<hbm>> -> memref<1x128xi32, #tpu.memory_space<hbm>>
        %dma_start3A_361 = tpu.memref_squeeze %dma_start3A_360 : memref<1x128xi32, #tpu.memory_space<hbm>> -> memref<128xi32, #tpu.memory_space<hbm>>
        tpu.enqueue_dma source(%dma_start3A_361 : memref<128xi32, #tpu.memory_space<hbm>>) target(%dma_start3A_359 : memref<128xi32, #tpu.memory_space<vmem>>) target_semaphore(%arg15 : memref<!tpu.dma_semaphore, #tpu.memory_space<semaphore_mem>>)
      } else {
      }
      %lt3A_254 = arith.constant 2500 : i32
      %lt3A_255 = arith.cmpi slt, %add3A_234, %lt3A_254 : i32
      %convert_element_type3A_256 = arith.extui %lt3A_255 : i1 to i32
      %cond3A_257 = arith.constant 0 : i32
      %cond3A_258 = arith.cmpi ne, %convert_element_type3A_256, %cond3A_257 : i32
      scf.if %cond3A_258 {
        %dma_wait3A_342 = arith.constant 0 : i32
        %dma_wait3A_343 = arith.constant 1 : i32
        %dma_wait3A_344 = arith.constant 0 : i32
        %dma_wait3A_345 = tpu.memref_slice %arg7[%dma_wait3A_343, %dma_wait3A_344] : memref<4x128xi32, #tpu.memory_space<vmem>> -> memref<1x128xi32, #tpu.memory_space<vmem>>
        %dma_wait3A_346 = tpu.memref_squeeze %dma_wait3A_345 : memref<1x128xi32, #tpu.memory_space<vmem>> -> memref<128xi32, #tpu.memory_space<vmem>>
        %dma_wait3A_347 = arith.constant 0 : i32
        %dma_wait3A_348 = tpu.memref_slice %arg2[%dma_wait3A_342, %dma_wait3A_347] : memref<2x320000xi32, #tpu.memory_space<hbm>> -> memref<1x128xi32, #tpu.memory_space<hbm>>
        %dma_wait3A_349 = tpu.memref_squeeze %dma_wait3A_348 : memref<1x128xi32, #tpu.memory_space<hbm>> -> memref<128xi32, #tpu.memory_space<hbm>>
        %dma_wait3A_350 = arith.constant 0 : i32
        %dma_wait3A_351 = tpu.memref_slice %arg7[%dma_wait3A_343, %dma_wait3A_350] : memref<4x128xi32, #tpu.memory_space<vmem>> -> memref<1x128xi32, #tpu.memory_space<vmem>>
        %dma_wait3A_352 = tpu.memref_squeeze %dma_wait3A_351 : memref<1x128xi32, #tpu.memory_space<vmem>> -> memref<128xi32, #tpu.memory_space<vmem>>
        %dma_wait3A_353 = arith.constant 0 : i32
        %dma_wait3A_354 = tpu.memref_slice %arg2[%dma_wait3A_342, %dma_wait3A_353] : memref<2x320000xi32, #tpu.memory_space<hbm>> -> memref<1x128xi32, #tpu.memory_space<hbm>>
        %dma_wait3A_355 = tpu.memref_squeeze %dma_wait3A_354 : memref<1x128xi32, #tpu.memory_space<hbm>> -> memref<128xi32, #tpu.memory_space<hbm>>
        tpu.wait_dma2 semaphore(%arg19 : memref<!tpu.dma_semaphore, #tpu.memory_space<semaphore_mem>>) src(%dma_wait3A_355 : memref<128xi32, #tpu.memory_space<hbm>>) dst(%dma_wait3A_352 : memref<128xi32, #tpu.memory_space<vmem>>)
        %dma_start3A_356 = arith.constant 1 : i32
        %dma_start3A_357 = arith.constant 128 : i32
        %dma_start3A_358 = arith.constant 0 : i32
        %dma_start3A_359 = tpu.memref_slice %arg8[%dma_start3A_357, %dma_start3A_358] : memref<256x128xf32, #tpu.memory_space<vmem>> -> memref<128x128xf32, #tpu.memory_space<vmem>>
        %dma_start3A_360 = arith.constant 0 : i32
        %dma_start3A_361 = tpu.memref_slice %arg7[%dma_start3A_356, %dma_start3A_360] : memref<4x128xi32, #tpu.memory_space<vmem>> -> memref<1x128xi32, #tpu.memory_space<vmem>>
        %dma_start3A_362 = tpu.memref_squeeze %dma_start3A_361 : memref<1x128xi32, #tpu.memory_space<vmem>> -> memref<128xi32, #tpu.memory_space<vmem>>
        %dma_start3A_363 = arith.constant 0 : i32
        %dma_start3A_364 = arith.constant 0 : i32
        %dma_start3A_365 = tpu.memref_slice %arg9[%dma_start3A_363, %dma_start3A_364] : memref<10000x128xf32, #tpu.memory_space<vmem_shared>> -> memref<10000x128xf32, #tpu.memory_space<vmem_shared>>
        tpu.enqueue_indirect_dma source(%dma_start3A_359 : memref<128x128xf32, #tpu.memory_space<vmem>>) target(%dma_start3A_365 : memref<10000x128xf32, #tpu.memory_space<vmem_shared>>) offsets(%dma_start3A_362 : memref<128xi32, #tpu.memory_space<vmem>>) semaphore(%arg13 : memref<!tpu.dma_semaphore, #tpu.memory_space<semaphore_mem>>) {add = true}
        %dma_wait3A_366 = arith.constant 128 : i32
        %dma_wait3A_367 = arith.constant 0 : i32
        %dma_wait3A_368 = tpu.memref_slice %arg8[%dma_wait3A_366, %dma_wait3A_367] : memref<256x128xf32, #tpu.memory_space<vmem>> -> memref<128x128xf32, #tpu.memory_space<vmem>>
        %dma_wait3A_369 = arith.constant 0 : i32
        %dma_wait3A_370 = arith.constant 0 : i32
        %dma_wait3A_371 = tpu.memref_slice %arg3[%dma_wait3A_369, %dma_wait3A_370] : memref<10000x128xf32, #tpu.memory_space<hbm>> -> memref<128x128xf32, #tpu.memory_space<hbm>>
        %dma_wait3A_372 = arith.constant 128 : i32
        %dma_wait3A_373 = arith.constant 0 : i32
        %dma_wait3A_374 = tpu.memref_slice %arg8[%dma_wait3A_372, %dma_wait3A_373] : memref<256x128xf32, #tpu.memory_space<vmem>> -> memref<128x128xf32, #tpu.memory_space<vmem>>
        %dma_wait3A_375 = arith.constant 0 : i32
        %dma_wait3A_376 = arith.constant 0 : i32
        %dma_wait3A_377 = tpu.memref_slice %arg3[%dma_wait3A_375, %dma_wait3A_376] : memref<10000x128xf32, #tpu.memory_space<hbm>> -> memref<128x128xf32, #tpu.memory_space<hbm>>
        tpu.wait_dma2 semaphore(%arg13 : memref<!tpu.dma_semaphore, #tpu.memory_space<semaphore_mem>>) src(%dma_wait3A_377 : memref<128x128xf32, #tpu.memory_space<hbm>>) dst(%dma_wait3A_374 : memref<128x128xf32, #tpu.memory_space<vmem>>)
      } else {
      }
      %add3A_259 = arith.constant 128 : i32
      %add3A_260 = arith.addi %add3A_234, %add3A_259 : i32
      %lt3A_261 = arith.constant 2500 : i32
      %lt3A_262 = arith.cmpi slt, %add3A_260, %lt3A_261 : i32
      %convert_element_type3A_263 = arith.extui %lt3A_262 : i1 to i32
      %cond3A_264 = arith.constant 0 : i32
      %cond3A_265 = arith.cmpi ne, %convert_element_type3A_263, %cond3A_264 : i32
      scf.if %cond3A_265 {
        %add3A_342 = arith.constant 4 : i32
        %add3A_343 = arith.addi %add3A_231, %add3A_342 : i32
        %mul3A_344 = arith.constant 32 : i32
        %mul3A_345 = arith.muli %add3A_343, %mul3A_344 : i32
        %add3A_346 = arith.addi %mul3A_345, %add3A : i32
        %mul3A_347 = arith.constant 128 : i32
        %mul3A_348 = arith.muli %add3A_346, %mul3A_347 : i32
        %multiple_of3A_349 = tpu.assume_multiple %mul3A_348, 128 : i32
        %dma_start3A_350 = arith.constant 1 : i32
        %dma_start3A_351 = arith.constant 1 : i32
        %dma_start3A_352 = arith.constant 0 : i32
        %dma_start3A_353 = tpu.memref_slice %arg7[%dma_start3A_351, %dma_start3A_352] : memref<4x128xi32, #tpu.memory_space<vmem>> -> memref<1x128xi32, #tpu.memory_space<vmem>>
        %dma_start3A_354 = tpu.memref_squeeze %dma_start3A_353 : memref<1x128xi32, #tpu.memory_space<vmem>> -> memref<128xi32, #tpu.memory_space<vmem>>
        %dma_start3A_355 = tpu.memref_slice %arg2[%dma_start3A_350, %multiple_of3A_349] : memref<2x320000xi32, #tpu.memory_space<hbm>> -> memref<1x128xi32, #tpu.memory_space<hbm>>
        %dma_start3A_356 = tpu.memref_squeeze %dma_start3A_355 : memref<1x128xi32, #tpu.memory_space<hbm>> -> memref<128xi32, #tpu.memory_space<hbm>>
        %dma_start3A_357 = arith.constant 0 : i32
        %dma_start3A_358 = tpu.memref_slice %arg7[%dma_start3A_351, %dma_start3A_357] : memref<4x128xi32, #tpu.memory_space<vmem>> -> memref<1x128xi32, #tpu.memory_space<vmem>>
        %dma_start3A_359 = tpu.memref_squeeze %dma_start3A_358 : memref<1x128xi32, #tpu.memory_space<vmem>> -> memref<128xi32, #tpu.memory_space<vmem>>
        %dma_start3A_360 = tpu.memref_slice %arg2[%dma_start3A_350, %multiple_of3A_349] : memref<2x320000xi32, #tpu.memory_space<hbm>> -> memref<1x128xi32, #tpu.memory_space<hbm>>
        %dma_start3A_361 = tpu.memref_squeeze %dma_start3A_360 : memref<1x128xi32, #tpu.memory_space<hbm>> -> memref<128xi32, #tpu.memory_space<hbm>>
        tpu.enqueue_dma source(%dma_start3A_361 : memref<128xi32, #tpu.memory_space<hbm>>) target(%dma_start3A_359 : memref<128xi32, #tpu.memory_space<vmem>>) target_semaphore(%arg19 : memref<!tpu.dma_semaphore, #tpu.memory_space<semaphore_mem>>)
      } else {
      }
      %mul3A_266 = arith.constant 4 : i32
      %mul3A_267 = arith.muli %mul3A_266, %add3A_189 : i32
      %add3A_268 = arith.constant 2 : i32
      %add3A_269 = arith.addi %mul3A_267, %add3A_268 : i32
      %mul3A_270 = arith.constant 32 : i32
      %mul3A_271 = arith.muli %add3A_269, %mul3A_270 : i32
      %add3A_272 = arith.addi %mul3A_271, %add3A : i32
      %add3A_273 = arith.constant 32 : i32
      %add3A_274 = arith.addi %add3A_272, %add3A_273 : i32
      %lt3A_275 = arith.constant 2500 : i32
      %lt3A_276 = arith.cmpi slt, %add3A_274, %lt3A_275 : i32
      %convert_element_type3A_277 = arith.extui %lt3A_276 : i1 to i32
      %cond3A_278 = arith.constant 0 : i32
      %cond3A_279 = arith.cmpi ne, %convert_element_type3A_277, %cond3A_278 : i32
      scf.if %cond3A_279 {
        %dma_wait3A_342 = arith.constant 0 : i32
        %dma_wait3A_343 = arith.constant 3 : i32
        %dma_wait3A_344 = arith.constant 0 : i32
        %dma_wait3A_345 = tpu.memref_slice %arg6[%dma_wait3A_343, %dma_wait3A_344] : memref<4x128xi32, #tpu.memory_space<vmem>> -> memref<1x128xi32, #tpu.memory_space<vmem>>
        %dma_wait3A_346 = tpu.memref_squeeze %dma_wait3A_345 : memref<1x128xi32, #tpu.memory_space<vmem>> -> memref<128xi32, #tpu.memory_space<vmem>>
        %dma_wait3A_347 = arith.constant 0 : i32
        %dma_wait3A_348 = tpu.memref_slice %arg2[%dma_wait3A_342, %dma_wait3A_347] : memref<2x320000xi32, #tpu.memory_space<hbm>> -> memref<1x128xi32, #tpu.memory_space<hbm>>
        %dma_wait3A_349 = tpu.memref_squeeze %dma_wait3A_348 : memref<1x128xi32, #tpu.memory_space<hbm>> -> memref<128xi32, #tpu.memory_space<hbm>>
        %dma_wait3A_350 = arith.constant 0 : i32
        %dma_wait3A_351 = tpu.memref_slice %arg6[%dma_wait3A_343, %dma_wait3A_350] : memref<4x128xi32, #tpu.memory_space<vmem>> -> memref<1x128xi32, #tpu.memory_space<vmem>>
        %dma_wait3A_352 = tpu.memref_squeeze %dma_wait3A_351 : memref<1x128xi32, #tpu.memory_space<vmem>> -> memref<128xi32, #tpu.memory_space<vmem>>
        %dma_wait3A_353 = arith.constant 0 : i32
        %dma_wait3A_354 = tpu.memref_slice %arg2[%dma_wait3A_342, %dma_wait3A_353] : memref<2x320000xi32, #tpu.memory_space<hbm>> -> memref<1x128xi32, #tpu.memory_space<hbm>>
        %dma_wait3A_355 = tpu.memref_squeeze %dma_wait3A_354 : memref<1x128xi32, #tpu.memory_space<hbm>> -> memref<128xi32, #tpu.memory_space<hbm>>
        tpu.wait_dma2 semaphore(%arg17 : memref<!tpu.dma_semaphore, #tpu.memory_space<semaphore_mem>>) src(%dma_wait3A_355 : memref<128xi32, #tpu.memory_space<hbm>>) dst(%dma_wait3A_352 : memref<128xi32, #tpu.memory_space<vmem>>)
        %dma_start3A_356 = arith.constant 3 : i32
        %dma_start3A_357 = arith.constant 128 : i32
        %dma_start3A_358 = arith.constant 0 : i32
        %dma_start3A_359 = tpu.memref_slice %arg8[%dma_start3A_357, %dma_start3A_358] : memref<256x128xf32, #tpu.memory_space<vmem>> -> memref<128x128xf32, #tpu.memory_space<vmem>>
        %dma_start3A_360 = arith.constant 0 : i32
        %dma_start3A_361 = tpu.memref_slice %arg6[%dma_start3A_356, %dma_start3A_360] : memref<4x128xi32, #tpu.memory_space<vmem>> -> memref<1x128xi32, #tpu.memory_space<vmem>>
        %dma_start3A_362 = tpu.memref_squeeze %dma_start3A_361 : memref<1x128xi32, #tpu.memory_space<vmem>> -> memref<128xi32, #tpu.memory_space<vmem>>
        %dma_start3A_363 = arith.constant 0 : i32
        %dma_start3A_364 = arith.constant 0 : i32
        %dma_start3A_365 = tpu.memref_slice %arg3[%dma_start3A_363, %dma_start3A_364] : memref<10000x128xf32, #tpu.memory_space<hbm>> -> memref<10000x128xf32, #tpu.memory_space<hbm>>
        tpu.enqueue_indirect_dma source(%dma_start3A_365 : memref<10000x128xf32, #tpu.memory_space<hbm>>) target(%dma_start3A_359 : memref<128x128xf32, #tpu.memory_space<vmem>>) offsets(%dma_start3A_362 : memref<128xi32, #tpu.memory_space<vmem>>) semaphore(%arg11 : memref<!tpu.dma_semaphore, #tpu.memory_space<semaphore_mem>>)
      } else {
      }
      %lt3A_280 = arith.constant 2500 : i32
      %lt3A_281 = arith.cmpi slt, %add3A_272, %lt3A_280 : i32
      %convert_element_type3A_282 = arith.extui %lt3A_281 : i1 to i32
      %cond3A_283 = arith.constant 0 : i32
      %cond3A_284 = arith.cmpi ne, %convert_element_type3A_282, %cond3A_283 : i32
      scf.if %cond3A_284 {
        %dma_wait3A_342 = arith.constant 0 : i32
        %dma_wait3A_343 = arith.constant 0 : i32
        %dma_wait3A_344 = tpu.memref_slice %arg8[%dma_wait3A_342, %dma_wait3A_343] : memref<256x128xf32, #tpu.memory_space<vmem>> -> memref<128x128xf32, #tpu.memory_space<vmem>>
        %dma_wait3A_345 = arith.constant 0 : i32
        %dma_wait3A_346 = arith.constant 0 : i32
        %dma_wait3A_347 = tpu.memref_slice %arg3[%dma_wait3A_345, %dma_wait3A_346] : memref<10000x128xf32, #tpu.memory_space<hbm>> -> memref<128x128xf32, #tpu.memory_space<hbm>>
        %dma_wait3A_348 = arith.constant 0 : i32
        %dma_wait3A_349 = arith.constant 0 : i32
        %dma_wait3A_350 = tpu.memref_slice %arg8[%dma_wait3A_348, %dma_wait3A_349] : memref<256x128xf32, #tpu.memory_space<vmem>> -> memref<128x128xf32, #tpu.memory_space<vmem>>
        %dma_wait3A_351 = arith.constant 0 : i32
        %dma_wait3A_352 = arith.constant 0 : i32
        %dma_wait3A_353 = tpu.memref_slice %arg3[%dma_wait3A_351, %dma_wait3A_352] : memref<10000x128xf32, #tpu.memory_space<hbm>> -> memref<128x128xf32, #tpu.memory_space<hbm>>
        tpu.wait_dma2 semaphore(%arg10 : memref<!tpu.dma_semaphore, #tpu.memory_space<semaphore_mem>>) src(%dma_wait3A_353 : memref<128x128xf32, #tpu.memory_space<hbm>>) dst(%dma_wait3A_350 : memref<128x128xf32, #tpu.memory_space<vmem>>)
      } else {
      }
      %add3A_285 = arith.constant 128 : i32
      %add3A_286 = arith.addi %add3A_272, %add3A_285 : i32
      %lt3A_287 = arith.constant 2500 : i32
      %lt3A_288 = arith.cmpi slt, %add3A_286, %lt3A_287 : i32
      %convert_element_type3A_289 = arith.extui %lt3A_288 : i1 to i32
      %cond3A_290 = arith.constant 0 : i32
      %cond3A_291 = arith.cmpi ne, %convert_element_type3A_289, %cond3A_290 : i32
      scf.if %cond3A_291 {
        %add3A_342 = arith.constant 4 : i32
        %add3A_343 = arith.addi %add3A_269, %add3A_342 : i32
        %mul3A_344 = arith.constant 32 : i32
        %mul3A_345 = arith.muli %add3A_343, %mul3A_344 : i32
        %add3A_346 = arith.addi %mul3A_345, %add3A : i32
        %mul3A_347 = arith.constant 128 : i32
        %mul3A_348 = arith.muli %add3A_346, %mul3A_347 : i32
        %multiple_of3A_349 = tpu.assume_multiple %mul3A_348, 128 : i32
        %dma_start3A_350 = arith.constant 0 : i32
        %dma_start3A_351 = arith.constant 2 : i32
        %dma_start3A_352 = arith.constant 0 : i32
        %dma_start3A_353 = tpu.memref_slice %arg6[%dma_start3A_351, %dma_start3A_352] : memref<4x128xi32, #tpu.memory_space<vmem>> -> memref<1x128xi32, #tpu.memory_space<vmem>>
        %dma_start3A_354 = tpu.memref_squeeze %dma_start3A_353 : memref<1x128xi32, #tpu.memory_space<vmem>> -> memref<128xi32, #tpu.memory_space<vmem>>
        %dma_start3A_355 = tpu.memref_slice %arg2[%dma_start3A_350, %multiple_of3A_349] : memref<2x320000xi32, #tpu.memory_space<hbm>> -> memref<1x128xi32, #tpu.memory_space<hbm>>
        %dma_start3A_356 = tpu.memref_squeeze %dma_start3A_355 : memref<1x128xi32, #tpu.memory_space<hbm>> -> memref<128xi32, #tpu.memory_space<hbm>>
        %dma_start3A_357 = arith.constant 0 : i32
        %dma_start3A_358 = tpu.memref_slice %arg6[%dma_start3A_351, %dma_start3A_357] : memref<4x128xi32, #tpu.memory_space<vmem>> -> memref<1x128xi32, #tpu.memory_space<vmem>>
        %dma_start3A_359 = tpu.memref_squeeze %dma_start3A_358 : memref<1x128xi32, #tpu.memory_space<vmem>> -> memref<128xi32, #tpu.memory_space<vmem>>
        %dma_start3A_360 = tpu.memref_slice %arg2[%dma_start3A_350, %multiple_of3A_349] : memref<2x320000xi32, #tpu.memory_space<hbm>> -> memref<1x128xi32, #tpu.memory_space<hbm>>
        %dma_start3A_361 = tpu.memref_squeeze %dma_start3A_360 : memref<1x128xi32, #tpu.memory_space<hbm>> -> memref<128xi32, #tpu.memory_space<hbm>>
        tpu.enqueue_dma source(%dma_start3A_361 : memref<128xi32, #tpu.memory_space<hbm>>) target(%dma_start3A_359 : memref<128xi32, #tpu.memory_space<vmem>>) target_semaphore(%arg16 : memref<!tpu.dma_semaphore, #tpu.memory_space<semaphore_mem>>)
      } else {
      }
      %lt3A_292 = arith.constant 2500 : i32
      %lt3A_293 = arith.cmpi slt, %add3A_272, %lt3A_292 : i32
      %convert_element_type3A_294 = arith.extui %lt3A_293 : i1 to i32
      %cond3A_295 = arith.constant 0 : i32
      %cond3A_296 = arith.cmpi ne, %convert_element_type3A_294, %cond3A_295 : i32
      scf.if %cond3A_296 {
        %dma_wait3A_342 = arith.constant 0 : i32
        %dma_wait3A_343 = arith.constant 2 : i32
        %dma_wait3A_344 = arith.constant 0 : i32
        %dma_wait3A_345 = tpu.memref_slice %arg7[%dma_wait3A_343, %dma_wait3A_344] : memref<4x128xi32, #tpu.memory_space<vmem>> -> memref<1x128xi32, #tpu.memory_space<vmem>>
        %dma_wait3A_346 = tpu.memref_squeeze %dma_wait3A_345 : memref<1x128xi32, #tpu.memory_space<vmem>> -> memref<128xi32, #tpu.memory_space<vmem>>
        %dma_wait3A_347 = arith.constant 0 : i32
        %dma_wait3A_348 = tpu.memref_slice %arg2[%dma_wait3A_342, %dma_wait3A_347] : memref<2x320000xi32, #tpu.memory_space<hbm>> -> memref<1x128xi32, #tpu.memory_space<hbm>>
        %dma_wait3A_349 = tpu.memref_squeeze %dma_wait3A_348 : memref<1x128xi32, #tpu.memory_space<hbm>> -> memref<128xi32, #tpu.memory_space<hbm>>
        %dma_wait3A_350 = arith.constant 0 : i32
        %dma_wait3A_351 = tpu.memref_slice %arg7[%dma_wait3A_343, %dma_wait3A_350] : memref<4x128xi32, #tpu.memory_space<vmem>> -> memref<1x128xi32, #tpu.memory_space<vmem>>
        %dma_wait3A_352 = tpu.memref_squeeze %dma_wait3A_351 : memref<1x128xi32, #tpu.memory_space<vmem>> -> memref<128xi32, #tpu.memory_space<vmem>>
        %dma_wait3A_353 = arith.constant 0 : i32
        %dma_wait3A_354 = tpu.memref_slice %arg2[%dma_wait3A_342, %dma_wait3A_353] : memref<2x320000xi32, #tpu.memory_space<hbm>> -> memref<1x128xi32, #tpu.memory_space<hbm>>
        %dma_wait3A_355 = tpu.memref_squeeze %dma_wait3A_354 : memref<1x128xi32, #tpu.memory_space<hbm>> -> memref<128xi32, #tpu.memory_space<hbm>>
        tpu.wait_dma2 semaphore(%arg20 : memref<!tpu.dma_semaphore, #tpu.memory_space<semaphore_mem>>) src(%dma_wait3A_355 : memref<128xi32, #tpu.memory_space<hbm>>) dst(%dma_wait3A_352 : memref<128xi32, #tpu.memory_space<vmem>>)
        %dma_start3A_356 = arith.constant 2 : i32
        %dma_start3A_357 = arith.constant 0 : i32
        %dma_start3A_358 = arith.constant 0 : i32
        %dma_start3A_359 = tpu.memref_slice %arg8[%dma_start3A_357, %dma_start3A_358] : memref<256x128xf32, #tpu.memory_space<vmem>> -> memref<128x128xf32, #tpu.memory_space<vmem>>
        %dma_start3A_360 = arith.constant 0 : i32
        %dma_start3A_361 = tpu.memref_slice %arg7[%dma_start3A_356, %dma_start3A_360] : memref<4x128xi32, #tpu.memory_space<vmem>> -> memref<1x128xi32, #tpu.memory_space<vmem>>
        %dma_start3A_362 = tpu.memref_squeeze %dma_start3A_361 : memref<1x128xi32, #tpu.memory_space<vmem>> -> memref<128xi32, #tpu.memory_space<vmem>>
        %dma_start3A_363 = arith.constant 0 : i32
        %dma_start3A_364 = arith.constant 0 : i32
        %dma_start3A_365 = tpu.memref_slice %arg9[%dma_start3A_363, %dma_start3A_364] : memref<10000x128xf32, #tpu.memory_space<vmem_shared>> -> memref<10000x128xf32, #tpu.memory_space<vmem_shared>>
        tpu.enqueue_indirect_dma source(%dma_start3A_359 : memref<128x128xf32, #tpu.memory_space<vmem>>) target(%dma_start3A_365 : memref<10000x128xf32, #tpu.memory_space<vmem_shared>>) offsets(%dma_start3A_362 : memref<128xi32, #tpu.memory_space<vmem>>) semaphore(%arg12 : memref<!tpu.dma_semaphore, #tpu.memory_space<semaphore_mem>>) {add = true}
        %dma_wait3A_366 = arith.constant 0 : i32
        %dma_wait3A_367 = arith.constant 0 : i32
        %dma_wait3A_368 = tpu.memref_slice %arg8[%dma_wait3A_366, %dma_wait3A_367] : memref<256x128xf32, #tpu.memory_space<vmem>> -> memref<128x128xf32, #tpu.memory_space<vmem>>
        %dma_wait3A_369 = arith.constant 0 : i32
        %dma_wait3A_370 = arith.constant 0 : i32
        %dma_wait3A_371 = tpu.memref_slice %arg3[%dma_wait3A_369, %dma_wait3A_370] : memref<10000x128xf32, #tpu.memory_space<hbm>> -> memref<128x128xf32, #tpu.memory_space<hbm>>
        %dma_wait3A_372 = arith.constant 0 : i32
        %dma_wait3A_373 = arith.constant 0 : i32
        %dma_wait3A_374 = tpu.memref_slice %arg8[%dma_wait3A_372, %dma_wait3A_373] : memref<256x128xf32, #tpu.memory_space<vmem>> -> memref<128x128xf32, #tpu.memory_space<vmem>>
        %dma_wait3A_375 = arith.constant 0 : i32
        %dma_wait3A_376 = arith.constant 0 : i32
        %dma_wait3A_377 = tpu.memref_slice %arg3[%dma_wait3A_375, %dma_wait3A_376] : memref<10000x128xf32, #tpu.memory_space<hbm>> -> memref<128x128xf32, #tpu.memory_space<hbm>>
        tpu.wait_dma2 semaphore(%arg12 : memref<!tpu.dma_semaphore, #tpu.memory_space<semaphore_mem>>) src(%dma_wait3A_377 : memref<128x128xf32, #tpu.memory_space<hbm>>) dst(%dma_wait3A_374 : memref<128x128xf32, #tpu.memory_space<vmem>>)
      } else {
      }
      %add3A_297 = arith.constant 128 : i32
      %add3A_298 = arith.addi %add3A_272, %add3A_297 : i32
      %lt3A_299 = arith.constant 2500 : i32
      %lt3A_300 = arith.cmpi slt, %add3A_298, %lt3A_299 : i32
      %convert_element_type3A_301 = arith.extui %lt3A_300 : i1 to i32
      %cond3A_302 = arith.constant 0 : i32
      %cond3A_303 = arith.cmpi ne, %convert_element_type3A_301, %cond3A_302 : i32
      scf.if %cond3A_303 {
        %add3A_342 = arith.constant 4 : i32
        %add3A_343 = arith.addi %add3A_269, %add3A_342 : i32
        %mul3A_344 = arith.constant 32 : i32
        %mul3A_345 = arith.muli %add3A_343, %mul3A_344 : i32
        %add3A_346 = arith.addi %mul3A_345, %add3A : i32
        %mul3A_347 = arith.constant 128 : i32
        %mul3A_348 = arith.muli %add3A_346, %mul3A_347 : i32
        %multiple_of3A_349 = tpu.assume_multiple %mul3A_348, 128 : i32
        %dma_start3A_350 = arith.constant 1 : i32
        %dma_start3A_351 = arith.constant 2 : i32
        %dma_start3A_352 = arith.constant 0 : i32
        %dma_start3A_353 = tpu.memref_slice %arg7[%dma_start3A_351, %dma_start3A_352] : memref<4x128xi32, #tpu.memory_space<vmem>> -> memref<1x128xi32, #tpu.memory_space<vmem>>
        %dma_start3A_354 = tpu.memref_squeeze %dma_start3A_353 : memref<1x128xi32, #tpu.memory_space<vmem>> -> memref<128xi32, #tpu.memory_space<vmem>>
        %dma_start3A_355 = tpu.memref_slice %arg2[%dma_start3A_350, %multiple_of3A_349] : memref<2x320000xi32, #tpu.memory_space<hbm>> -> memref<1x128xi32, #tpu.memory_space<hbm>>
        %dma_start3A_356 = tpu.memref_squeeze %dma_start3A_355 : memref<1x128xi32, #tpu.memory_space<hbm>> -> memref<128xi32, #tpu.memory_space<hbm>>
        %dma_start3A_357 = arith.constant 0 : i32
        %dma_start3A_358 = tpu.memref_slice %arg7[%dma_start3A_351, %dma_start3A_357] : memref<4x128xi32, #tpu.memory_space<vmem>> -> memref<1x128xi32, #tpu.memory_space<vmem>>
        %dma_start3A_359 = tpu.memref_squeeze %dma_start3A_358 : memref<1x128xi32, #tpu.memory_space<vmem>> -> memref<128xi32, #tpu.memory_space<vmem>>
        %dma_start3A_360 = tpu.memref_slice %arg2[%dma_start3A_350, %multiple_of3A_349] : memref<2x320000xi32, #tpu.memory_space<hbm>> -> memref<1x128xi32, #tpu.memory_space<hbm>>
        %dma_start3A_361 = tpu.memref_squeeze %dma_start3A_360 : memref<1x128xi32, #tpu.memory_space<hbm>> -> memref<128xi32, #tpu.memory_space<hbm>>
        tpu.enqueue_dma source(%dma_start3A_361 : memref<128xi32, #tpu.memory_space<hbm>>) target(%dma_start3A_359 : memref<128xi32, #tpu.memory_space<vmem>>) target_semaphore(%arg20 : memref<!tpu.dma_semaphore, #tpu.memory_space<semaphore_mem>>)
      } else {
      }
      %mul3A_304 = arith.constant 4 : i32
      %mul3A_305 = arith.muli %mul3A_304, %add3A_189 : i32
      %add3A_306 = arith.constant 3 : i32
      %add3A_307 = arith.addi %mul3A_305, %add3A_306 : i32
      %mul3A_308 = arith.constant 32 : i32
      %mul3A_309 = arith.muli %add3A_307, %mul3A_308 : i32
      %add3A_310 = arith.addi %mul3A_309, %add3A : i32
      %add3A_311 = arith.constant 32 : i32
      %add3A_312 = arith.addi %add3A_310, %add3A_311 : i32
      %lt3A_313 = arith.constant 2500 : i32
      %lt3A_314 = arith.cmpi slt, %add3A_312, %lt3A_313 : i32
      %convert_element_type3A_315 = arith.extui %lt3A_314 : i1 to i32
      %cond3A_316 = arith.constant 0 : i32
      %cond3A_317 = arith.cmpi ne, %convert_element_type3A_315, %cond3A_316 : i32
      scf.if %cond3A_317 {
        %dma_wait3A_342 = arith.constant 0 : i32
        %dma_wait3A_343 = arith.constant 0 : i32
        %dma_wait3A_344 = arith.constant 0 : i32
        %dma_wait3A_345 = tpu.memref_slice %arg6[%dma_wait3A_343, %dma_wait3A_344] : memref<4x128xi32, #tpu.memory_space<vmem>> -> memref<1x128xi32, #tpu.memory_space<vmem>>
        %dma_wait3A_346 = tpu.memref_squeeze %dma_wait3A_345 : memref<1x128xi32, #tpu.memory_space<vmem>> -> memref<128xi32, #tpu.memory_space<vmem>>
        %dma_wait3A_347 = arith.constant 0 : i32
        %dma_wait3A_348 = tpu.memref_slice %arg2[%dma_wait3A_342, %dma_wait3A_347] : memref<2x320000xi32, #tpu.memory_space<hbm>> -> memref<1x128xi32, #tpu.memory_space<hbm>>
        %dma_wait3A_349 = tpu.memref_squeeze %dma_wait3A_348 : memref<1x128xi32, #tpu.memory_space<hbm>> -> memref<128xi32, #tpu.memory_space<hbm>>
        %dma_wait3A_350 = arith.constant 0 : i32
        %dma_wait3A_351 = tpu.memref_slice %arg6[%dma_wait3A_343, %dma_wait3A_350] : memref<4x128xi32, #tpu.memory_space<vmem>> -> memref<1x128xi32, #tpu.memory_space<vmem>>
        %dma_wait3A_352 = tpu.memref_squeeze %dma_wait3A_351 : memref<1x128xi32, #tpu.memory_space<vmem>> -> memref<128xi32, #tpu.memory_space<vmem>>
        %dma_wait3A_353 = arith.constant 0 : i32
        %dma_wait3A_354 = tpu.memref_slice %arg2[%dma_wait3A_342, %dma_wait3A_353] : memref<2x320000xi32, #tpu.memory_space<hbm>> -> memref<1x128xi32, #tpu.memory_space<hbm>>
        %dma_wait3A_355 = tpu.memref_squeeze %dma_wait3A_354 : memref<1x128xi32, #tpu.memory_space<hbm>> -> memref<128xi32, #tpu.memory_space<hbm>>
        tpu.wait_dma2 semaphore(%arg14 : memref<!tpu.dma_semaphore, #tpu.memory_space<semaphore_mem>>) src(%dma_wait3A_355 : memref<128xi32, #tpu.memory_space<hbm>>) dst(%dma_wait3A_352 : memref<128xi32, #tpu.memory_space<vmem>>)
        %dma_start3A_356 = arith.constant 0 : i32
        %dma_start3A_357 = arith.constant 0 : i32
        %dma_start3A_358 = arith.constant 0 : i32
        %dma_start3A_359 = tpu.memref_slice %arg8[%dma_start3A_357, %dma_start3A_358] : memref<256x128xf32, #tpu.memory_space<vmem>> -> memref<128x128xf32, #tpu.memory_space<vmem>>
        %dma_start3A_360 = arith.constant 0 : i32
        %dma_start3A_361 = tpu.memref_slice %arg6[%dma_start3A_356, %dma_start3A_360] : memref<4x128xi32, #tpu.memory_space<vmem>> -> memref<1x128xi32, #tpu.memory_space<vmem>>
        %dma_start3A_362 = tpu.memref_squeeze %dma_start3A_361 : memref<1x128xi32, #tpu.memory_space<vmem>> -> memref<128xi32, #tpu.memory_space<vmem>>
        %dma_start3A_363 = arith.constant 0 : i32
        %dma_start3A_364 = arith.constant 0 : i32
        %dma_start3A_365 = tpu.memref_slice %arg3[%dma_start3A_363, %dma_start3A_364] : memref<10000x128xf32, #tpu.memory_space<hbm>> -> memref<10000x128xf32, #tpu.memory_space<hbm>>
        tpu.enqueue_indirect_dma source(%dma_start3A_365 : memref<10000x128xf32, #tpu.memory_space<hbm>>) target(%dma_start3A_359 : memref<128x128xf32, #tpu.memory_space<vmem>>) offsets(%dma_start3A_362 : memref<128xi32, #tpu.memory_space<vmem>>) semaphore(%arg10 : memref<!tpu.dma_semaphore, #tpu.memory_space<semaphore_mem>>)
      } else {
      }
      %lt3A_318 = arith.constant 2500 : i32
      %lt3A_319 = arith.cmpi slt, %add3A_310, %lt3A_318 : i32
      %convert_element_type3A_320 = arith.extui %lt3A_319 : i1 to i32
      %cond3A_321 = arith.constant 0 : i32
      %cond3A_322 = arith.cmpi ne, %convert_element_type3A_320, %cond3A_321 : i32
      scf.if %cond3A_322 {
        %dma_wait3A_342 = arith.constant 128 : i32
        %dma_wait3A_343 = arith.constant 0 : i32
        %dma_wait3A_344 = tpu.memref_slice %arg8[%dma_wait3A_342, %dma_wait3A_343] : memref<256x128xf32, #tpu.memory_space<vmem>> -> memref<128x128xf32, #tpu.memory_space<vmem>>
        %dma_wait3A_345 = arith.constant 0 : i32
        %dma_wait3A_346 = arith.constant 0 : i32
        %dma_wait3A_347 = tpu.memref_slice %arg3[%dma_wait3A_345, %dma_wait3A_346] : memref<10000x128xf32, #tpu.memory_space<hbm>> -> memref<128x128xf32, #tpu.memory_space<hbm>>
        %dma_wait3A_348 = arith.constant 128 : i32
        %dma_wait3A_349 = arith.constant 0 : i32
        %dma_wait3A_350 = tpu.memref_slice %arg8[%dma_wait3A_348, %dma_wait3A_349] : memref<256x128xf32, #tpu.memory_space<vmem>> -> memref<128x128xf32, #tpu.memory_space<vmem>>
        %dma_wait3A_351 = arith.constant 0 : i32
        %dma_wait3A_352 = arith.constant 0 : i32
        %dma_wait3A_353 = tpu.memref_slice %arg3[%dma_wait3A_351, %dma_wait3A_352] : memref<10000x128xf32, #tpu.memory_space<hbm>> -> memref<128x128xf32, #tpu.memory_space<hbm>>
        tpu.wait_dma2 semaphore(%arg11 : memref<!tpu.dma_semaphore, #tpu.memory_space<semaphore_mem>>) src(%dma_wait3A_353 : memref<128x128xf32, #tpu.memory_space<hbm>>) dst(%dma_wait3A_350 : memref<128x128xf32, #tpu.memory_space<vmem>>)
      } else {
      }
      %add3A_323 = arith.constant 128 : i32
      %add3A_324 = arith.addi %add3A_310, %add3A_323 : i32
      %lt3A_325 = arith.constant 2500 : i32
      %lt3A_326 = arith.cmpi slt, %add3A_324, %lt3A_325 : i32
      %convert_element_type3A_327 = arith.extui %lt3A_326 : i1 to i32
      %cond3A_328 = arith.constant 0 : i32
      %cond3A_329 = arith.cmpi ne, %convert_element_type3A_327, %cond3A_328 : i32
      scf.if %cond3A_329 {
        %add3A_342 = arith.constant 4 : i32
        %add3A_343 = arith.addi %add3A_307, %add3A_342 : i32
        %mul3A_344 = arith.constant 32 : i32
        %mul3A_345 = arith.muli %add3A_343, %mul3A_344 : i32
        %add3A_346 = arith.addi %mul3A_345, %add3A : i32
        %mul3A_347 = arith.constant 128 : i32
        %mul3A_348 = arith.muli %add3A_346, %mul3A_347 : i32
        %multiple_of3A_349 = tpu.assume_multiple %mul3A_348, 128 : i32
        %dma_start3A_350 = arith.constant 0 : i32
        %dma_start3A_351 = arith.constant 3 : i32
        %dma_start3A_352 = arith.constant 0 : i32
        %dma_start3A_353 = tpu.memref_slice %arg6[%dma_start3A_351, %dma_start3A_352] : memref<4x128xi32, #tpu.memory_space<vmem>> -> memref<1x128xi32, #tpu.memory_space<vmem>>
        %dma_start3A_354 = tpu.memref_squeeze %dma_start3A_353 : memref<1x128xi32, #tpu.memory_space<vmem>> -> memref<128xi32, #tpu.memory_space<vmem>>
        %dma_start3A_355 = tpu.memref_slice %arg2[%dma_start3A_350, %multiple_of3A_349] : memref<2x320000xi32, #tpu.memory_space<hbm>> -> memref<1x128xi32, #tpu.memory_space<hbm>>
        %dma_start3A_356 = tpu.memref_squeeze %dma_start3A_355 : memref<1x128xi32, #tpu.memory_space<hbm>> -> memref<128xi32, #tpu.memory_space<hbm>>
        %dma_start3A_357 = arith.constant 0 : i32
        %dma_start3A_358 = tpu.memref_slice %arg6[%dma_start3A_351, %dma_start3A_357] : memref<4x128xi32, #tpu.memory_space<vmem>> -> memref<1x128xi32, #tpu.memory_space<vmem>>
        %dma_start3A_359 = tpu.memref_squeeze %dma_start3A_358 : memref<1x128xi32, #tpu.memory_space<vmem>> -> memref<128xi32, #tpu.memory_space<vmem>>
        %dma_start3A_360 = tpu.memref_slice %arg2[%dma_start3A_350, %multiple_of3A_349] : memref<2x320000xi32, #tpu.memory_space<hbm>> -> memref<1x128xi32, #tpu.memory_space<hbm>>
        %dma_start3A_361 = tpu.memref_squeeze %dma_start3A_360 : memref<1x128xi32, #tpu.memory_space<hbm>> -> memref<128xi32, #tpu.memory_space<hbm>>
        tpu.enqueue_dma source(%dma_start3A_361 : memref<128xi32, #tpu.memory_space<hbm>>) target(%dma_start3A_359 : memref<128xi32, #tpu.memory_space<vmem>>) target_semaphore(%arg17 : memref<!tpu.dma_semaphore, #tpu.memory_space<semaphore_mem>>)
      } else {
      }
      %lt3A_330 = arith.constant 2500 : i32
      %lt3A_331 = arith.cmpi slt, %add3A_310, %lt3A_330 : i32
      %convert_element_type3A_332 = arith.extui %lt3A_331 : i1 to i32
      %cond3A_333 = arith.constant 0 : i32
      %cond3A_334 = arith.cmpi ne, %convert_element_type3A_332, %cond3A_333 : i32
      scf.if %cond3A_334 {
        %dma_wait3A_342 = arith.constant 0 : i32
        %dma_wait3A_343 = arith.constant 3 : i32
        %dma_wait3A_344 = arith.constant 0 : i32
        %dma_wait3A_345 = tpu.memref_slice %arg7[%dma_wait3A_343, %dma_wait3A_344] : memref<4x128xi32, #tpu.memory_space<vmem>> -> memref<1x128xi32, #tpu.memory_space<vmem>>
        %dma_wait3A_346 = tpu.memref_squeeze %dma_wait3A_345 : memref<1x128xi32, #tpu.memory_space<vmem>> -> memref<128xi32, #tpu.memory_space<vmem>>
        %dma_wait3A_347 = arith.constant 0 : i32
        %dma_wait3A_348 = tpu.memref_slice %arg2[%dma_wait3A_342, %dma_wait3A_347] : memref<2x320000xi32, #tpu.memory_space<hbm>> -> memref<1x128xi32, #tpu.memory_space<hbm>>
        %dma_wait3A_349 = tpu.memref_squeeze %dma_wait3A_348 : memref<1x128xi32, #tpu.memory_space<hbm>> -> memref<128xi32, #tpu.memory_space<hbm>>
        %dma_wait3A_350 = arith.constant 0 : i32
        %dma_wait3A_351 = tpu.memref_slice %arg7[%dma_wait3A_343, %dma_wait3A_350] : memref<4x128xi32, #tpu.memory_space<vmem>> -> memref<1x128xi32, #tpu.memory_space<vmem>>
        %dma_wait3A_352 = tpu.memref_squeeze %dma_wait3A_351 : memref<1x128xi32, #tpu.memory_space<vmem>> -> memref<128xi32, #tpu.memory_space<vmem>>
        %dma_wait3A_353 = arith.constant 0 : i32
        %dma_wait3A_354 = tpu.memref_slice %arg2[%dma_wait3A_342, %dma_wait3A_353] : memref<2x320000xi32, #tpu.memory_space<hbm>> -> memref<1x128xi32, #tpu.memory_space<hbm>>
        %dma_wait3A_355 = tpu.memref_squeeze %dma_wait3A_354 : memref<1x128xi32, #tpu.memory_space<hbm>> -> memref<128xi32, #tpu.memory_space<hbm>>
        tpu.wait_dma2 semaphore(%arg21 : memref<!tpu.dma_semaphore, #tpu.memory_space<semaphore_mem>>) src(%dma_wait3A_355 : memref<128xi32, #tpu.memory_space<hbm>>) dst(%dma_wait3A_352 : memref<128xi32, #tpu.memory_space<vmem>>)
        %dma_start3A_356 = arith.constant 3 : i32
        %dma_start3A_357 = arith.constant 128 : i32
        %dma_start3A_358 = arith.constant 0 : i32
        %dma_start3A_359 = tpu.memref_slice %arg8[%dma_start3A_357, %dma_start3A_358] : memref<256x128xf32, #tpu.memory_space<vmem>> -> memref<128x128xf32, #tpu.memory_space<vmem>>
        %dma_start3A_360 = arith.constant 0 : i32
        %dma_start3A_361 = tpu.memref_slice %arg7[%dma_start3A_356, %dma_start3A_360] : memref<4x128xi32, #tpu.memory_space<vmem>> -> memref<1x128xi32, #tpu.memory_space<vmem>>
        %dma_start3A_362 = tpu.memref_squeeze %dma_start3A_361 : memref<1x128xi32, #tpu.memory_space<vmem>> -> memref<128xi32, #tpu.memory_space<vmem>>
        %dma_start3A_363 = arith.constant 0 : i32
        %dma_start3A_364 = arith.constant 0 : i32
        %dma_start3A_365 = tpu.memref_slice %arg9[%dma_start3A_363, %dma_start3A_364] : memref<10000x128xf32, #tpu.memory_space<vmem_shared>> -> memref<10000x128xf32, #tpu.memory_space<vmem_shared>>
        tpu.enqueue_indirect_dma source(%dma_start3A_359 : memref<128x128xf32, #tpu.memory_space<vmem>>) target(%dma_start3A_365 : memref<10000x128xf32, #tpu.memory_space<vmem_shared>>) offsets(%dma_start3A_362 : memref<128xi32, #tpu.memory_space<vmem>>) semaphore(%arg13 : memref<!tpu.dma_semaphore, #tpu.memory_space<semaphore_mem>>) {add = true}
        %dma_wait3A_366 = arith.constant 128 : i32
        %dma_wait3A_367 = arith.constant 0 : i32
        %dma_wait3A_368 = tpu.memref_slice %arg8[%dma_wait3A_366, %dma_wait3A_367] : memref<256x128xf32, #tpu.memory_space<vmem>> -> memref<128x128xf32, #tpu.memory_space<vmem>>
        %dma_wait3A_369 = arith.constant 0 : i32
        %dma_wait3A_370 = arith.constant 0 : i32
        %dma_wait3A_371 = tpu.memref_slice %arg3[%dma_wait3A_369, %dma_wait3A_370] : memref<10000x128xf32, #tpu.memory_space<hbm>> -> memref<128x128xf32, #tpu.memory_space<hbm>>
        %dma_wait3A_372 = arith.constant 128 : i32
        %dma_wait3A_373 = arith.constant 0 : i32
        %dma_wait3A_374 = tpu.memref_slice %arg8[%dma_wait3A_372, %dma_wait3A_373] : memref<256x128xf32, #tpu.memory_space<vmem>> -> memref<128x128xf32, #tpu.memory_space<vmem>>
        %dma_wait3A_375 = arith.constant 0 : i32
        %dma_wait3A_376 = arith.constant 0 : i32
        %dma_wait3A_377 = tpu.memref_slice %arg3[%dma_wait3A_375, %dma_wait3A_376] : memref<10000x128xf32, #tpu.memory_space<hbm>> -> memref<128x128xf32, #tpu.memory_space<hbm>>
        tpu.wait_dma2 semaphore(%arg13 : memref<!tpu.dma_semaphore, #tpu.memory_space<semaphore_mem>>) src(%dma_wait3A_377 : memref<128x128xf32, #tpu.memory_space<hbm>>) dst(%dma_wait3A_374 : memref<128x128xf32, #tpu.memory_space<vmem>>)
      } else {
      }
      %add3A_335 = arith.constant 128 : i32
      %add3A_336 = arith.addi %add3A_310, %add3A_335 : i32
      %lt3A_337 = arith.constant 2500 : i32
      %lt3A_338 = arith.cmpi slt, %add3A_336, %lt3A_337 : i32
      %convert_element_type3A_339 = arith.extui %lt3A_338 : i1 to i32
      %cond3A_340 = arith.constant 0 : i32
      %cond3A_341 = arith.cmpi ne, %convert_element_type3A_339, %cond3A_340 : i32
      scf.if %cond3A_341 {
        %add3A_342 = arith.constant 4 : i32
        %add3A_343 = arith.addi %add3A_307, %add3A_342 : i32
        %mul3A_344 = arith.constant 32 : i32
        %mul3A_345 = arith.muli %add3A_343, %mul3A_344 : i32
        %add3A_346 = arith.addi %mul3A_345, %add3A : i32
        %mul3A_347 = arith.constant 128 : i32
        %mul3A_348 = arith.muli %add3A_346, %mul3A_347 : i32
        %multiple_of3A_349 = tpu.assume_multiple %mul3A_348, 128 : i32
        %dma_start3A_350 = arith.constant 1 : i32
        %dma_start3A_351 = arith.constant 3 : i32
        %dma_start3A_352 = arith.constant 0 : i32
        %dma_start3A_353 = tpu.memref_slice %arg7[%dma_start3A_351, %dma_start3A_352] : memref<4x128xi32, #tpu.memory_space<vmem>> -> memref<1x128xi32, #tpu.memory_space<vmem>>
        %dma_start3A_354 = tpu.memref_squeeze %dma_start3A_353 : memref<1x128xi32, #tpu.memory_space<vmem>> -> memref<128xi32, #tpu.memory_space<vmem>>
        %dma_start3A_355 = tpu.memref_slice %arg2[%dma_start3A_350, %multiple_of3A_349] : memref<2x320000xi32, #tpu.memory_space<hbm>> -> memref<1x128xi32, #tpu.memory_space<hbm>>
        %dma_start3A_356 = tpu.memref_squeeze %dma_start3A_355 : memref<1x128xi32, #tpu.memory_space<hbm>> -> memref<128xi32, #tpu.memory_space<hbm>>
        %dma_start3A_357 = arith.constant 0 : i32
        %dma_start3A_358 = tpu.memref_slice %arg7[%dma_start3A_351, %dma_start3A_357] : memref<4x128xi32, #tpu.memory_space<vmem>> -> memref<1x128xi32, #tpu.memory_space<vmem>>
        %dma_start3A_359 = tpu.memref_squeeze %dma_start3A_358 : memref<1x128xi32, #tpu.memory_space<vmem>> -> memref<128xi32, #tpu.memory_space<vmem>>
        %dma_start3A_360 = tpu.memref_slice %arg2[%dma_start3A_350, %multiple_of3A_349] : memref<2x320000xi32, #tpu.memory_space<hbm>> -> memref<1x128xi32, #tpu.memory_space<hbm>>
        %dma_start3A_361 = tpu.memref_squeeze %dma_start3A_360 : memref<1x128xi32, #tpu.memory_space<hbm>> -> memref<128xi32, #tpu.memory_space<hbm>>
        tpu.enqueue_dma source(%dma_start3A_361 : memref<128xi32, #tpu.memory_space<hbm>>) target(%dma_start3A_359 : memref<128xi32, #tpu.memory_space<vmem>>) target_semaphore(%arg21 : memref<!tpu.dma_semaphore, #tpu.memory_space<semaphore_mem>>)
      } else {
      }
    }
    %scan3A_170 = arith.constant 20 : i32
    %barrier3A_171 = arith.constant 0 : index
    tpu.barrier barrier_id(%barrier3A_171)
    %mul3A_172 = arith.constant 632 : i32
    %mul3A_173 = arith.muli %arg1, %mul3A_172 : i32
    %multiple_of3A_174 = tpu.assume_multiple %mul3A_173, 8 : i32
    %lt3A_175 = arith.constant 15 : i32
    %lt3A_176 = arith.cmpi slt, %arg1, %lt3A_175 : i32
    %convert_element_type3A_177 = arith.extui %lt3A_176 : i1 to i32
    %cond3A_178 = arith.constant 0 : i32
    %cond3A_179 = arith.cmpi ne, %convert_element_type3A_177, %cond3A_178 : i32
    scf.if %cond3A_179 {
      "tpu.region"() ({
        %run_scoped3A = tpu.sem_alloc : memref<!tpu.dma_semaphore, #tpu.memory_space<semaphore_mem>>
        %dma_start3A_185 = arith.constant 0 : i32
        %dma_start3A_186 = tpu.memref_slice %arg5[%arg0, %multiple_of3A_174, %dma_start3A_185] : memref<2x10000x128xf32, #tpu.memory_space<hbm>> -> memref<1x632x128xf32, #tpu.memory_space<hbm>>
        %dma_start3A_187 = tpu.memref_squeeze %dma_start3A_186 : memref<1x632x128xf32, #tpu.memory_space<hbm>> -> memref<632x128xf32, #tpu.memory_space<hbm>>
        %dma_start3A_188 = arith.constant 0 : i32
        %dma_start3A_189 = tpu.memref_slice %arg9[%multiple_of3A_174, %dma_start3A_188] : memref<10000x128xf32, #tpu.memory_space<vmem_shared>> -> memref<632x128xf32, #tpu.memory_space<vmem_shared>>
        tpu.enqueue_dma source(%dma_start3A_189 : memref<632x128xf32, #tpu.memory_space<vmem_shared>>) target(%dma_start3A_187 : memref<632x128xf32, #tpu.memory_space<hbm>>) target_semaphore(%run_scoped3A : memref<!tpu.dma_semaphore, #tpu.memory_space<semaphore_mem>>)
        %dma_wait3A_190 = arith.constant 0 : i32
        %dma_wait3A_191 = tpu.memref_slice %arg5[%arg0, %multiple_of3A_174, %dma_wait3A_190] : memref<2x10000x128xf32, #tpu.memory_space<hbm>> -> memref<1x632x128xf32, #tpu.memory_space<hbm>>
        %dma_wait3A_192 = tpu.memref_squeeze %dma_wait3A_191 : memref<1x632x128xf32, #tpu.memory_space<hbm>> -> memref<632x128xf32, #tpu.memory_space<hbm>>
        %dma_wait3A_193 = arith.constant 0 : i32
        %dma_wait3A_194 = tpu.memref_slice %arg9[%multiple_of3A_174, %dma_wait3A_193] : memref<10000x128xf32, #tpu.memory_space<vmem_shared>> -> memref<632x128xf32, #tpu.memory_space<vmem_shared>>
        tpu.wait_dma2 semaphore(%run_scoped3A : memref<!tpu.dma_semaphore, #tpu.memory_space<semaphore_mem>>) src(%dma_wait3A_194 : memref<632x128xf32, #tpu.memory_space<vmem_shared>>) dst(%dma_wait3A_192 : memref<632x128xf32, #tpu.memory_space<hbm>>)
        tpu.yield
      }) : () -> ()
    } else {
    }
    %eq3A_180 = arith.constant 15 : i32
    %eq3A_181 = arith.cmpi eq, %arg1, %eq3A_180 : i32
    %convert_element_type3A_182 = arith.extui %eq3A_181 : i1 to i32
    %cond3A_183 = arith.constant 0 : i32
    %cond3A_184 = arith.cmpi ne, %convert_element_type3A_182, %cond3A_183 : i32
    scf.if %cond3A_184 {
      "tpu.region"() ({
        %run_scoped3A = tpu.sem_alloc : memref<!tpu.dma_semaphore, #tpu.memory_space<semaphore_mem>>
        %dma_start3A_185 = arith.constant 0 : i32
        %dma_start3A_186 = tpu.memref_slice %arg5[%arg0, %multiple_of3A_174, %dma_start3A_185] : memref<2x10000x128xf32, #tpu.memory_space<hbm>> -> memref<1x520x128xf32, #tpu.memory_space<hbm>>
        %dma_start3A_187 = tpu.memref_squeeze %dma_start3A_186 : memref<1x520x128xf32, #tpu.memory_space<hbm>> -> memref<520x128xf32, #tpu.memory_space<hbm>>
        %dma_start3A_188 = arith.constant 0 : i32
        %dma_start3A_189 = tpu.memref_slice %arg9[%multiple_of3A_174, %dma_start3A_188] : memref<10000x128xf32, #tpu.memory_space<vmem_shared>> -> memref<520x128xf32, #tpu.memory_space<vmem_shared>>
        tpu.enqueue_dma source(%dma_start3A_189 : memref<520x128xf32, #tpu.memory_space<vmem_shared>>) target(%dma_start3A_187 : memref<520x128xf32, #tpu.memory_space<hbm>>) target_semaphore(%run_scoped3A : memref<!tpu.dma_semaphore, #tpu.memory_space<semaphore_mem>>)
        %dma_wait3A_190 = arith.constant 0 : i32
        %dma_wait3A_191 = tpu.memref_slice %arg5[%arg0, %multiple_of3A_174, %dma_wait3A_190] : memref<2x10000x128xf32, #tpu.memory_space<hbm>> -> memref<1x520x128xf32, #tpu.memory_space<hbm>>
        %dma_wait3A_192 = tpu.memref_squeeze %dma_wait3A_191 : memref<1x520x128xf32, #tpu.memory_space<hbm>> -> memref<520x128xf32, #tpu.memory_space<hbm>>
        %dma_wait3A_193 = arith.constant 0 : i32
        %dma_wait3A_194 = tpu.memref_slice %arg9[%multiple_of3A_174, %dma_wait3A_193] : memref<10000x128xf32, #tpu.memory_space<vmem_shared>> -> memref<520x128xf32, #tpu.memory_space<vmem_shared>>
        tpu.wait_dma2 semaphore(%run_scoped3A : memref<!tpu.dma_semaphore, #tpu.memory_space<semaphore_mem>>) src(%dma_wait3A_194 : memref<520x128xf32, #tpu.memory_space<vmem_shared>>) dst(%dma_wait3A_192 : memref<520x128xf32, #tpu.memory_space<hbm>>)
        tpu.yield
      }) : () -> ()
    } else {
    }
    return
  }
}

#map = affine_map<(d0, d1) -> (0, 0)>
#map1 = affine_map<(d0, d1) -> (0, 0, 0)>
module attributes {stable_mosaic.version = 14 : i64} {
  func.func @_sc_prop(%arg0: i32, %arg1: i32, %arg2: memref<2x320000xi32, #tpu.memory_space<hbm>>, %arg3: memref<10000x128xf32, #tpu.memory_space<hbm>>, %arg4: memref<632x128xf32, #tpu.memory_space<hbm>>, %arg5: memref<2x10000x128xf32, #tpu.memory_space<hbm>>, %arg6: memref<4x128xi32, #tpu.memory_space<vmem>>, %arg7: memref<4x128xi32, #tpu.memory_space<vmem>>, %arg8: memref<256x128xf32, #tpu.memory_space<vmem>>, %arg9: memref<10000x128xf32, #tpu.memory_space<vmem_shared>>, %arg10: memref<!tpu.dma_semaphore, #tpu.memory_space<semaphore_mem>>, %arg11: memref<!tpu.dma_semaphore, #tpu.memory_space<semaphore_mem>>, %arg12: memref<!tpu.dma_semaphore, #tpu.memory_space<semaphore_mem>>, %arg13: memref<!tpu.dma_semaphore, #tpu.memory_space<semaphore_mem>>, %arg14: memref<!tpu.dma_semaphore, #tpu.memory_space<semaphore_mem>>, %arg15: memref<!tpu.dma_semaphore, #tpu.memory_space<semaphore_mem>>, %arg16: memref<!tpu.dma_semaphore, #tpu.memory_space<semaphore_mem>>, %arg17: memref<!tpu.dma_semaphore, #tpu.memory_space<semaphore_mem>>, %arg18: memref<!tpu.dma_semaphore, #tpu.memory_space<semaphore_mem>>, %arg19: memref<!tpu.dma_semaphore, #tpu.memory_space<semaphore_mem>>, %arg20: memref<!tpu.dma_semaphore, #tpu.memory_space<semaphore_mem>>, %arg21: memref<!tpu.dma_semaphore, #tpu.memory_space<semaphore_mem>>) attributes {dimension_semantics = [#tpu.dimension_semantics<core_parallel>, #tpu.dimension_semantics<subcore_parallel>], iteration_bounds = array<i64: 2, 16>, scalar_prefetch = 0 : i64, scratch_operands = 16 : i64, tpu.core_type = #tpu.core_type<sc_vector_subcore>, window_params = [{transform_indices = #map}, {transform_indices = #map}, {transform_indices = #map}, {transform_indices = #map1}]} {
    %mul3A = arith.constant 2 : i32
    %mul3A_0 = arith.muli %arg1, %mul3A : i32
    %add3A = arith.addi %mul3A_0, %arg0 : i32
    %add3A_1 = arith.constant 0 : i32
    %add3A_2 = arith.addi %add3A_1, %add3A : i32
    %mul3A_3 = arith.constant 128 : i32
    %mul3A_4 = arith.muli %add3A_2, %mul3A_3 : i32
    %multiple_of3A = tpu.assume_multiple %mul3A_4, 128 : i32
    %dma_start3A = arith.constant 0 : i32
    %dma_start3A_5 = arith.constant 0 : i32
    %dma_start3A_6 = arith.constant 0 : i32
    %dma_start3A_7 = tpu.memref_slice %arg6[%dma_start3A_5, %dma_start3A_6] : memref<4x128xi32, #tpu.memory_space<vmem>> -> memref<1x128xi32, #tpu.memory_space<vmem>>
    %dma_start3A_8 = tpu.memref_squeeze %dma_start3A_7 : memref<1x128xi32, #tpu.memory_space<vmem>> -> memref<128xi32, #tpu.memory_space<vmem>>
    %dma_start3A_9 = tpu.memref_slice %arg2[%dma_start3A, %multiple_of3A] : memref<2x320000xi32, #tpu.memory_space<hbm>> -> memref<1x128xi32, #tpu.memory_space<hbm>>
    %dma_start3A_10 = tpu.memref_squeeze %dma_start3A_9 : memref<1x128xi32, #tpu.memory_space<hbm>> -> memref<128xi32, #tpu.memory_space<hbm>>
    %dma_start3A_11 = arith.constant 0 : i32
    %dma_start3A_12 = tpu.memref_slice %arg6[%dma_start3A_5, %dma_start3A_11] : memref<4x128xi32, #tpu.memory_space<vmem>> -> memref<1x128xi32, #tpu.memory_space<vmem>>
    %dma_start3A_13 = tpu.memref_squeeze %dma_start3A_12 : memref<1x128xi32, #tpu.memory_space<vmem>> -> memref<128xi32, #tpu.memory_space<vmem>>
    %dma_start3A_14 = tpu.memref_slice %arg2[%dma_start3A, %multiple_of3A] : memref<2x320000xi32, #tpu.memory_space<hbm>> -> memref<1x128xi32, #tpu.memory_space<hbm>>
    %dma_start3A_15 = tpu.memref_squeeze %dma_start3A_14 : memref<1x128xi32, #tpu.memory_space<hbm>> -> memref<128xi32, #tpu.memory_space<hbm>>
    tpu.enqueue_dma source(%dma_start3A_15 : memref<128xi32, #tpu.memory_space<hbm>>) target(%dma_start3A_13 : memref<128xi32, #tpu.memory_space<vmem>>) target_semaphore(%arg14 : memref<!tpu.dma_semaphore, #tpu.memory_space<semaphore_mem>>)
    %add3A_16 = arith.constant 0 : i32
    %add3A_17 = arith.addi %add3A_16, %add3A : i32
    %mul3A_18 = arith.constant 128 : i32
    %mul3A_19 = arith.muli %add3A_17, %mul3A_18 : i32
    %multiple_of3A_20 = tpu.assume_multiple %mul3A_19, 128 : i32
    %dma_start3A_21 = arith.constant 1 : i32
    %dma_start3A_22 = arith.constant 0 : i32
    %dma_start3A_23 = arith.constant 0 : i32
    %dma_start3A_24 = tpu.memref_slice %arg7[%dma_start3A_22, %dma_start3A_23] : memref<4x128xi32, #tpu.memory_space<vmem>> -> memref<1x128xi32, #tpu.memory_space<vmem>>
    %dma_start3A_25 = tpu.memref_squeeze %dma_start3A_24 : memref<1x128xi32, #tpu.memory_space<vmem>> -> memref<128xi32, #tpu.memory_space<vmem>>
    %dma_start3A_26 = tpu.memref_slice %arg2[%dma_start3A_21, %multiple_of3A_20] : memref<2x320000xi32, #tpu.memory_space<hbm>> -> memref<1x128xi32, #tpu.memory_space<hbm>>
    %dma_start3A_27 = tpu.memref_squeeze %dma_start3A_26 : memref<1x128xi32, #tpu.memory_space<hbm>> -> memref<128xi32, #tpu.memory_space<hbm>>
    %dma_start3A_28 = arith.constant 0 : i32
    %dma_start3A_29 = tpu.memref_slice %arg7[%dma_start3A_22, %dma_start3A_28] : memref<4x128xi32, #tpu.memory_space<vmem>> -> memref<1x128xi32, #tpu.memory_space<vmem>>
    %dma_start3A_30 = tpu.memref_squeeze %dma_start3A_29 : memref<1x128xi32, #tpu.memory_space<vmem>> -> memref<128xi32, #tpu.memory_space<vmem>>
    %dma_start3A_31 = tpu.memref_slice %arg2[%dma_start3A_21, %multiple_of3A_20] : memref<2x320000xi32, #tpu.memory_space<hbm>> -> memref<1x128xi32, #tpu.memory_space<hbm>>
    %dma_start3A_32 = tpu.memref_squeeze %dma_start3A_31 : memref<1x128xi32, #tpu.memory_space<hbm>> -> memref<128xi32, #tpu.memory_space<hbm>>
    tpu.enqueue_dma source(%dma_start3A_32 : memref<128xi32, #tpu.memory_space<hbm>>) target(%dma_start3A_30 : memref<128xi32, #tpu.memory_space<vmem>>) target_semaphore(%arg18 : memref<!tpu.dma_semaphore, #tpu.memory_space<semaphore_mem>>)
    %add3A_33 = arith.constant 32 : i32
    %add3A_34 = arith.addi %add3A_33, %add3A : i32
    %mul3A_35 = arith.constant 128 : i32
    %mul3A_36 = arith.muli %add3A_34, %mul3A_35 : i32
    %multiple_of3A_37 = tpu.assume_multiple %mul3A_36, 128 : i32
    %dma_start3A_38 = arith.constant 0 : i32
    %dma_start3A_39 = arith.constant 1 : i32
    %dma_start3A_40 = arith.constant 0 : i32
    %dma_start3A_41 = tpu.memref_slice %arg6[%dma_start3A_39, %dma_start3A_40] : memref<4x128xi32, #tpu.memory_space<vmem>> -> memref<1x128xi32, #tpu.memory_space<vmem>>
    %dma_start3A_42 = tpu.memref_squeeze %dma_start3A_41 : memref<1x128xi32, #tpu.memory_space<vmem>> -> memref<128xi32, #tpu.memory_space<vmem>>
    %dma_start3A_43 = tpu.memref_slice %arg2[%dma_start3A_38, %multiple_of3A_37] : memref<2x320000xi32, #tpu.memory_space<hbm>> -> memref<1x128xi32, #tpu.memory_space<hbm>>
    %dma_start3A_44 = tpu.memref_squeeze %dma_start3A_43 : memref<1x128xi32, #tpu.memory_space<hbm>> -> memref<128xi32, #tpu.memory_space<hbm>>
    %dma_start3A_45 = arith.constant 0 : i32
    %dma_start3A_46 = tpu.memref_slice %arg6[%dma_start3A_39, %dma_start3A_45] : memref<4x128xi32, #tpu.memory_space<vmem>> -> memref<1x128xi32, #tpu.memory_space<vmem>>
    %dma_start3A_47 = tpu.memref_squeeze %dma_start3A_46 : memref<1x128xi32, #tpu.memory_space<vmem>> -> memref<128xi32, #tpu.memory_space<vmem>>
    %dma_start3A_48 = tpu.memref_slice %arg2[%dma_start3A_38, %multiple_of3A_37] : memref<2x320000xi32, #tpu.memory_space<hbm>> -> memref<1x128xi32, #tpu.memory_space<hbm>>
    %dma_start3A_49 = tpu.memref_squeeze %dma_start3A_48 : memref<1x128xi32, #tpu.memory_space<hbm>> -> memref<128xi32, #tpu.memory_space<hbm>>
    tpu.enqueue_dma source(%dma_start3A_49 : memref<128xi32, #tpu.memory_space<hbm>>) target(%dma_start3A_47 : memref<128xi32, #tpu.memory_space<vmem>>) target_semaphore(%arg15 : memref<!tpu.dma_semaphore, #tpu.memory_space<semaphore_mem>>)
    %add3A_50 = arith.constant 32 : i32
    %add3A_51 = arith.addi %add3A_50, %add3A : i32
    %mul3A_52 = arith.constant 128 : i32
    %mul3A_53 = arith.muli %add3A_51, %mul3A_52 : i32
    %multiple_of3A_54 = tpu.assume_multiple %mul3A_53, 128 : i32
    %dma_start3A_55 = arith.constant 1 : i32
    %dma_start3A_56 = arith.constant 1 : i32
    %dma_start3A_57 = arith.constant 0 : i32
    %dma_start3A_58 = tpu.memref_slice %arg7[%dma_start3A_56, %dma_start3A_57] : memref<4x128xi32, #tpu.memory_space<vmem>> -> memref<1x128xi32, #tpu.memory_space<vmem>>
    %dma_start3A_59 = tpu.memref_squeeze %dma_start3A_58 : memref<1x128xi32, #tpu.memory_space<vmem>> -> memref<128xi32, #tpu.memory_space<vmem>>
    %dma_start3A_60 = tpu.memref_slice %arg2[%dma_start3A_55, %multiple_of3A_54] : memref<2x320000xi32, #tpu.memory_space<hbm>> -> memref<1x128xi32, #tpu.memory_space<hbm>>
    %dma_start3A_61 = tpu.memref_squeeze %dma_start3A_60 : memref<1x128xi32, #tpu.memory_space<hbm>> -> memref<128xi32, #tpu.memory_space<hbm>>
    %dma_start3A_62 = arith.constant 0 : i32
    %dma_start3A_63 = tpu.memref_slice %arg7[%dma_start3A_56, %dma_start3A_62] : memref<4x128xi32, #tpu.memory_space<vmem>> -> memref<1x128xi32, #tpu.memory_space<vmem>>
    %dma_start3A_64 = tpu.memref_squeeze %dma_start3A_63 : memref<1x128xi32, #tpu.memory_space<vmem>> -> memref<128xi32, #tpu.memory_space<vmem>>
    %dma_start3A_65 = tpu.memref_slice %arg2[%dma_start3A_55, %multiple_of3A_54] : memref<2x320000xi32, #tpu.memory_space<hbm>> -> memref<1x128xi32, #tpu.memory_space<hbm>>
    %dma_start3A_66 = tpu.memref_squeeze %dma_start3A_65 : memref<1x128xi32, #tpu.memory_space<hbm>> -> memref<128xi32, #tpu.memory_space<hbm>>
    tpu.enqueue_dma source(%dma_start3A_66 : memref<128xi32, #tpu.memory_space<hbm>>) target(%dma_start3A_64 : memref<128xi32, #tpu.memory_space<vmem>>) target_semaphore(%arg19 : memref<!tpu.dma_semaphore, #tpu.memory_space<semaphore_mem>>)
    %add3A_67 = arith.constant 64 : i32
    %add3A_68 = arith.addi %add3A_67, %add3A : i32
    %mul3A_69 = arith.constant 128 : i32
    %mul3A_70 = arith.muli %add3A_68, %mul3A_69 : i32
    %multiple_of3A_71 = tpu.assume_multiple %mul3A_70, 128 : i32
    %dma_start3A_72 = arith.constant 0 : i32
    %dma_start3A_73 = arith.constant 2 : i32
    %dma_start3A_74 = arith.constant 0 : i32
    %dma_start3A_75 = tpu.memref_slice %arg6[%dma_start3A_73, %dma_start3A_74] : memref<4x128xi32, #tpu.memory_space<vmem>> -> memref<1x128xi32, #tpu.memory_space<vmem>>
    %dma_start3A_76 = tpu.memref_squeeze %dma_start3A_75 : memref<1x128xi32, #tpu.memory_space<vmem>> -> memref<128xi32, #tpu.memory_space<vmem>>
    %dma_start3A_77 = tpu.memref_slice %arg2[%dma_start3A_72, %multiple_of3A_71] : memref<2x320000xi32, #tpu.memory_space<hbm>> -> memref<1x128xi32, #tpu.memory_space<hbm>>
    %dma_start3A_78 = tpu.memref_squeeze %dma_start3A_77 : memref<1x128xi32, #tpu.memory_space<hbm>> -> memref<128xi32, #tpu.memory_space<hbm>>
    %dma_start3A_79 = arith.constant 0 : i32
    %dma_start3A_80 = tpu.memref_slice %arg6[%dma_start3A_73, %dma_start3A_79] : memref<4x128xi32, #tpu.memory_space<vmem>> -> memref<1x128xi32, #tpu.memory_space<vmem>>
    %dma_start3A_81 = tpu.memref_squeeze %dma_start3A_80 : memref<1x128xi32, #tpu.memory_space<vmem>> -> memref<128xi32, #tpu.memory_space<vmem>>
    %dma_start3A_82 = tpu.memref_slice %arg2[%dma_start3A_72, %multiple_of3A_71] : memref<2x320000xi32, #tpu.memory_space<hbm>> -> memref<1x128xi32, #tpu.memory_space<hbm>>
    %dma_start3A_83 = tpu.memref_squeeze %dma_start3A_82 : memref<1x128xi32, #tpu.memory_space<hbm>> -> memref<128xi32, #tpu.memory_space<hbm>>
    tpu.enqueue_dma source(%dma_start3A_83 : memref<128xi32, #tpu.memory_space<hbm>>) target(%dma_start3A_81 : memref<128xi32, #tpu.memory_space<vmem>>) target_semaphore(%arg16 : memref<!tpu.dma_semaphore, #tpu.memory_space<semaphore_mem>>)
    %add3A_84 = arith.constant 64 : i32
    %add3A_85 = arith.addi %add3A_84, %add3A : i32
    %mul3A_86 = arith.constant 128 : i32
    %mul3A_87 = arith.muli %add3A_85, %mul3A_86 : i32
    %multiple_of3A_88 = tpu.assume_multiple %mul3A_87, 128 : i32
    %dma_start3A_89 = arith.constant 1 : i32
    %dma_start3A_90 = arith.constant 2 : i32
    %dma_start3A_91 = arith.constant 0 : i32
    %dma_start3A_92 = tpu.memref_slice %arg7[%dma_start3A_90, %dma_start3A_91] : memref<4x128xi32, #tpu.memory_space<vmem>> -> memref<1x128xi32, #tpu.memory_space<vmem>>
    %dma_start3A_93 = tpu.memref_squeeze %dma_start3A_92 : memref<1x128xi32, #tpu.memory_space<vmem>> -> memref<128xi32, #tpu.memory_space<vmem>>
    %dma_start3A_94 = tpu.memref_slice %arg2[%dma_start3A_89, %multiple_of3A_88] : memref<2x320000xi32, #tpu.memory_space<hbm>> -> memref<1x128xi32, #tpu.memory_space<hbm>>
    %dma_start3A_95 = tpu.memref_squeeze %dma_start3A_94 : memref<1x128xi32, #tpu.memory_space<hbm>> -> memref<128xi32, #tpu.memory_space<hbm>>
    %dma_start3A_96 = arith.constant 0 : i32
    %dma_start3A_97 = tpu.memref_slice %arg7[%dma_start3A_90, %dma_start3A_96] : memref<4x128xi32, #tpu.memory_space<vmem>> -> memref<1x128xi32, #tpu.memory_space<vmem>>
    %dma_start3A_98 = tpu.memref_squeeze %dma_start3A_97 : memref<1x128xi32, #tpu.memory_space<vmem>> -> memref<128xi32, #tpu.memory_space<vmem>>
    %dma_start3A_99 = tpu.memref_slice %arg2[%dma_start3A_89, %multiple_of3A_88] : memref<2x320000xi32, #tpu.memory_space<hbm>> -> memref<1x128xi32, #tpu.memory_space<hbm>>
    %dma_start3A_100 = tpu.memref_squeeze %dma_start3A_99 : memref<1x128xi32, #tpu.memory_space<hbm>> -> memref<128xi32, #tpu.memory_space<hbm>>
    tpu.enqueue_dma source(%dma_start3A_100 : memref<128xi32, #tpu.memory_space<hbm>>) target(%dma_start3A_98 : memref<128xi32, #tpu.memory_space<vmem>>) target_semaphore(%arg20 : memref<!tpu.dma_semaphore, #tpu.memory_space<semaphore_mem>>)
    %add3A_101 = arith.constant 96 : i32
    %add3A_102 = arith.addi %add3A_101, %add3A : i32
    %mul3A_103 = arith.constant 128 : i32
    %mul3A_104 = arith.muli %add3A_102, %mul3A_103 : i32
    %multiple_of3A_105 = tpu.assume_multiple %mul3A_104, 128 : i32
    %dma_start3A_106 = arith.constant 0 : i32
    %dma_start3A_107 = arith.constant 3 : i32
    %dma_start3A_108 = arith.constant 0 : i32
    %dma_start3A_109 = tpu.memref_slice %arg6[%dma_start3A_107, %dma_start3A_108] : memref<4x128xi32, #tpu.memory_space<vmem>> -> memref<1x128xi32, #tpu.memory_space<vmem>>
    %dma_start3A_110 = tpu.memref_squeeze %dma_start3A_109 : memref<1x128xi32, #tpu.memory_space<vmem>> -> memref<128xi32, #tpu.memory_space<vmem>>
    %dma_start3A_111 = tpu.memref_slice %arg2[%dma_start3A_106, %multiple_of3A_105] : memref<2x320000xi32, #tpu.memory_space<hbm>> -> memref<1x128xi32, #tpu.memory_space<hbm>>
    %dma_start3A_112 = tpu.memref_squeeze %dma_start3A_111 : memref<1x128xi32, #tpu.memory_space<hbm>> -> memref<128xi32, #tpu.memory_space<hbm>>
    %dma_start3A_113 = arith.constant 0 : i32
    %dma_start3A_114 = tpu.memref_slice %arg6[%dma_start3A_107, %dma_start3A_113] : memref<4x128xi32, #tpu.memory_space<vmem>> -> memref<1x128xi32, #tpu.memory_space<vmem>>
    %dma_start3A_115 = tpu.memref_squeeze %dma_start3A_114 : memref<1x128xi32, #tpu.memory_space<vmem>> -> memref<128xi32, #tpu.memory_space<vmem>>
    %dma_start3A_116 = tpu.memref_slice %arg2[%dma_start3A_106, %multiple_of3A_105] : memref<2x320000xi32, #tpu.memory_space<hbm>> -> memref<1x128xi32, #tpu.memory_space<hbm>>
    %dma_start3A_117 = tpu.memref_squeeze %dma_start3A_116 : memref<1x128xi32, #tpu.memory_space<hbm>> -> memref<128xi32, #tpu.memory_space<hbm>>
    tpu.enqueue_dma source(%dma_start3A_117 : memref<128xi32, #tpu.memory_space<hbm>>) target(%dma_start3A_115 : memref<128xi32, #tpu.memory_space<vmem>>) target_semaphore(%arg17 : memref<!tpu.dma_semaphore, #tpu.memory_space<semaphore_mem>>)
    %add3A_118 = arith.constant 96 : i32
    %add3A_119 = arith.addi %add3A_118, %add3A : i32
    %mul3A_120 = arith.constant 128 : i32
    %mul3A_121 = arith.muli %add3A_119, %mul3A_120 : i32
    %multiple_of3A_122 = tpu.assume_multiple %mul3A_121, 128 : i32
    %dma_start3A_123 = arith.constant 1 : i32
    %dma_start3A_124 = arith.constant 3 : i32
    %dma_start3A_125 = arith.constant 0 : i32
    %dma_start3A_126 = tpu.memref_slice %arg7[%dma_start3A_124, %dma_start3A_125] : memref<4x128xi32, #tpu.memory_space<vmem>> -> memref<1x128xi32, #tpu.memory_space<vmem>>
    %dma_start3A_127 = tpu.memref_squeeze %dma_start3A_126 : memref<1x128xi32, #tpu.memory_space<vmem>> -> memref<128xi32, #tpu.memory_space<vmem>>
    %dma_start3A_128 = tpu.memref_slice %arg2[%dma_start3A_123, %multiple_of3A_122] : memref<2x320000xi32, #tpu.memory_space<hbm>> -> memref<1x128xi32, #tpu.memory_space<hbm>>
    %dma_start3A_129 = tpu.memref_squeeze %dma_start3A_128 : memref<1x128xi32, #tpu.memory_space<hbm>> -> memref<128xi32, #tpu.memory_space<hbm>>
    %dma_start3A_130 = arith.constant 0 : i32
    %dma_start3A_131 = tpu.memref_slice %arg7[%dma_start3A_124, %dma_start3A_130] : memref<4x128xi32, #tpu.memory_space<vmem>> -> memref<1x128xi32, #tpu.memory_space<vmem>>
    %dma_start3A_132 = tpu.memref_squeeze %dma_start3A_131 : memref<1x128xi32, #tpu.memory_space<vmem>> -> memref<128xi32, #tpu.memory_space<vmem>>
    %dma_start3A_133 = tpu.memref_slice %arg2[%dma_start3A_123, %multiple_of3A_122] : memref<2x320000xi32, #tpu.memory_space<hbm>> -> memref<1x128xi32, #tpu.memory_space<hbm>>
    %dma_start3A_134 = tpu.memref_squeeze %dma_start3A_133 : memref<1x128xi32, #tpu.memory_space<hbm>> -> memref<128xi32, #tpu.memory_space<hbm>>
    tpu.enqueue_dma source(%dma_start3A_134 : memref<128xi32, #tpu.memory_space<hbm>>) target(%dma_start3A_132 : memref<128xi32, #tpu.memory_space<vmem>>) target_semaphore(%arg21 : memref<!tpu.dma_semaphore, #tpu.memory_space<semaphore_mem>>)
    %dma_wait3A = arith.constant 0 : i32
    %dma_wait3A_135 = arith.constant 0 : i32
    %dma_wait3A_136 = arith.constant 0 : i32
    %dma_wait3A_137 = tpu.memref_slice %arg6[%dma_wait3A_135, %dma_wait3A_136] : memref<4x128xi32, #tpu.memory_space<vmem>> -> memref<1x128xi32, #tpu.memory_space<vmem>>
    %dma_wait3A_138 = tpu.memref_squeeze %dma_wait3A_137 : memref<1x128xi32, #tpu.memory_space<vmem>> -> memref<128xi32, #tpu.memory_space<vmem>>
    %dma_wait3A_139 = arith.constant 0 : i32
    %dma_wait3A_140 = tpu.memref_slice %arg2[%dma_wait3A, %dma_wait3A_139] : memref<2x320000xi32, #tpu.memory_space<hbm>> -> memref<1x128xi32, #tpu.memory_space<hbm>>
    %dma_wait3A_141 = tpu.memref_squeeze %dma_wait3A_140 : memref<1x128xi32, #tpu.memory_space<hbm>> -> memref<128xi32, #tpu.memory_space<hbm>>
    %dma_wait3A_142 = arith.constant 0 : i32
    %dma_wait3A_143 = tpu.memref_slice %arg6[%dma_wait3A_135, %dma_wait3A_142] : memref<4x128xi32, #tpu.memory_space<vmem>> -> memref<1x128xi32, #tpu.memory_space<vmem>>
    %dma_wait3A_144 = tpu.memref_squeeze %dma_wait3A_143 : memref<1x128xi32, #tpu.memory_space<vmem>> -> memref<128xi32, #tpu.memory_space<vmem>>
    %dma_wait3A_145 = arith.constant 0 : i32
    %dma_wait3A_146 = tpu.memref_slice %arg2[%dma_wait3A, %dma_wait3A_145] : memref<2x320000xi32, #tpu.memory_space<hbm>> -> memref<1x128xi32, #tpu.memory_space<hbm>>
    %dma_wait3A_147 = tpu.memref_squeeze %dma_wait3A_146 : memref<1x128xi32, #tpu.memory_space<hbm>> -> memref<128xi32, #tpu.memory_space<hbm>>
    tpu.wait_dma2 semaphore(%arg14 : memref<!tpu.dma_semaphore, #tpu.memory_space<semaphore_mem>>) src(%dma_wait3A_147 : memref<128xi32, #tpu.memory_space<hbm>>) dst(%dma_wait3A_144 : memref<128xi32, #tpu.memory_space<vmem>>)
    %dma_start3A_148 = arith.constant 0 : i32
    %dma_start3A_149 = arith.constant 0 : i32
    %dma_start3A_150 = arith.constant 0 : i32
    %dma_start3A_151 = tpu.memref_slice %arg8[%dma_start3A_149, %dma_start3A_150] : memref<256x128xf32, #tpu.memory_space<vmem>> -> memref<128x128xf32, #tpu.memory_space<vmem>>
    %dma_start3A_152 = arith.constant 0 : i32
    %dma_start3A_153 = tpu.memref_slice %arg6[%dma_start3A_148, %dma_start3A_152] : memref<4x128xi32, #tpu.memory_space<vmem>> -> memref<1x128xi32, #tpu.memory_space<vmem>>
    %dma_start3A_154 = tpu.memref_squeeze %dma_start3A_153 : memref<1x128xi32, #tpu.memory_space<vmem>> -> memref<128xi32, #tpu.memory_space<vmem>>
    %dma_start3A_155 = arith.constant 0 : i32
    %dma_start3A_156 = arith.constant 0 : i32
    %dma_start3A_157 = tpu.memref_slice %arg3[%dma_start3A_155, %dma_start3A_156] : memref<10000x128xf32, #tpu.memory_space<hbm>> -> memref<10000x128xf32, #tpu.memory_space<hbm>>
    tpu.enqueue_indirect_dma source(%dma_start3A_157 : memref<10000x128xf32, #tpu.memory_space<hbm>>) target(%dma_start3A_151 : memref<128x128xf32, #tpu.memory_space<vmem>>) offsets(%dma_start3A_154 : memref<128xi32, #tpu.memory_space<vmem>>) semaphore(%arg10 : memref<!tpu.dma_semaphore, #tpu.memory_space<semaphore_mem>>)
    %mul3A_158 = arith.constant 632 : i32
    %mul3A_159 = arith.muli %arg1, %mul3A_158 : i32
    %multiple_of3A_160 = tpu.assume_multiple %mul3A_159, 8 : i32
    %lt3A = arith.constant 15 : i32
    %lt3A_161 = arith.cmpi slt, %arg1, %lt3A : i32
    %convert_element_type3A = arith.extui %lt3A_161 : i1 to i32
    %cond3A = arith.constant 0 : i32
    %cond3A_162 = arith.cmpi ne, %convert_element_type3A, %cond3A : i32
    scf.if %cond3A_162 {
      "tpu.region"() ({
        %run_scoped3A = tpu.sem_alloc : memref<!tpu.dma_semaphore, #tpu.memory_space<semaphore_mem>>
        %dma_start3A_185 = arith.constant 0 : i32
        %dma_start3A_186 = tpu.memref_slice %arg9[%multiple_of3A_160, %dma_start3A_185] : memref<10000x128xf32, #tpu.memory_space<vmem_shared>> -> memref<632x128xf32, #tpu.memory_space<vmem_shared>>
        tpu.enqueue_dma source(%arg4 : memref<632x128xf32, #tpu.memory_space<hbm>>) target(%dma_start3A_186 : memref<632x128xf32, #tpu.memory_space<vmem_shared>>) target_semaphore(%run_scoped3A : memref<!tpu.dma_semaphore, #tpu.memory_space<semaphore_mem>>)
        %dma_wait3A_187 = arith.constant 0 : i32
        %dma_wait3A_188 = tpu.memref_slice %arg9[%multiple_of3A_160, %dma_wait3A_187] : memref<10000x128xf32, #tpu.memory_space<vmem_shared>> -> memref<632x128xf32, #tpu.memory_space<vmem_shared>>
        tpu.wait_dma2 semaphore(%run_scoped3A : memref<!tpu.dma_semaphore, #tpu.memory_space<semaphore_mem>>) src(%arg4 : memref<632x128xf32, #tpu.memory_space<hbm>>) dst(%dma_wait3A_188 : memref<632x128xf32, #tpu.memory_space<vmem_shared>>)
        tpu.yield
      }) : () -> ()
    } else {
    }
    %eq3A = arith.constant 15 : i32
    %eq3A_163 = arith.cmpi eq, %arg1, %eq3A : i32
    %convert_element_type3A_164 = arith.extui %eq3A_163 : i1 to i32
    %cond3A_165 = arith.constant 0 : i32
    %cond3A_166 = arith.cmpi ne, %convert_element_type3A_164, %cond3A_165 : i32
    scf.if %cond3A_166 {
      "tpu.region"() ({
        %run_scoped3A = tpu.sem_alloc : memref<!tpu.dma_semaphore, #tpu.memory_space<semaphore_mem>>
        %dma_start3A_185 = arith.constant 0 : i32
        %dma_start3A_186 = tpu.memref_slice %arg9[%multiple_of3A_160, %dma_start3A_185] : memref<10000x128xf32, #tpu.memory_space<vmem_shared>> -> memref<520x128xf32, #tpu.memory_space<vmem_shared>>
        %dma_start3A_187 = arith.constant 0 : i32
        %dma_start3A_188 = arith.constant 0 : i32
        %dma_start3A_189 = tpu.memref_slice %arg4[%dma_start3A_187, %dma_start3A_188] : memref<632x128xf32, #tpu.memory_space<hbm>> -> memref<520x128xf32, #tpu.memory_space<hbm>>
        tpu.enqueue_dma source(%dma_start3A_189 : memref<520x128xf32, #tpu.memory_space<hbm>>) target(%dma_start3A_186 : memref<520x128xf32, #tpu.memory_space<vmem_shared>>) target_semaphore(%run_scoped3A : memref<!tpu.dma_semaphore, #tpu.memory_space<semaphore_mem>>)
        %dma_wait3A_190 = arith.constant 0 : i32
        %dma_wait3A_191 = tpu.memref_slice %arg9[%multiple_of3A_160, %dma_wait3A_190] : memref<10000x128xf32, #tpu.memory_space<vmem_shared>> -> memref<520x128xf32, #tpu.memory_space<vmem_shared>>
        %dma_wait3A_192 = arith.constant 0 : i32
        %dma_wait3A_193 = arith.constant 0 : i32
        %dma_wait3A_194 = tpu.memref_slice %arg4[%dma_wait3A_192, %dma_wait3A_193] : memref<632x128xf32, #tpu.memory_space<hbm>> -> memref<520x128xf32, #tpu.memory_space<hbm>>
        tpu.wait_dma2 semaphore(%run_scoped3A : memref<!tpu.dma_semaphore, #tpu.memory_space<semaphore_mem>>) src(%dma_wait3A_194 : memref<520x128xf32, #tpu.memory_space<hbm>>) dst(%dma_wait3A_191 : memref<520x128xf32, #tpu.memory_space<vmem_shared>>)
        tpu.yield
      }) : () -> ()
    } else {
    }
    %barrier3A = arith.constant 0 : index
    tpu.barrier barrier_id(%barrier3A)
    %scan3A = arith.constant 0 : i32
    %scan3A_167 = arith.constant 20 : i32
    %scan3A_168 = arith.addi %scan3A, %scan3A_167 : i32
    %scan3A_169 = arith.constant 1 : i32
    scf.for %scan3A_185 = %scan3A to %scan3A_168 step %scan3A_169  : i32 {
      %mul3A_186 = arith.constant 1 : i32
      %mul3A_187 = arith.muli %scan3A_185, %mul3A_186 : i32
      %add3A_188 = arith.constant 0 : i32
      %add3A_189 = arith.addi %add3A_188, %mul3A_187 : i32
      %mul3A_190 = arith.constant 4 : i32
      %mul3A_191 = arith.muli %mul3A_190, %add3A_189 : i32
      %add3A_192 = arith.constant 0 : i32
      %add3A_193 = arith.addi %mul3A_191, %add3A_192 : i32
      %mul3A_194 = arith.constant 32 : i32
      %mul3A_195 = arith.muli %add3A_193, %mul3A_194 : i32
      %add3A_196 = arith.addi %mul3A_195, %add3A : i32
      %add3A_197 = arith.constant 32 : i32
      %add3A_198 = arith.addi %add3A_196, %add3A_197 : i32
      %lt3A_199 = arith.constant 2500 : i32
      %lt3A_200 = arith.cmpi slt, %add3A_198, %lt3A_199 : i32
      %convert_element_type3A_201 = arith.extui %lt3A_200 : i1 to i32
      %cond3A_202 = arith.constant 0 : i32
      %cond3A_203 = arith.cmpi ne, %convert_element_type3A_201, %cond3A_202 : i32
      scf.if %cond3A_203 {
        %dma_wait3A_342 = arith.constant 0 : i32
        %dma_wait3A_343 = arith.constant 1 : i32
        %dma_wait3A_344 = arith.constant 0 : i32
        %dma_wait3A_345 = tpu.memref_slice %arg6[%dma_wait3A_343, %dma_wait3A_344] : memref<4x128xi32, #tpu.memory_space<vmem>> -> memref<1x128xi32, #tpu.memory_space<vmem>>
        %dma_wait3A_346 = tpu.memref_squeeze %dma_wait3A_345 : memref<1x128xi32, #tpu.memory_space<vmem>> -> memref<128xi32, #tpu.memory_space<vmem>>
        %dma_wait3A_347 = arith.constant 0 : i32
        %dma_wait3A_348 = tpu.memref_slice %arg2[%dma_wait3A_342, %dma_wait3A_347] : memref<2x320000xi32, #tpu.memory_space<hbm>> -> memref<1x128xi32, #tpu.memory_space<hbm>>
        %dma_wait3A_349 = tpu.memref_squeeze %dma_wait3A_348 : memref<1x128xi32, #tpu.memory_space<hbm>> -> memref<128xi32, #tpu.memory_space<hbm>>
        %dma_wait3A_350 = arith.constant 0 : i32
        %dma_wait3A_351 = tpu.memref_slice %arg6[%dma_wait3A_343, %dma_wait3A_350] : memref<4x128xi32, #tpu.memory_space<vmem>> -> memref<1x128xi32, #tpu.memory_space<vmem>>
        %dma_wait3A_352 = tpu.memref_squeeze %dma_wait3A_351 : memref<1x128xi32, #tpu.memory_space<vmem>> -> memref<128xi32, #tpu.memory_space<vmem>>
        %dma_wait3A_353 = arith.constant 0 : i32
        %dma_wait3A_354 = tpu.memref_slice %arg2[%dma_wait3A_342, %dma_wait3A_353] : memref<2x320000xi32, #tpu.memory_space<hbm>> -> memref<1x128xi32, #tpu.memory_space<hbm>>
        %dma_wait3A_355 = tpu.memref_squeeze %dma_wait3A_354 : memref<1x128xi32, #tpu.memory_space<hbm>> -> memref<128xi32, #tpu.memory_space<hbm>>
        tpu.wait_dma2 semaphore(%arg15 : memref<!tpu.dma_semaphore, #tpu.memory_space<semaphore_mem>>) src(%dma_wait3A_355 : memref<128xi32, #tpu.memory_space<hbm>>) dst(%dma_wait3A_352 : memref<128xi32, #tpu.memory_space<vmem>>)
        %dma_start3A_356 = arith.constant 1 : i32
        %dma_start3A_357 = arith.constant 128 : i32
        %dma_start3A_358 = arith.constant 0 : i32
        %dma_start3A_359 = tpu.memref_slice %arg8[%dma_start3A_357, %dma_start3A_358] : memref<256x128xf32, #tpu.memory_space<vmem>> -> memref<128x128xf32, #tpu.memory_space<vmem>>
        %dma_start3A_360 = arith.constant 0 : i32
        %dma_start3A_361 = tpu.memref_slice %arg6[%dma_start3A_356, %dma_start3A_360] : memref<4x128xi32, #tpu.memory_space<vmem>> -> memref<1x128xi32, #tpu.memory_space<vmem>>
        %dma_start3A_362 = tpu.memref_squeeze %dma_start3A_361 : memref<1x128xi32, #tpu.memory_space<vmem>> -> memref<128xi32, #tpu.memory_space<vmem>>
        %dma_start3A_363 = arith.constant 0 : i32
        %dma_start3A_364 = arith.constant 0 : i32
        %dma_start3A_365 = tpu.memref_slice %arg3[%dma_start3A_363, %dma_start3A_364] : memref<10000x128xf32, #tpu.memory_space<hbm>> -> memref<10000x128xf32, #tpu.memory_space<hbm>>
        tpu.enqueue_indirect_dma source(%dma_start3A_365 : memref<10000x128xf32, #tpu.memory_space<hbm>>) target(%dma_start3A_359 : memref<128x128xf32, #tpu.memory_space<vmem>>) offsets(%dma_start3A_362 : memref<128xi32, #tpu.memory_space<vmem>>) semaphore(%arg11 : memref<!tpu.dma_semaphore, #tpu.memory_space<semaphore_mem>>)
      } else {
      }
      %lt3A_204 = arith.constant 2500 : i32
      %lt3A_205 = arith.cmpi slt, %add3A_196, %lt3A_204 : i32
      %convert_element_type3A_206 = arith.extui %lt3A_205 : i1 to i32
      %cond3A_207 = arith.constant 0 : i32
      %cond3A_208 = arith.cmpi ne, %convert_element_type3A_206, %cond3A_207 : i32
      scf.if %cond3A_208 {
        %dma_wait3A_342 = arith.constant 0 : i32
        %dma_wait3A_343 = arith.constant 0 : i32
        %dma_wait3A_344 = tpu.memref_slice %arg8[%dma_wait3A_342, %dma_wait3A_343] : memref<256x128xf32, #tpu.memory_space<vmem>> -> memref<128x128xf32, #tpu.memory_space<vmem>>
        %dma_wait3A_345 = arith.constant 0 : i32
        %dma_wait3A_346 = arith.constant 0 : i32
        %dma_wait3A_347 = tpu.memref_slice %arg3[%dma_wait3A_345, %dma_wait3A_346] : memref<10000x128xf32, #tpu.memory_space<hbm>> -> memref<128x128xf32, #tpu.memory_space<hbm>>
        %dma_wait3A_348 = arith.constant 0 : i32
        %dma_wait3A_349 = arith.constant 0 : i32
        %dma_wait3A_350 = tpu.memref_slice %arg8[%dma_wait3A_348, %dma_wait3A_349] : memref<256x128xf32, #tpu.memory_space<vmem>> -> memref<128x128xf32, #tpu.memory_space<vmem>>
        %dma_wait3A_351 = arith.constant 0 : i32
        %dma_wait3A_352 = arith.constant 0 : i32
        %dma_wait3A_353 = tpu.memref_slice %arg3[%dma_wait3A_351, %dma_wait3A_352] : memref<10000x128xf32, #tpu.memory_space<hbm>> -> memref<128x128xf32, #tpu.memory_space<hbm>>
        tpu.wait_dma2 semaphore(%arg10 : memref<!tpu.dma_semaphore, #tpu.memory_space<semaphore_mem>>) src(%dma_wait3A_353 : memref<128x128xf32, #tpu.memory_space<hbm>>) dst(%dma_wait3A_350 : memref<128x128xf32, #tpu.memory_space<vmem>>)
      } else {
      }
      %add3A_209 = arith.constant 128 : i32
      %add3A_210 = arith.addi %add3A_196, %add3A_209 : i32
      %lt3A_211 = arith.constant 2500 : i32
      %lt3A_212 = arith.cmpi slt, %add3A_210, %lt3A_211 : i32
      %convert_element_type3A_213 = arith.extui %lt3A_212 : i1 to i32
      %cond3A_214 = arith.constant 0 : i32
      %cond3A_215 = arith.cmpi ne, %convert_element_type3A_213, %cond3A_214 : i32
      scf.if %cond3A_215 {
        %add3A_342 = arith.constant 4 : i32
        %add3A_343 = arith.addi %add3A_193, %add3A_342 : i32
        %mul3A_344 = arith.constant 32 : i32
        %mul3A_345 = arith.muli %add3A_343, %mul3A_344 : i32
        %add3A_346 = arith.addi %mul3A_345, %add3A : i32
        %mul3A_347 = arith.constant 128 : i32
        %mul3A_348 = arith.muli %add3A_346, %mul3A_347 : i32
        %multiple_of3A_349 = tpu.assume_multiple %mul3A_348, 128 : i32
        %dma_start3A_350 = arith.constant 0 : i32
        %dma_start3A_351 = arith.constant 0 : i32
        %dma_start3A_352 = arith.constant 0 : i32
        %dma_start3A_353 = tpu.memref_slice %arg6[%dma_start3A_351, %dma_start3A_352] : memref<4x128xi32, #tpu.memory_space<vmem>> -> memref<1x128xi32, #tpu.memory_space<vmem>>
        %dma_start3A_354 = tpu.memref_squeeze %dma_start3A_353 : memref<1x128xi32, #tpu.memory_space<vmem>> -> memref<128xi32, #tpu.memory_space<vmem>>
        %dma_start3A_355 = tpu.memref_slice %arg2[%dma_start3A_350, %multiple_of3A_349] : memref<2x320000xi32, #tpu.memory_space<hbm>> -> memref<1x128xi32, #tpu.memory_space<hbm>>
        %dma_start3A_356 = tpu.memref_squeeze %dma_start3A_355 : memref<1x128xi32, #tpu.memory_space<hbm>> -> memref<128xi32, #tpu.memory_space<hbm>>
        %dma_start3A_357 = arith.constant 0 : i32
        %dma_start3A_358 = tpu.memref_slice %arg6[%dma_start3A_351, %dma_start3A_357] : memref<4x128xi32, #tpu.memory_space<vmem>> -> memref<1x128xi32, #tpu.memory_space<vmem>>
        %dma_start3A_359 = tpu.memref_squeeze %dma_start3A_358 : memref<1x128xi32, #tpu.memory_space<vmem>> -> memref<128xi32, #tpu.memory_space<vmem>>
        %dma_start3A_360 = tpu.memref_slice %arg2[%dma_start3A_350, %multiple_of3A_349] : memref<2x320000xi32, #tpu.memory_space<hbm>> -> memref<1x128xi32, #tpu.memory_space<hbm>>
        %dma_start3A_361 = tpu.memref_squeeze %dma_start3A_360 : memref<1x128xi32, #tpu.memory_space<hbm>> -> memref<128xi32, #tpu.memory_space<hbm>>
        tpu.enqueue_dma source(%dma_start3A_361 : memref<128xi32, #tpu.memory_space<hbm>>) target(%dma_start3A_359 : memref<128xi32, #tpu.memory_space<vmem>>) target_semaphore(%arg14 : memref<!tpu.dma_semaphore, #tpu.memory_space<semaphore_mem>>)
      } else {
      }
      %lt3A_216 = arith.constant 2500 : i32
      %lt3A_217 = arith.cmpi slt, %add3A_196, %lt3A_216 : i32
      %convert_element_type3A_218 = arith.extui %lt3A_217 : i1 to i32
      %cond3A_219 = arith.constant 0 : i32
      %cond3A_220 = arith.cmpi ne, %convert_element_type3A_218, %cond3A_219 : i32
      scf.if %cond3A_220 {
        %dma_wait3A_342 = arith.constant 0 : i32
        %dma_wait3A_343 = arith.constant 0 : i32
        %dma_wait3A_344 = arith.constant 0 : i32
        %dma_wait3A_345 = tpu.memref_slice %arg7[%dma_wait3A_343, %dma_wait3A_344] : memref<4x128xi32, #tpu.memory_space<vmem>> -> memref<1x128xi32, #tpu.memory_space<vmem>>
        %dma_wait3A_346 = tpu.memref_squeeze %dma_wait3A_345 : memref<1x128xi32, #tpu.memory_space<vmem>> -> memref<128xi32, #tpu.memory_space<vmem>>
        %dma_wait3A_347 = arith.constant 0 : i32
        %dma_wait3A_348 = tpu.memref_slice %arg2[%dma_wait3A_342, %dma_wait3A_347] : memref<2x320000xi32, #tpu.memory_space<hbm>> -> memref<1x128xi32, #tpu.memory_space<hbm>>
        %dma_wait3A_349 = tpu.memref_squeeze %dma_wait3A_348 : memref<1x128xi32, #tpu.memory_space<hbm>> -> memref<128xi32, #tpu.memory_space<hbm>>
        %dma_wait3A_350 = arith.constant 0 : i32
        %dma_wait3A_351 = tpu.memref_slice %arg7[%dma_wait3A_343, %dma_wait3A_350] : memref<4x128xi32, #tpu.memory_space<vmem>> -> memref<1x128xi32, #tpu.memory_space<vmem>>
        %dma_wait3A_352 = tpu.memref_squeeze %dma_wait3A_351 : memref<1x128xi32, #tpu.memory_space<vmem>> -> memref<128xi32, #tpu.memory_space<vmem>>
        %dma_wait3A_353 = arith.constant 0 : i32
        %dma_wait3A_354 = tpu.memref_slice %arg2[%dma_wait3A_342, %dma_wait3A_353] : memref<2x320000xi32, #tpu.memory_space<hbm>> -> memref<1x128xi32, #tpu.memory_space<hbm>>
        %dma_wait3A_355 = tpu.memref_squeeze %dma_wait3A_354 : memref<1x128xi32, #tpu.memory_space<hbm>> -> memref<128xi32, #tpu.memory_space<hbm>>
        tpu.wait_dma2 semaphore(%arg18 : memref<!tpu.dma_semaphore, #tpu.memory_space<semaphore_mem>>) src(%dma_wait3A_355 : memref<128xi32, #tpu.memory_space<hbm>>) dst(%dma_wait3A_352 : memref<128xi32, #tpu.memory_space<vmem>>)
        %dma_start3A_356 = arith.constant 0 : i32
        %dma_start3A_357 = arith.constant 0 : i32
        %dma_start3A_358 = arith.constant 0 : i32
        %dma_start3A_359 = tpu.memref_slice %arg8[%dma_start3A_357, %dma_start3A_358] : memref<256x128xf32, #tpu.memory_space<vmem>> -> memref<128x128xf32, #tpu.memory_space<vmem>>
        %dma_start3A_360 = arith.constant 0 : i32
        %dma_start3A_361 = tpu.memref_slice %arg7[%dma_start3A_356, %dma_start3A_360] : memref<4x128xi32, #tpu.memory_space<vmem>> -> memref<1x128xi32, #tpu.memory_space<vmem>>
        %dma_start3A_362 = tpu.memref_squeeze %dma_start3A_361 : memref<1x128xi32, #tpu.memory_space<vmem>> -> memref<128xi32, #tpu.memory_space<vmem>>
        %dma_start3A_363 = arith.constant 0 : i32
        %dma_start3A_364 = arith.constant 0 : i32
        %dma_start3A_365 = tpu.memref_slice %arg9[%dma_start3A_363, %dma_start3A_364] : memref<10000x128xf32, #tpu.memory_space<vmem_shared>> -> memref<10000x128xf32, #tpu.memory_space<vmem_shared>>
        tpu.enqueue_indirect_dma source(%dma_start3A_359 : memref<128x128xf32, #tpu.memory_space<vmem>>) target(%dma_start3A_365 : memref<10000x128xf32, #tpu.memory_space<vmem_shared>>) offsets(%dma_start3A_362 : memref<128xi32, #tpu.memory_space<vmem>>) semaphore(%arg12 : memref<!tpu.dma_semaphore, #tpu.memory_space<semaphore_mem>>) {add = true}
        %dma_wait3A_366 = arith.constant 0 : i32
        %dma_wait3A_367 = arith.constant 0 : i32
        %dma_wait3A_368 = tpu.memref_slice %arg8[%dma_wait3A_366, %dma_wait3A_367] : memref<256x128xf32, #tpu.memory_space<vmem>> -> memref<128x128xf32, #tpu.memory_space<vmem>>
        %dma_wait3A_369 = arith.constant 0 : i32
        %dma_wait3A_370 = arith.constant 0 : i32
        %dma_wait3A_371 = tpu.memref_slice %arg3[%dma_wait3A_369, %dma_wait3A_370] : memref<10000x128xf32, #tpu.memory_space<hbm>> -> memref<128x128xf32, #tpu.memory_space<hbm>>
        %dma_wait3A_372 = arith.constant 0 : i32
        %dma_wait3A_373 = arith.constant 0 : i32
        %dma_wait3A_374 = tpu.memref_slice %arg8[%dma_wait3A_372, %dma_wait3A_373] : memref<256x128xf32, #tpu.memory_space<vmem>> -> memref<128x128xf32, #tpu.memory_space<vmem>>
        %dma_wait3A_375 = arith.constant 0 : i32
        %dma_wait3A_376 = arith.constant 0 : i32
        %dma_wait3A_377 = tpu.memref_slice %arg3[%dma_wait3A_375, %dma_wait3A_376] : memref<10000x128xf32, #tpu.memory_space<hbm>> -> memref<128x128xf32, #tpu.memory_space<hbm>>
        tpu.wait_dma2 semaphore(%arg12 : memref<!tpu.dma_semaphore, #tpu.memory_space<semaphore_mem>>) src(%dma_wait3A_377 : memref<128x128xf32, #tpu.memory_space<hbm>>) dst(%dma_wait3A_374 : memref<128x128xf32, #tpu.memory_space<vmem>>)
      } else {
      }
      %add3A_221 = arith.constant 128 : i32
      %add3A_222 = arith.addi %add3A_196, %add3A_221 : i32
      %lt3A_223 = arith.constant 2500 : i32
      %lt3A_224 = arith.cmpi slt, %add3A_222, %lt3A_223 : i32
      %convert_element_type3A_225 = arith.extui %lt3A_224 : i1 to i32
      %cond3A_226 = arith.constant 0 : i32
      %cond3A_227 = arith.cmpi ne, %convert_element_type3A_225, %cond3A_226 : i32
      scf.if %cond3A_227 {
        %add3A_342 = arith.constant 4 : i32
        %add3A_343 = arith.addi %add3A_193, %add3A_342 : i32
        %mul3A_344 = arith.constant 32 : i32
        %mul3A_345 = arith.muli %add3A_343, %mul3A_344 : i32
        %add3A_346 = arith.addi %mul3A_345, %add3A : i32
        %mul3A_347 = arith.constant 128 : i32
        %mul3A_348 = arith.muli %add3A_346, %mul3A_347 : i32
        %multiple_of3A_349 = tpu.assume_multiple %mul3A_348, 128 : i32
        %dma_start3A_350 = arith.constant 1 : i32
        %dma_start3A_351 = arith.constant 0 : i32
        %dma_start3A_352 = arith.constant 0 : i32
        %dma_start3A_353 = tpu.memref_slice %arg7[%dma_start3A_351, %dma_start3A_352] : memref<4x128xi32, #tpu.memory_space<vmem>> -> memref<1x128xi32, #tpu.memory_space<vmem>>
        %dma_start3A_354 = tpu.memref_squeeze %dma_start3A_353 : memref<1x128xi32, #tpu.memory_space<vmem>> -> memref<128xi32, #tpu.memory_space<vmem>>
        %dma_start3A_355 = tpu.memref_slice %arg2[%dma_start3A_350, %multiple_of3A_349] : memref<2x320000xi32, #tpu.memory_space<hbm>> -> memref<1x128xi32, #tpu.memory_space<hbm>>
        %dma_start3A_356 = tpu.memref_squeeze %dma_start3A_355 : memref<1x128xi32, #tpu.memory_space<hbm>> -> memref<128xi32, #tpu.memory_space<hbm>>
        %dma_start3A_357 = arith.constant 0 : i32
        %dma_start3A_358 = tpu.memref_slice %arg7[%dma_start3A_351, %dma_start3A_357] : memref<4x128xi32, #tpu.memory_space<vmem>> -> memref<1x128xi32, #tpu.memory_space<vmem>>
        %dma_start3A_359 = tpu.memref_squeeze %dma_start3A_358 : memref<1x128xi32, #tpu.memory_space<vmem>> -> memref<128xi32, #tpu.memory_space<vmem>>
        %dma_start3A_360 = tpu.memref_slice %arg2[%dma_start3A_350, %multiple_of3A_349] : memref<2x320000xi32, #tpu.memory_space<hbm>> -> memref<1x128xi32, #tpu.memory_space<hbm>>
        %dma_start3A_361 = tpu.memref_squeeze %dma_start3A_360 : memref<1x128xi32, #tpu.memory_space<hbm>> -> memref<128xi32, #tpu.memory_space<hbm>>
        tpu.enqueue_dma source(%dma_start3A_361 : memref<128xi32, #tpu.memory_space<hbm>>) target(%dma_start3A_359 : memref<128xi32, #tpu.memory_space<vmem>>) target_semaphore(%arg18 : memref<!tpu.dma_semaphore, #tpu.memory_space<semaphore_mem>>)
      } else {
      }
      %mul3A_228 = arith.constant 4 : i32
      %mul3A_229 = arith.muli %mul3A_228, %add3A_189 : i32
      %add3A_230 = arith.constant 1 : i32
      %add3A_231 = arith.addi %mul3A_229, %add3A_230 : i32
      %mul3A_232 = arith.constant 32 : i32
      %mul3A_233 = arith.muli %add3A_231, %mul3A_232 : i32
      %add3A_234 = arith.addi %mul3A_233, %add3A : i32
      %add3A_235 = arith.constant 32 : i32
      %add3A_236 = arith.addi %add3A_234, %add3A_235 : i32
      %lt3A_237 = arith.constant 2500 : i32
      %lt3A_238 = arith.cmpi slt, %add3A_236, %lt3A_237 : i32
      %convert_element_type3A_239 = arith.extui %lt3A_238 : i1 to i32
      %cond3A_240 = arith.constant 0 : i32
      %cond3A_241 = arith.cmpi ne, %convert_element_type3A_239, %cond3A_240 : i32
      scf.if %cond3A_241 {
        %dma_wait3A_342 = arith.constant 0 : i32
        %dma_wait3A_343 = arith.constant 2 : i32
        %dma_wait3A_344 = arith.constant 0 : i32
        %dma_wait3A_345 = tpu.memref_slice %arg6[%dma_wait3A_343, %dma_wait3A_344] : memref<4x128xi32, #tpu.memory_space<vmem>> -> memref<1x128xi32, #tpu.memory_space<vmem>>
        %dma_wait3A_346 = tpu.memref_squeeze %dma_wait3A_345 : memref<1x128xi32, #tpu.memory_space<vmem>> -> memref<128xi32, #tpu.memory_space<vmem>>
        %dma_wait3A_347 = arith.constant 0 : i32
        %dma_wait3A_348 = tpu.memref_slice %arg2[%dma_wait3A_342, %dma_wait3A_347] : memref<2x320000xi32, #tpu.memory_space<hbm>> -> memref<1x128xi32, #tpu.memory_space<hbm>>
        %dma_wait3A_349 = tpu.memref_squeeze %dma_wait3A_348 : memref<1x128xi32, #tpu.memory_space<hbm>> -> memref<128xi32, #tpu.memory_space<hbm>>
        %dma_wait3A_350 = arith.constant 0 : i32
        %dma_wait3A_351 = tpu.memref_slice %arg6[%dma_wait3A_343, %dma_wait3A_350] : memref<4x128xi32, #tpu.memory_space<vmem>> -> memref<1x128xi32, #tpu.memory_space<vmem>>
        %dma_wait3A_352 = tpu.memref_squeeze %dma_wait3A_351 : memref<1x128xi32, #tpu.memory_space<vmem>> -> memref<128xi32, #tpu.memory_space<vmem>>
        %dma_wait3A_353 = arith.constant 0 : i32
        %dma_wait3A_354 = tpu.memref_slice %arg2[%dma_wait3A_342, %dma_wait3A_353] : memref<2x320000xi32, #tpu.memory_space<hbm>> -> memref<1x128xi32, #tpu.memory_space<hbm>>
        %dma_wait3A_355 = tpu.memref_squeeze %dma_wait3A_354 : memref<1x128xi32, #tpu.memory_space<hbm>> -> memref<128xi32, #tpu.memory_space<hbm>>
        tpu.wait_dma2 semaphore(%arg16 : memref<!tpu.dma_semaphore, #tpu.memory_space<semaphore_mem>>) src(%dma_wait3A_355 : memref<128xi32, #tpu.memory_space<hbm>>) dst(%dma_wait3A_352 : memref<128xi32, #tpu.memory_space<vmem>>)
        %dma_start3A_356 = arith.constant 2 : i32
        %dma_start3A_357 = arith.constant 0 : i32
        %dma_start3A_358 = arith.constant 0 : i32
        %dma_start3A_359 = tpu.memref_slice %arg8[%dma_start3A_357, %dma_start3A_358] : memref<256x128xf32, #tpu.memory_space<vmem>> -> memref<128x128xf32, #tpu.memory_space<vmem>>
        %dma_start3A_360 = arith.constant 0 : i32
        %dma_start3A_361 = tpu.memref_slice %arg6[%dma_start3A_356, %dma_start3A_360] : memref<4x128xi32, #tpu.memory_space<vmem>> -> memref<1x128xi32, #tpu.memory_space<vmem>>
        %dma_start3A_362 = tpu.memref_squeeze %dma_start3A_361 : memref<1x128xi32, #tpu.memory_space<vmem>> -> memref<128xi32, #tpu.memory_space<vmem>>
        %dma_start3A_363 = arith.constant 0 : i32
        %dma_start3A_364 = arith.constant 0 : i32
        %dma_start3A_365 = tpu.memref_slice %arg3[%dma_start3A_363, %dma_start3A_364] : memref<10000x128xf32, #tpu.memory_space<hbm>> -> memref<10000x128xf32, #tpu.memory_space<hbm>>
        tpu.enqueue_indirect_dma source(%dma_start3A_365 : memref<10000x128xf32, #tpu.memory_space<hbm>>) target(%dma_start3A_359 : memref<128x128xf32, #tpu.memory_space<vmem>>) offsets(%dma_start3A_362 : memref<128xi32, #tpu.memory_space<vmem>>) semaphore(%arg10 : memref<!tpu.dma_semaphore, #tpu.memory_space<semaphore_mem>>)
      } else {
      }
      %lt3A_242 = arith.constant 2500 : i32
      %lt3A_243 = arith.cmpi slt, %add3A_234, %lt3A_242 : i32
      %convert_element_type3A_244 = arith.extui %lt3A_243 : i1 to i32
      %cond3A_245 = arith.constant 0 : i32
      %cond3A_246 = arith.cmpi ne, %convert_element_type3A_244, %cond3A_245 : i32
      scf.if %cond3A_246 {
        %dma_wait3A_342 = arith.constant 128 : i32
        %dma_wait3A_343 = arith.constant 0 : i32
        %dma_wait3A_344 = tpu.memref_slice %arg8[%dma_wait3A_342, %dma_wait3A_343] : memref<256x128xf32, #tpu.memory_space<vmem>> -> memref<128x128xf32, #tpu.memory_space<vmem>>
        %dma_wait3A_345 = arith.constant 0 : i32
        %dma_wait3A_346 = arith.constant 0 : i32
        %dma_wait3A_347 = tpu.memref_slice %arg3[%dma_wait3A_345, %dma_wait3A_346] : memref<10000x128xf32, #tpu.memory_space<hbm>> -> memref<128x128xf32, #tpu.memory_space<hbm>>
        %dma_wait3A_348 = arith.constant 128 : i32
        %dma_wait3A_349 = arith.constant 0 : i32
        %dma_wait3A_350 = tpu.memref_slice %arg8[%dma_wait3A_348, %dma_wait3A_349] : memref<256x128xf32, #tpu.memory_space<vmem>> -> memref<128x128xf32, #tpu.memory_space<vmem>>
        %dma_wait3A_351 = arith.constant 0 : i32
        %dma_wait3A_352 = arith.constant 0 : i32
        %dma_wait3A_353 = tpu.memref_slice %arg3[%dma_wait3A_351, %dma_wait3A_352] : memref<10000x128xf32, #tpu.memory_space<hbm>> -> memref<128x128xf32, #tpu.memory_space<hbm>>
        tpu.wait_dma2 semaphore(%arg11 : memref<!tpu.dma_semaphore, #tpu.memory_space<semaphore_mem>>) src(%dma_wait3A_353 : memref<128x128xf32, #tpu.memory_space<hbm>>) dst(%dma_wait3A_350 : memref<128x128xf32, #tpu.memory_space<vmem>>)
      } else {
      }
      %add3A_247 = arith.constant 128 : i32
      %add3A_248 = arith.addi %add3A_234, %add3A_247 : i32
      %lt3A_249 = arith.constant 2500 : i32
      %lt3A_250 = arith.cmpi slt, %add3A_248, %lt3A_249 : i32
      %convert_element_type3A_251 = arith.extui %lt3A_250 : i1 to i32
      %cond3A_252 = arith.constant 0 : i32
      %cond3A_253 = arith.cmpi ne, %convert_element_type3A_251, %cond3A_252 : i32
      scf.if %cond3A_253 {
        %add3A_342 = arith.constant 4 : i32
        %add3A_343 = arith.addi %add3A_231, %add3A_342 : i32
        %mul3A_344 = arith.constant 32 : i32
        %mul3A_345 = arith.muli %add3A_343, %mul3A_344 : i32
        %add3A_346 = arith.addi %mul3A_345, %add3A : i32
        %mul3A_347 = arith.constant 128 : i32
        %mul3A_348 = arith.muli %add3A_346, %mul3A_347 : i32
        %multiple_of3A_349 = tpu.assume_multiple %mul3A_348, 128 : i32
        %dma_start3A_350 = arith.constant 0 : i32
        %dma_start3A_351 = arith.constant 1 : i32
        %dma_start3A_352 = arith.constant 0 : i32
        %dma_start3A_353 = tpu.memref_slice %arg6[%dma_start3A_351, %dma_start3A_352] : memref<4x128xi32, #tpu.memory_space<vmem>> -> memref<1x128xi32, #tpu.memory_space<vmem>>
        %dma_start3A_354 = tpu.memref_squeeze %dma_start3A_353 : memref<1x128xi32, #tpu.memory_space<vmem>> -> memref<128xi32, #tpu.memory_space<vmem>>
        %dma_start3A_355 = tpu.memref_slice %arg2[%dma_start3A_350, %multiple_of3A_349] : memref<2x320000xi32, #tpu.memory_space<hbm>> -> memref<1x128xi32, #tpu.memory_space<hbm>>
        %dma_start3A_356 = tpu.memref_squeeze %dma_start3A_355 : memref<1x128xi32, #tpu.memory_space<hbm>> -> memref<128xi32, #tpu.memory_space<hbm>>
        %dma_start3A_357 = arith.constant 0 : i32
        %dma_start3A_358 = tpu.memref_slice %arg6[%dma_start3A_351, %dma_start3A_357] : memref<4x128xi32, #tpu.memory_space<vmem>> -> memref<1x128xi32, #tpu.memory_space<vmem>>
        %dma_start3A_359 = tpu.memref_squeeze %dma_start3A_358 : memref<1x128xi32, #tpu.memory_space<vmem>> -> memref<128xi32, #tpu.memory_space<vmem>>
        %dma_start3A_360 = tpu.memref_slice %arg2[%dma_start3A_350, %multiple_of3A_349] : memref<2x320000xi32, #tpu.memory_space<hbm>> -> memref<1x128xi32, #tpu.memory_space<hbm>>
        %dma_start3A_361 = tpu.memref_squeeze %dma_start3A_360 : memref<1x128xi32, #tpu.memory_space<hbm>> -> memref<128xi32, #tpu.memory_space<hbm>>
        tpu.enqueue_dma source(%dma_start3A_361 : memref<128xi32, #tpu.memory_space<hbm>>) target(%dma_start3A_359 : memref<128xi32, #tpu.memory_space<vmem>>) target_semaphore(%arg15 : memref<!tpu.dma_semaphore, #tpu.memory_space<semaphore_mem>>)
      } else {
      }
      %lt3A_254 = arith.constant 2500 : i32
      %lt3A_255 = arith.cmpi slt, %add3A_234, %lt3A_254 : i32
      %convert_element_type3A_256 = arith.extui %lt3A_255 : i1 to i32
      %cond3A_257 = arith.constant 0 : i32
      %cond3A_258 = arith.cmpi ne, %convert_element_type3A_256, %cond3A_257 : i32
      scf.if %cond3A_258 {
        %dma_wait3A_342 = arith.constant 0 : i32
        %dma_wait3A_343 = arith.constant 1 : i32
        %dma_wait3A_344 = arith.constant 0 : i32
        %dma_wait3A_345 = tpu.memref_slice %arg7[%dma_wait3A_343, %dma_wait3A_344] : memref<4x128xi32, #tpu.memory_space<vmem>> -> memref<1x128xi32, #tpu.memory_space<vmem>>
        %dma_wait3A_346 = tpu.memref_squeeze %dma_wait3A_345 : memref<1x128xi32, #tpu.memory_space<vmem>> -> memref<128xi32, #tpu.memory_space<vmem>>
        %dma_wait3A_347 = arith.constant 0 : i32
        %dma_wait3A_348 = tpu.memref_slice %arg2[%dma_wait3A_342, %dma_wait3A_347] : memref<2x320000xi32, #tpu.memory_space<hbm>> -> memref<1x128xi32, #tpu.memory_space<hbm>>
        %dma_wait3A_349 = tpu.memref_squeeze %dma_wait3A_348 : memref<1x128xi32, #tpu.memory_space<hbm>> -> memref<128xi32, #tpu.memory_space<hbm>>
        %dma_wait3A_350 = arith.constant 0 : i32
        %dma_wait3A_351 = tpu.memref_slice %arg7[%dma_wait3A_343, %dma_wait3A_350] : memref<4x128xi32, #tpu.memory_space<vmem>> -> memref<1x128xi32, #tpu.memory_space<vmem>>
        %dma_wait3A_352 = tpu.memref_squeeze %dma_wait3A_351 : memref<1x128xi32, #tpu.memory_space<vmem>> -> memref<128xi32, #tpu.memory_space<vmem>>
        %dma_wait3A_353 = arith.constant 0 : i32
        %dma_wait3A_354 = tpu.memref_slice %arg2[%dma_wait3A_342, %dma_wait3A_353] : memref<2x320000xi32, #tpu.memory_space<hbm>> -> memref<1x128xi32, #tpu.memory_space<hbm>>
        %dma_wait3A_355 = tpu.memref_squeeze %dma_wait3A_354 : memref<1x128xi32, #tpu.memory_space<hbm>> -> memref<128xi32, #tpu.memory_space<hbm>>
        tpu.wait_dma2 semaphore(%arg19 : memref<!tpu.dma_semaphore, #tpu.memory_space<semaphore_mem>>) src(%dma_wait3A_355 : memref<128xi32, #tpu.memory_space<hbm>>) dst(%dma_wait3A_352 : memref<128xi32, #tpu.memory_space<vmem>>)
        %dma_start3A_356 = arith.constant 1 : i32
        %dma_start3A_357 = arith.constant 128 : i32
        %dma_start3A_358 = arith.constant 0 : i32
        %dma_start3A_359 = tpu.memref_slice %arg8[%dma_start3A_357, %dma_start3A_358] : memref<256x128xf32, #tpu.memory_space<vmem>> -> memref<128x128xf32, #tpu.memory_space<vmem>>
        %dma_start3A_360 = arith.constant 0 : i32
        %dma_start3A_361 = tpu.memref_slice %arg7[%dma_start3A_356, %dma_start3A_360] : memref<4x128xi32, #tpu.memory_space<vmem>> -> memref<1x128xi32, #tpu.memory_space<vmem>>
        %dma_start3A_362 = tpu.memref_squeeze %dma_start3A_361 : memref<1x128xi32, #tpu.memory_space<vmem>> -> memref<128xi32, #tpu.memory_space<vmem>>
        %dma_start3A_363 = arith.constant 0 : i32
        %dma_start3A_364 = arith.constant 0 : i32
        %dma_start3A_365 = tpu.memref_slice %arg9[%dma_start3A_363, %dma_start3A_364] : memref<10000x128xf32, #tpu.memory_space<vmem_shared>> -> memref<10000x128xf32, #tpu.memory_space<vmem_shared>>
        tpu.enqueue_indirect_dma source(%dma_start3A_359 : memref<128x128xf32, #tpu.memory_space<vmem>>) target(%dma_start3A_365 : memref<10000x128xf32, #tpu.memory_space<vmem_shared>>) offsets(%dma_start3A_362 : memref<128xi32, #tpu.memory_space<vmem>>) semaphore(%arg13 : memref<!tpu.dma_semaphore, #tpu.memory_space<semaphore_mem>>) {add = true}
        %dma_wait3A_366 = arith.constant 128 : i32
        %dma_wait3A_367 = arith.constant 0 : i32
        %dma_wait3A_368 = tpu.memref_slice %arg8[%dma_wait3A_366, %dma_wait3A_367] : memref<256x128xf32, #tpu.memory_space<vmem>> -> memref<128x128xf32, #tpu.memory_space<vmem>>
        %dma_wait3A_369 = arith.constant 0 : i32
        %dma_wait3A_370 = arith.constant 0 : i32
        %dma_wait3A_371 = tpu.memref_slice %arg3[%dma_wait3A_369, %dma_wait3A_370] : memref<10000x128xf32, #tpu.memory_space<hbm>> -> memref<128x128xf32, #tpu.memory_space<hbm>>
        %dma_wait3A_372 = arith.constant 128 : i32
        %dma_wait3A_373 = arith.constant 0 : i32
        %dma_wait3A_374 = tpu.memref_slice %arg8[%dma_wait3A_372, %dma_wait3A_373] : memref<256x128xf32, #tpu.memory_space<vmem>> -> memref<128x128xf32, #tpu.memory_space<vmem>>
        %dma_wait3A_375 = arith.constant 0 : i32
        %dma_wait3A_376 = arith.constant 0 : i32
        %dma_wait3A_377 = tpu.memref_slice %arg3[%dma_wait3A_375, %dma_wait3A_376] : memref<10000x128xf32, #tpu.memory_space<hbm>> -> memref<128x128xf32, #tpu.memory_space<hbm>>
        tpu.wait_dma2 semaphore(%arg13 : memref<!tpu.dma_semaphore, #tpu.memory_space<semaphore_mem>>) src(%dma_wait3A_377 : memref<128x128xf32, #tpu.memory_space<hbm>>) dst(%dma_wait3A_374 : memref<128x128xf32, #tpu.memory_space<vmem>>)
      } else {
      }
      %add3A_259 = arith.constant 128 : i32
      %add3A_260 = arith.addi %add3A_234, %add3A_259 : i32
      %lt3A_261 = arith.constant 2500 : i32
      %lt3A_262 = arith.cmpi slt, %add3A_260, %lt3A_261 : i32
      %convert_element_type3A_263 = arith.extui %lt3A_262 : i1 to i32
      %cond3A_264 = arith.constant 0 : i32
      %cond3A_265 = arith.cmpi ne, %convert_element_type3A_263, %cond3A_264 : i32
      scf.if %cond3A_265 {
        %add3A_342 = arith.constant 4 : i32
        %add3A_343 = arith.addi %add3A_231, %add3A_342 : i32
        %mul3A_344 = arith.constant 32 : i32
        %mul3A_345 = arith.muli %add3A_343, %mul3A_344 : i32
        %add3A_346 = arith.addi %mul3A_345, %add3A : i32
        %mul3A_347 = arith.constant 128 : i32
        %mul3A_348 = arith.muli %add3A_346, %mul3A_347 : i32
        %multiple_of3A_349 = tpu.assume_multiple %mul3A_348, 128 : i32
        %dma_start3A_350 = arith.constant 1 : i32
        %dma_start3A_351 = arith.constant 1 : i32
        %dma_start3A_352 = arith.constant 0 : i32
        %dma_start3A_353 = tpu.memref_slice %arg7[%dma_start3A_351, %dma_start3A_352] : memref<4x128xi32, #tpu.memory_space<vmem>> -> memref<1x128xi32, #tpu.memory_space<vmem>>
        %dma_start3A_354 = tpu.memref_squeeze %dma_start3A_353 : memref<1x128xi32, #tpu.memory_space<vmem>> -> memref<128xi32, #tpu.memory_space<vmem>>
        %dma_start3A_355 = tpu.memref_slice %arg2[%dma_start3A_350, %multiple_of3A_349] : memref<2x320000xi32, #tpu.memory_space<hbm>> -> memref<1x128xi32, #tpu.memory_space<hbm>>
        %dma_start3A_356 = tpu.memref_squeeze %dma_start3A_355 : memref<1x128xi32, #tpu.memory_space<hbm>> -> memref<128xi32, #tpu.memory_space<hbm>>
        %dma_start3A_357 = arith.constant 0 : i32
        %dma_start3A_358 = tpu.memref_slice %arg7[%dma_start3A_351, %dma_start3A_357] : memref<4x128xi32, #tpu.memory_space<vmem>> -> memref<1x128xi32, #tpu.memory_space<vmem>>
        %dma_start3A_359 = tpu.memref_squeeze %dma_start3A_358 : memref<1x128xi32, #tpu.memory_space<vmem>> -> memref<128xi32, #tpu.memory_space<vmem>>
        %dma_start3A_360 = tpu.memref_slice %arg2[%dma_start3A_350, %multiple_of3A_349] : memref<2x320000xi32, #tpu.memory_space<hbm>> -> memref<1x128xi32, #tpu.memory_space<hbm>>
        %dma_start3A_361 = tpu.memref_squeeze %dma_start3A_360 : memref<1x128xi32, #tpu.memory_space<hbm>> -> memref<128xi32, #tpu.memory_space<hbm>>
        tpu.enqueue_dma source(%dma_start3A_361 : memref<128xi32, #tpu.memory_space<hbm>>) target(%dma_start3A_359 : memref<128xi32, #tpu.memory_space<vmem>>) target_semaphore(%arg19 : memref<!tpu.dma_semaphore, #tpu.memory_space<semaphore_mem>>)
      } else {
      }
      %mul3A_266 = arith.constant 4 : i32
      %mul3A_267 = arith.muli %mul3A_266, %add3A_189 : i32
      %add3A_268 = arith.constant 2 : i32
      %add3A_269 = arith.addi %mul3A_267, %add3A_268 : i32
      %mul3A_270 = arith.constant 32 : i32
      %mul3A_271 = arith.muli %add3A_269, %mul3A_270 : i32
      %add3A_272 = arith.addi %mul3A_271, %add3A : i32
      %add3A_273 = arith.constant 32 : i32
      %add3A_274 = arith.addi %add3A_272, %add3A_273 : i32
      %lt3A_275 = arith.constant 2500 : i32
      %lt3A_276 = arith.cmpi slt, %add3A_274, %lt3A_275 : i32
      %convert_element_type3A_277 = arith.extui %lt3A_276 : i1 to i32
      %cond3A_278 = arith.constant 0 : i32
      %cond3A_279 = arith.cmpi ne, %convert_element_type3A_277, %cond3A_278 : i32
      scf.if %cond3A_279 {
        %dma_wait3A_342 = arith.constant 0 : i32
        %dma_wait3A_343 = arith.constant 3 : i32
        %dma_wait3A_344 = arith.constant 0 : i32
        %dma_wait3A_345 = tpu.memref_slice %arg6[%dma_wait3A_343, %dma_wait3A_344] : memref<4x128xi32, #tpu.memory_space<vmem>> -> memref<1x128xi32, #tpu.memory_space<vmem>>
        %dma_wait3A_346 = tpu.memref_squeeze %dma_wait3A_345 : memref<1x128xi32, #tpu.memory_space<vmem>> -> memref<128xi32, #tpu.memory_space<vmem>>
        %dma_wait3A_347 = arith.constant 0 : i32
        %dma_wait3A_348 = tpu.memref_slice %arg2[%dma_wait3A_342, %dma_wait3A_347] : memref<2x320000xi32, #tpu.memory_space<hbm>> -> memref<1x128xi32, #tpu.memory_space<hbm>>
        %dma_wait3A_349 = tpu.memref_squeeze %dma_wait3A_348 : memref<1x128xi32, #tpu.memory_space<hbm>> -> memref<128xi32, #tpu.memory_space<hbm>>
        %dma_wait3A_350 = arith.constant 0 : i32
        %dma_wait3A_351 = tpu.memref_slice %arg6[%dma_wait3A_343, %dma_wait3A_350] : memref<4x128xi32, #tpu.memory_space<vmem>> -> memref<1x128xi32, #tpu.memory_space<vmem>>
        %dma_wait3A_352 = tpu.memref_squeeze %dma_wait3A_351 : memref<1x128xi32, #tpu.memory_space<vmem>> -> memref<128xi32, #tpu.memory_space<vmem>>
        %dma_wait3A_353 = arith.constant 0 : i32
        %dma_wait3A_354 = tpu.memref_slice %arg2[%dma_wait3A_342, %dma_wait3A_353] : memref<2x320000xi32, #tpu.memory_space<hbm>> -> memref<1x128xi32, #tpu.memory_space<hbm>>
        %dma_wait3A_355 = tpu.memref_squeeze %dma_wait3A_354 : memref<1x128xi32, #tpu.memory_space<hbm>> -> memref<128xi32, #tpu.memory_space<hbm>>
        tpu.wait_dma2 semaphore(%arg17 : memref<!tpu.dma_semaphore, #tpu.memory_space<semaphore_mem>>) src(%dma_wait3A_355 : memref<128xi32, #tpu.memory_space<hbm>>) dst(%dma_wait3A_352 : memref<128xi32, #tpu.memory_space<vmem>>)
        %dma_start3A_356 = arith.constant 3 : i32
        %dma_start3A_357 = arith.constant 128 : i32
        %dma_start3A_358 = arith.constant 0 : i32
        %dma_start3A_359 = tpu.memref_slice %arg8[%dma_start3A_357, %dma_start3A_358] : memref<256x128xf32, #tpu.memory_space<vmem>> -> memref<128x128xf32, #tpu.memory_space<vmem>>
        %dma_start3A_360 = arith.constant 0 : i32
        %dma_start3A_361 = tpu.memref_slice %arg6[%dma_start3A_356, %dma_start3A_360] : memref<4x128xi32, #tpu.memory_space<vmem>> -> memref<1x128xi32, #tpu.memory_space<vmem>>
        %dma_start3A_362 = tpu.memref_squeeze %dma_start3A_361 : memref<1x128xi32, #tpu.memory_space<vmem>> -> memref<128xi32, #tpu.memory_space<vmem>>
        %dma_start3A_363 = arith.constant 0 : i32
        %dma_start3A_364 = arith.constant 0 : i32
        %dma_start3A_365 = tpu.memref_slice %arg3[%dma_start3A_363, %dma_start3A_364] : memref<10000x128xf32, #tpu.memory_space<hbm>> -> memref<10000x128xf32, #tpu.memory_space<hbm>>
        tpu.enqueue_indirect_dma source(%dma_start3A_365 : memref<10000x128xf32, #tpu.memory_space<hbm>>) target(%dma_start3A_359 : memref<128x128xf32, #tpu.memory_space<vmem>>) offsets(%dma_start3A_362 : memref<128xi32, #tpu.memory_space<vmem>>) semaphore(%arg11 : memref<!tpu.dma_semaphore, #tpu.memory_space<semaphore_mem>>)
      } else {
      }
      %lt3A_280 = arith.constant 2500 : i32
      %lt3A_281 = arith.cmpi slt, %add3A_272, %lt3A_280 : i32
      %convert_element_type3A_282 = arith.extui %lt3A_281 : i1 to i32
      %cond3A_283 = arith.constant 0 : i32
      %cond3A_284 = arith.cmpi ne, %convert_element_type3A_282, %cond3A_283 : i32
      scf.if %cond3A_284 {
        %dma_wait3A_342 = arith.constant 0 : i32
        %dma_wait3A_343 = arith.constant 0 : i32
        %dma_wait3A_344 = tpu.memref_slice %arg8[%dma_wait3A_342, %dma_wait3A_343] : memref<256x128xf32, #tpu.memory_space<vmem>> -> memref<128x128xf32, #tpu.memory_space<vmem>>
        %dma_wait3A_345 = arith.constant 0 : i32
        %dma_wait3A_346 = arith.constant 0 : i32
        %dma_wait3A_347 = tpu.memref_slice %arg3[%dma_wait3A_345, %dma_wait3A_346] : memref<10000x128xf32, #tpu.memory_space<hbm>> -> memref<128x128xf32, #tpu.memory_space<hbm>>
        %dma_wait3A_348 = arith.constant 0 : i32
        %dma_wait3A_349 = arith.constant 0 : i32
        %dma_wait3A_350 = tpu.memref_slice %arg8[%dma_wait3A_348, %dma_wait3A_349] : memref<256x128xf32, #tpu.memory_space<vmem>> -> memref<128x128xf32, #tpu.memory_space<vmem>>
        %dma_wait3A_351 = arith.constant 0 : i32
        %dma_wait3A_352 = arith.constant 0 : i32
        %dma_wait3A_353 = tpu.memref_slice %arg3[%dma_wait3A_351, %dma_wait3A_352] : memref<10000x128xf32, #tpu.memory_space<hbm>> -> memref<128x128xf32, #tpu.memory_space<hbm>>
        tpu.wait_dma2 semaphore(%arg10 : memref<!tpu.dma_semaphore, #tpu.memory_space<semaphore_mem>>) src(%dma_wait3A_353 : memref<128x128xf32, #tpu.memory_space<hbm>>) dst(%dma_wait3A_350 : memref<128x128xf32, #tpu.memory_space<vmem>>)
      } else {
      }
      %add3A_285 = arith.constant 128 : i32
      %add3A_286 = arith.addi %add3A_272, %add3A_285 : i32
      %lt3A_287 = arith.constant 2500 : i32
      %lt3A_288 = arith.cmpi slt, %add3A_286, %lt3A_287 : i32
      %convert_element_type3A_289 = arith.extui %lt3A_288 : i1 to i32
      %cond3A_290 = arith.constant 0 : i32
      %cond3A_291 = arith.cmpi ne, %convert_element_type3A_289, %cond3A_290 : i32
      scf.if %cond3A_291 {
        %add3A_342 = arith.constant 4 : i32
        %add3A_343 = arith.addi %add3A_269, %add3A_342 : i32
        %mul3A_344 = arith.constant 32 : i32
        %mul3A_345 = arith.muli %add3A_343, %mul3A_344 : i32
        %add3A_346 = arith.addi %mul3A_345, %add3A : i32
        %mul3A_347 = arith.constant 128 : i32
        %mul3A_348 = arith.muli %add3A_346, %mul3A_347 : i32
        %multiple_of3A_349 = tpu.assume_multiple %mul3A_348, 128 : i32
        %dma_start3A_350 = arith.constant 0 : i32
        %dma_start3A_351 = arith.constant 2 : i32
        %dma_start3A_352 = arith.constant 0 : i32
        %dma_start3A_353 = tpu.memref_slice %arg6[%dma_start3A_351, %dma_start3A_352] : memref<4x128xi32, #tpu.memory_space<vmem>> -> memref<1x128xi32, #tpu.memory_space<vmem>>
        %dma_start3A_354 = tpu.memref_squeeze %dma_start3A_353 : memref<1x128xi32, #tpu.memory_space<vmem>> -> memref<128xi32, #tpu.memory_space<vmem>>
        %dma_start3A_355 = tpu.memref_slice %arg2[%dma_start3A_350, %multiple_of3A_349] : memref<2x320000xi32, #tpu.memory_space<hbm>> -> memref<1x128xi32, #tpu.memory_space<hbm>>
        %dma_start3A_356 = tpu.memref_squeeze %dma_start3A_355 : memref<1x128xi32, #tpu.memory_space<hbm>> -> memref<128xi32, #tpu.memory_space<hbm>>
        %dma_start3A_357 = arith.constant 0 : i32
        %dma_start3A_358 = tpu.memref_slice %arg6[%dma_start3A_351, %dma_start3A_357] : memref<4x128xi32, #tpu.memory_space<vmem>> -> memref<1x128xi32, #tpu.memory_space<vmem>>
        %dma_start3A_359 = tpu.memref_squeeze %dma_start3A_358 : memref<1x128xi32, #tpu.memory_space<vmem>> -> memref<128xi32, #tpu.memory_space<vmem>>
        %dma_start3A_360 = tpu.memref_slice %arg2[%dma_start3A_350, %multiple_of3A_349] : memref<2x320000xi32, #tpu.memory_space<hbm>> -> memref<1x128xi32, #tpu.memory_space<hbm>>
        %dma_start3A_361 = tpu.memref_squeeze %dma_start3A_360 : memref<1x128xi32, #tpu.memory_space<hbm>> -> memref<128xi32, #tpu.memory_space<hbm>>
        tpu.enqueue_dma source(%dma_start3A_361 : memref<128xi32, #tpu.memory_space<hbm>>) target(%dma_start3A_359 : memref<128xi32, #tpu.memory_space<vmem>>) target_semaphore(%arg16 : memref<!tpu.dma_semaphore, #tpu.memory_space<semaphore_mem>>)
      } else {
      }
      %lt3A_292 = arith.constant 2500 : i32
      %lt3A_293 = arith.cmpi slt, %add3A_272, %lt3A_292 : i32
      %convert_element_type3A_294 = arith.extui %lt3A_293 : i1 to i32
      %cond3A_295 = arith.constant 0 : i32
      %cond3A_296 = arith.cmpi ne, %convert_element_type3A_294, %cond3A_295 : i32
      scf.if %cond3A_296 {
        %dma_wait3A_342 = arith.constant 0 : i32
        %dma_wait3A_343 = arith.constant 2 : i32
        %dma_wait3A_344 = arith.constant 0 : i32
        %dma_wait3A_345 = tpu.memref_slice %arg7[%dma_wait3A_343, %dma_wait3A_344] : memref<4x128xi32, #tpu.memory_space<vmem>> -> memref<1x128xi32, #tpu.memory_space<vmem>>
        %dma_wait3A_346 = tpu.memref_squeeze %dma_wait3A_345 : memref<1x128xi32, #tpu.memory_space<vmem>> -> memref<128xi32, #tpu.memory_space<vmem>>
        %dma_wait3A_347 = arith.constant 0 : i32
        %dma_wait3A_348 = tpu.memref_slice %arg2[%dma_wait3A_342, %dma_wait3A_347] : memref<2x320000xi32, #tpu.memory_space<hbm>> -> memref<1x128xi32, #tpu.memory_space<hbm>>
        %dma_wait3A_349 = tpu.memref_squeeze %dma_wait3A_348 : memref<1x128xi32, #tpu.memory_space<hbm>> -> memref<128xi32, #tpu.memory_space<hbm>>
        %dma_wait3A_350 = arith.constant 0 : i32
        %dma_wait3A_351 = tpu.memref_slice %arg7[%dma_wait3A_343, %dma_wait3A_350] : memref<4x128xi32, #tpu.memory_space<vmem>> -> memref<1x128xi32, #tpu.memory_space<vmem>>
        %dma_wait3A_352 = tpu.memref_squeeze %dma_wait3A_351 : memref<1x128xi32, #tpu.memory_space<vmem>> -> memref<128xi32, #tpu.memory_space<vmem>>
        %dma_wait3A_353 = arith.constant 0 : i32
        %dma_wait3A_354 = tpu.memref_slice %arg2[%dma_wait3A_342, %dma_wait3A_353] : memref<2x320000xi32, #tpu.memory_space<hbm>> -> memref<1x128xi32, #tpu.memory_space<hbm>>
        %dma_wait3A_355 = tpu.memref_squeeze %dma_wait3A_354 : memref<1x128xi32, #tpu.memory_space<hbm>> -> memref<128xi32, #tpu.memory_space<hbm>>
        tpu.wait_dma2 semaphore(%arg20 : memref<!tpu.dma_semaphore, #tpu.memory_space<semaphore_mem>>) src(%dma_wait3A_355 : memref<128xi32, #tpu.memory_space<hbm>>) dst(%dma_wait3A_352 : memref<128xi32, #tpu.memory_space<vmem>>)
        %dma_start3A_356 = arith.constant 2 : i32
        %dma_start3A_357 = arith.constant 0 : i32
        %dma_start3A_358 = arith.constant 0 : i32
        %dma_start3A_359 = tpu.memref_slice %arg8[%dma_start3A_357, %dma_start3A_358] : memref<256x128xf32, #tpu.memory_space<vmem>> -> memref<128x128xf32, #tpu.memory_space<vmem>>
        %dma_start3A_360 = arith.constant 0 : i32
        %dma_start3A_361 = tpu.memref_slice %arg7[%dma_start3A_356, %dma_start3A_360] : memref<4x128xi32, #tpu.memory_space<vmem>> -> memref<1x128xi32, #tpu.memory_space<vmem>>
        %dma_start3A_362 = tpu.memref_squeeze %dma_start3A_361 : memref<1x128xi32, #tpu.memory_space<vmem>> -> memref<128xi32, #tpu.memory_space<vmem>>
        %dma_start3A_363 = arith.constant 0 : i32
        %dma_start3A_364 = arith.constant 0 : i32
        %dma_start3A_365 = tpu.memref_slice %arg9[%dma_start3A_363, %dma_start3A_364] : memref<10000x128xf32, #tpu.memory_space<vmem_shared>> -> memref<10000x128xf32, #tpu.memory_space<vmem_shared>>
        tpu.enqueue_indirect_dma source(%dma_start3A_359 : memref<128x128xf32, #tpu.memory_space<vmem>>) target(%dma_start3A_365 : memref<10000x128xf32, #tpu.memory_space<vmem_shared>>) offsets(%dma_start3A_362 : memref<128xi32, #tpu.memory_space<vmem>>) semaphore(%arg12 : memref<!tpu.dma_semaphore, #tpu.memory_space<semaphore_mem>>) {add = true}
        %dma_wait3A_366 = arith.constant 0 : i32
        %dma_wait3A_367 = arith.constant 0 : i32
        %dma_wait3A_368 = tpu.memref_slice %arg8[%dma_wait3A_366, %dma_wait3A_367] : memref<256x128xf32, #tpu.memory_space<vmem>> -> memref<128x128xf32, #tpu.memory_space<vmem>>
        %dma_wait3A_369 = arith.constant 0 : i32
        %dma_wait3A_370 = arith.constant 0 : i32
        %dma_wait3A_371 = tpu.memref_slice %arg3[%dma_wait3A_369, %dma_wait3A_370] : memref<10000x128xf32, #tpu.memory_space<hbm>> -> memref<128x128xf32, #tpu.memory_space<hbm>>
        %dma_wait3A_372 = arith.constant 0 : i32
        %dma_wait3A_373 = arith.constant 0 : i32
        %dma_wait3A_374 = tpu.memref_slice %arg8[%dma_wait3A_372, %dma_wait3A_373] : memref<256x128xf32, #tpu.memory_space<vmem>> -> memref<128x128xf32, #tpu.memory_space<vmem>>
        %dma_wait3A_375 = arith.constant 0 : i32
        %dma_wait3A_376 = arith.constant 0 : i32
        %dma_wait3A_377 = tpu.memref_slice %arg3[%dma_wait3A_375, %dma_wait3A_376] : memref<10000x128xf32, #tpu.memory_space<hbm>> -> memref<128x128xf32, #tpu.memory_space<hbm>>
        tpu.wait_dma2 semaphore(%arg12 : memref<!tpu.dma_semaphore, #tpu.memory_space<semaphore_mem>>) src(%dma_wait3A_377 : memref<128x128xf32, #tpu.memory_space<hbm>>) dst(%dma_wait3A_374 : memref<128x128xf32, #tpu.memory_space<vmem>>)
      } else {
      }
      %add3A_297 = arith.constant 128 : i32
      %add3A_298 = arith.addi %add3A_272, %add3A_297 : i32
      %lt3A_299 = arith.constant 2500 : i32
      %lt3A_300 = arith.cmpi slt, %add3A_298, %lt3A_299 : i32
      %convert_element_type3A_301 = arith.extui %lt3A_300 : i1 to i32
      %cond3A_302 = arith.constant 0 : i32
      %cond3A_303 = arith.cmpi ne, %convert_element_type3A_301, %cond3A_302 : i32
      scf.if %cond3A_303 {
        %add3A_342 = arith.constant 4 : i32
        %add3A_343 = arith.addi %add3A_269, %add3A_342 : i32
        %mul3A_344 = arith.constant 32 : i32
        %mul3A_345 = arith.muli %add3A_343, %mul3A_344 : i32
        %add3A_346 = arith.addi %mul3A_345, %add3A : i32
        %mul3A_347 = arith.constant 128 : i32
        %mul3A_348 = arith.muli %add3A_346, %mul3A_347 : i32
        %multiple_of3A_349 = tpu.assume_multiple %mul3A_348, 128 : i32
        %dma_start3A_350 = arith.constant 1 : i32
        %dma_start3A_351 = arith.constant 2 : i32
        %dma_start3A_352 = arith.constant 0 : i32
        %dma_start3A_353 = tpu.memref_slice %arg7[%dma_start3A_351, %dma_start3A_352] : memref<4x128xi32, #tpu.memory_space<vmem>> -> memref<1x128xi32, #tpu.memory_space<vmem>>
        %dma_start3A_354 = tpu.memref_squeeze %dma_start3A_353 : memref<1x128xi32, #tpu.memory_space<vmem>> -> memref<128xi32, #tpu.memory_space<vmem>>
        %dma_start3A_355 = tpu.memref_slice %arg2[%dma_start3A_350, %multiple_of3A_349] : memref<2x320000xi32, #tpu.memory_space<hbm>> -> memref<1x128xi32, #tpu.memory_space<hbm>>
        %dma_start3A_356 = tpu.memref_squeeze %dma_start3A_355 : memref<1x128xi32, #tpu.memory_space<hbm>> -> memref<128xi32, #tpu.memory_space<hbm>>
        %dma_start3A_357 = arith.constant 0 : i32
        %dma_start3A_358 = tpu.memref_slice %arg7[%dma_start3A_351, %dma_start3A_357] : memref<4x128xi32, #tpu.memory_space<vmem>> -> memref<1x128xi32, #tpu.memory_space<vmem>>
        %dma_start3A_359 = tpu.memref_squeeze %dma_start3A_358 : memref<1x128xi32, #tpu.memory_space<vmem>> -> memref<128xi32, #tpu.memory_space<vmem>>
        %dma_start3A_360 = tpu.memref_slice %arg2[%dma_start3A_350, %multiple_of3A_349] : memref<2x320000xi32, #tpu.memory_space<hbm>> -> memref<1x128xi32, #tpu.memory_space<hbm>>
        %dma_start3A_361 = tpu.memref_squeeze %dma_start3A_360 : memref<1x128xi32, #tpu.memory_space<hbm>> -> memref<128xi32, #tpu.memory_space<hbm>>
        tpu.enqueue_dma source(%dma_start3A_361 : memref<128xi32, #tpu.memory_space<hbm>>) target(%dma_start3A_359 : memref<128xi32, #tpu.memory_space<vmem>>) target_semaphore(%arg20 : memref<!tpu.dma_semaphore, #tpu.memory_space<semaphore_mem>>)
      } else {
      }
      %mul3A_304 = arith.constant 4 : i32
      %mul3A_305 = arith.muli %mul3A_304, %add3A_189 : i32
      %add3A_306 = arith.constant 3 : i32
      %add3A_307 = arith.addi %mul3A_305, %add3A_306 : i32
      %mul3A_308 = arith.constant 32 : i32
      %mul3A_309 = arith.muli %add3A_307, %mul3A_308 : i32
      %add3A_310 = arith.addi %mul3A_309, %add3A : i32
      %add3A_311 = arith.constant 32 : i32
      %add3A_312 = arith.addi %add3A_310, %add3A_311 : i32
      %lt3A_313 = arith.constant 2500 : i32
      %lt3A_314 = arith.cmpi slt, %add3A_312, %lt3A_313 : i32
      %convert_element_type3A_315 = arith.extui %lt3A_314 : i1 to i32
      %cond3A_316 = arith.constant 0 : i32
      %cond3A_317 = arith.cmpi ne, %convert_element_type3A_315, %cond3A_316 : i32
      scf.if %cond3A_317 {
        %dma_wait3A_342 = arith.constant 0 : i32
        %dma_wait3A_343 = arith.constant 0 : i32
        %dma_wait3A_344 = arith.constant 0 : i32
        %dma_wait3A_345 = tpu.memref_slice %arg6[%dma_wait3A_343, %dma_wait3A_344] : memref<4x128xi32, #tpu.memory_space<vmem>> -> memref<1x128xi32, #tpu.memory_space<vmem>>
        %dma_wait3A_346 = tpu.memref_squeeze %dma_wait3A_345 : memref<1x128xi32, #tpu.memory_space<vmem>> -> memref<128xi32, #tpu.memory_space<vmem>>
        %dma_wait3A_347 = arith.constant 0 : i32
        %dma_wait3A_348 = tpu.memref_slice %arg2[%dma_wait3A_342, %dma_wait3A_347] : memref<2x320000xi32, #tpu.memory_space<hbm>> -> memref<1x128xi32, #tpu.memory_space<hbm>>
        %dma_wait3A_349 = tpu.memref_squeeze %dma_wait3A_348 : memref<1x128xi32, #tpu.memory_space<hbm>> -> memref<128xi32, #tpu.memory_space<hbm>>
        %dma_wait3A_350 = arith.constant 0 : i32
        %dma_wait3A_351 = tpu.memref_slice %arg6[%dma_wait3A_343, %dma_wait3A_350] : memref<4x128xi32, #tpu.memory_space<vmem>> -> memref<1x128xi32, #tpu.memory_space<vmem>>
        %dma_wait3A_352 = tpu.memref_squeeze %dma_wait3A_351 : memref<1x128xi32, #tpu.memory_space<vmem>> -> memref<128xi32, #tpu.memory_space<vmem>>
        %dma_wait3A_353 = arith.constant 0 : i32
        %dma_wait3A_354 = tpu.memref_slice %arg2[%dma_wait3A_342, %dma_wait3A_353] : memref<2x320000xi32, #tpu.memory_space<hbm>> -> memref<1x128xi32, #tpu.memory_space<hbm>>
        %dma_wait3A_355 = tpu.memref_squeeze %dma_wait3A_354 : memref<1x128xi32, #tpu.memory_space<hbm>> -> memref<128xi32, #tpu.memory_space<hbm>>
        tpu.wait_dma2 semaphore(%arg14 : memref<!tpu.dma_semaphore, #tpu.memory_space<semaphore_mem>>) src(%dma_wait3A_355 : memref<128xi32, #tpu.memory_space<hbm>>) dst(%dma_wait3A_352 : memref<128xi32, #tpu.memory_space<vmem>>)
        %dma_start3A_356 = arith.constant 0 : i32
        %dma_start3A_357 = arith.constant 0 : i32
        %dma_start3A_358 = arith.constant 0 : i32
        %dma_start3A_359 = tpu.memref_slice %arg8[%dma_start3A_357, %dma_start3A_358] : memref<256x128xf32, #tpu.memory_space<vmem>> -> memref<128x128xf32, #tpu.memory_space<vmem>>
        %dma_start3A_360 = arith.constant 0 : i32
        %dma_start3A_361 = tpu.memref_slice %arg6[%dma_start3A_356, %dma_start3A_360] : memref<4x128xi32, #tpu.memory_space<vmem>> -> memref<1x128xi32, #tpu.memory_space<vmem>>
        %dma_start3A_362 = tpu.memref_squeeze %dma_start3A_361 : memref<1x128xi32, #tpu.memory_space<vmem>> -> memref<128xi32, #tpu.memory_space<vmem>>
        %dma_start3A_363 = arith.constant 0 : i32
        %dma_start3A_364 = arith.constant 0 : i32
        %dma_start3A_365 = tpu.memref_slice %arg3[%dma_start3A_363, %dma_start3A_364] : memref<10000x128xf32, #tpu.memory_space<hbm>> -> memref<10000x128xf32, #tpu.memory_space<hbm>>
        tpu.enqueue_indirect_dma source(%dma_start3A_365 : memref<10000x128xf32, #tpu.memory_space<hbm>>) target(%dma_start3A_359 : memref<128x128xf32, #tpu.memory_space<vmem>>) offsets(%dma_start3A_362 : memref<128xi32, #tpu.memory_space<vmem>>) semaphore(%arg10 : memref<!tpu.dma_semaphore, #tpu.memory_space<semaphore_mem>>)
      } else {
      }
      %lt3A_318 = arith.constant 2500 : i32
      %lt3A_319 = arith.cmpi slt, %add3A_310, %lt3A_318 : i32
      %convert_element_type3A_320 = arith.extui %lt3A_319 : i1 to i32
      %cond3A_321 = arith.constant 0 : i32
      %cond3A_322 = arith.cmpi ne, %convert_element_type3A_320, %cond3A_321 : i32
      scf.if %cond3A_322 {
        %dma_wait3A_342 = arith.constant 128 : i32
        %dma_wait3A_343 = arith.constant 0 : i32
        %dma_wait3A_344 = tpu.memref_slice %arg8[%dma_wait3A_342, %dma_wait3A_343] : memref<256x128xf32, #tpu.memory_space<vmem>> -> memref<128x128xf32, #tpu.memory_space<vmem>>
        %dma_wait3A_345 = arith.constant 0 : i32
        %dma_wait3A_346 = arith.constant 0 : i32
        %dma_wait3A_347 = tpu.memref_slice %arg3[%dma_wait3A_345, %dma_wait3A_346] : memref<10000x128xf32, #tpu.memory_space<hbm>> -> memref<128x128xf32, #tpu.memory_space<hbm>>
        %dma_wait3A_348 = arith.constant 128 : i32
        %dma_wait3A_349 = arith.constant 0 : i32
        %dma_wait3A_350 = tpu.memref_slice %arg8[%dma_wait3A_348, %dma_wait3A_349] : memref<256x128xf32, #tpu.memory_space<vmem>> -> memref<128x128xf32, #tpu.memory_space<vmem>>
        %dma_wait3A_351 = arith.constant 0 : i32
        %dma_wait3A_352 = arith.constant 0 : i32
        %dma_wait3A_353 = tpu.memref_slice %arg3[%dma_wait3A_351, %dma_wait3A_352] : memref<10000x128xf32, #tpu.memory_space<hbm>> -> memref<128x128xf32, #tpu.memory_space<hbm>>
        tpu.wait_dma2 semaphore(%arg11 : memref<!tpu.dma_semaphore, #tpu.memory_space<semaphore_mem>>) src(%dma_wait3A_353 : memref<128x128xf32, #tpu.memory_space<hbm>>) dst(%dma_wait3A_350 : memref<128x128xf32, #tpu.memory_space<vmem>>)
      } else {
      }
      %add3A_323 = arith.constant 128 : i32
      %add3A_324 = arith.addi %add3A_310, %add3A_323 : i32
      %lt3A_325 = arith.constant 2500 : i32
      %lt3A_326 = arith.cmpi slt, %add3A_324, %lt3A_325 : i32
      %convert_element_type3A_327 = arith.extui %lt3A_326 : i1 to i32
      %cond3A_328 = arith.constant 0 : i32
      %cond3A_329 = arith.cmpi ne, %convert_element_type3A_327, %cond3A_328 : i32
      scf.if %cond3A_329 {
        %add3A_342 = arith.constant 4 : i32
        %add3A_343 = arith.addi %add3A_307, %add3A_342 : i32
        %mul3A_344 = arith.constant 32 : i32
        %mul3A_345 = arith.muli %add3A_343, %mul3A_344 : i32
        %add3A_346 = arith.addi %mul3A_345, %add3A : i32
        %mul3A_347 = arith.constant 128 : i32
        %mul3A_348 = arith.muli %add3A_346, %mul3A_347 : i32
        %multiple_of3A_349 = tpu.assume_multiple %mul3A_348, 128 : i32
        %dma_start3A_350 = arith.constant 0 : i32
        %dma_start3A_351 = arith.constant 3 : i32
        %dma_start3A_352 = arith.constant 0 : i32
        %dma_start3A_353 = tpu.memref_slice %arg6[%dma_start3A_351, %dma_start3A_352] : memref<4x128xi32, #tpu.memory_space<vmem>> -> memref<1x128xi32, #tpu.memory_space<vmem>>
        %dma_start3A_354 = tpu.memref_squeeze %dma_start3A_353 : memref<1x128xi32, #tpu.memory_space<vmem>> -> memref<128xi32, #tpu.memory_space<vmem>>
        %dma_start3A_355 = tpu.memref_slice %arg2[%dma_start3A_350, %multiple_of3A_349] : memref<2x320000xi32, #tpu.memory_space<hbm>> -> memref<1x128xi32, #tpu.memory_space<hbm>>
        %dma_start3A_356 = tpu.memref_squeeze %dma_start3A_355 : memref<1x128xi32, #tpu.memory_space<hbm>> -> memref<128xi32, #tpu.memory_space<hbm>>
        %dma_start3A_357 = arith.constant 0 : i32
        %dma_start3A_358 = tpu.memref_slice %arg6[%dma_start3A_351, %dma_start3A_357] : memref<4x128xi32, #tpu.memory_space<vmem>> -> memref<1x128xi32, #tpu.memory_space<vmem>>
        %dma_start3A_359 = tpu.memref_squeeze %dma_start3A_358 : memref<1x128xi32, #tpu.memory_space<vmem>> -> memref<128xi32, #tpu.memory_space<vmem>>
        %dma_start3A_360 = tpu.memref_slice %arg2[%dma_start3A_350, %multiple_of3A_349] : memref<2x320000xi32, #tpu.memory_space<hbm>> -> memref<1x128xi32, #tpu.memory_space<hbm>>
        %dma_start3A_361 = tpu.memref_squeeze %dma_start3A_360 : memref<1x128xi32, #tpu.memory_space<hbm>> -> memref<128xi32, #tpu.memory_space<hbm>>
        tpu.enqueue_dma source(%dma_start3A_361 : memref<128xi32, #tpu.memory_space<hbm>>) target(%dma_start3A_359 : memref<128xi32, #tpu.memory_space<vmem>>) target_semaphore(%arg17 : memref<!tpu.dma_semaphore, #tpu.memory_space<semaphore_mem>>)
      } else {
      }
      %lt3A_330 = arith.constant 2500 : i32
      %lt3A_331 = arith.cmpi slt, %add3A_310, %lt3A_330 : i32
      %convert_element_type3A_332 = arith.extui %lt3A_331 : i1 to i32
      %cond3A_333 = arith.constant 0 : i32
      %cond3A_334 = arith.cmpi ne, %convert_element_type3A_332, %cond3A_333 : i32
      scf.if %cond3A_334 {
        %dma_wait3A_342 = arith.constant 0 : i32
        %dma_wait3A_343 = arith.constant 3 : i32
        %dma_wait3A_344 = arith.constant 0 : i32
        %dma_wait3A_345 = tpu.memref_slice %arg7[%dma_wait3A_343, %dma_wait3A_344] : memref<4x128xi32, #tpu.memory_space<vmem>> -> memref<1x128xi32, #tpu.memory_space<vmem>>
        %dma_wait3A_346 = tpu.memref_squeeze %dma_wait3A_345 : memref<1x128xi32, #tpu.memory_space<vmem>> -> memref<128xi32, #tpu.memory_space<vmem>>
        %dma_wait3A_347 = arith.constant 0 : i32
        %dma_wait3A_348 = tpu.memref_slice %arg2[%dma_wait3A_342, %dma_wait3A_347] : memref<2x320000xi32, #tpu.memory_space<hbm>> -> memref<1x128xi32, #tpu.memory_space<hbm>>
        %dma_wait3A_349 = tpu.memref_squeeze %dma_wait3A_348 : memref<1x128xi32, #tpu.memory_space<hbm>> -> memref<128xi32, #tpu.memory_space<hbm>>
        %dma_wait3A_350 = arith.constant 0 : i32
        %dma_wait3A_351 = tpu.memref_slice %arg7[%dma_wait3A_343, %dma_wait3A_350] : memref<4x128xi32, #tpu.memory_space<vmem>> -> memref<1x128xi32, #tpu.memory_space<vmem>>
        %dma_wait3A_352 = tpu.memref_squeeze %dma_wait3A_351 : memref<1x128xi32, #tpu.memory_space<vmem>> -> memref<128xi32, #tpu.memory_space<vmem>>
        %dma_wait3A_353 = arith.constant 0 : i32
        %dma_wait3A_354 = tpu.memref_slice %arg2[%dma_wait3A_342, %dma_wait3A_353] : memref<2x320000xi32, #tpu.memory_space<hbm>> -> memref<1x128xi32, #tpu.memory_space<hbm>>
        %dma_wait3A_355 = tpu.memref_squeeze %dma_wait3A_354 : memref<1x128xi32, #tpu.memory_space<hbm>> -> memref<128xi32, #tpu.memory_space<hbm>>
        tpu.wait_dma2 semaphore(%arg21 : memref<!tpu.dma_semaphore, #tpu.memory_space<semaphore_mem>>) src(%dma_wait3A_355 : memref<128xi32, #tpu.memory_space<hbm>>) dst(%dma_wait3A_352 : memref<128xi32, #tpu.memory_space<vmem>>)
        %dma_start3A_356 = arith.constant 3 : i32
        %dma_start3A_357 = arith.constant 128 : i32
        %dma_start3A_358 = arith.constant 0 : i32
        %dma_start3A_359 = tpu.memref_slice %arg8[%dma_start3A_357, %dma_start3A_358] : memref<256x128xf32, #tpu.memory_space<vmem>> -> memref<128x128xf32, #tpu.memory_space<vmem>>
        %dma_start3A_360 = arith.constant 0 : i32
        %dma_start3A_361 = tpu.memref_slice %arg7[%dma_start3A_356, %dma_start3A_360] : memref<4x128xi32, #tpu.memory_space<vmem>> -> memref<1x128xi32, #tpu.memory_space<vmem>>
        %dma_start3A_362 = tpu.memref_squeeze %dma_start3A_361 : memref<1x128xi32, #tpu.memory_space<vmem>> -> memref<128xi32, #tpu.memory_space<vmem>>
        %dma_start3A_363 = arith.constant 0 : i32
        %dma_start3A_364 = arith.constant 0 : i32
        %dma_start3A_365 = tpu.memref_slice %arg9[%dma_start3A_363, %dma_start3A_364] : memref<10000x128xf32, #tpu.memory_space<vmem_shared>> -> memref<10000x128xf32, #tpu.memory_space<vmem_shared>>
        tpu.enqueue_indirect_dma source(%dma_start3A_359 : memref<128x128xf32, #tpu.memory_space<vmem>>) target(%dma_start3A_365 : memref<10000x128xf32, #tpu.memory_space<vmem_shared>>) offsets(%dma_start3A_362 : memref<128xi32, #tpu.memory_space<vmem>>) semaphore(%arg13 : memref<!tpu.dma_semaphore, #tpu.memory_space<semaphore_mem>>) {add = true}
        %dma_wait3A_366 = arith.constant 128 : i32
        %dma_wait3A_367 = arith.constant 0 : i32
        %dma_wait3A_368 = tpu.memref_slice %arg8[%dma_wait3A_366, %dma_wait3A_367] : memref<256x128xf32, #tpu.memory_space<vmem>> -> memref<128x128xf32, #tpu.memory_space<vmem>>
        %dma_wait3A_369 = arith.constant 0 : i32
        %dma_wait3A_370 = arith.constant 0 : i32
        %dma_wait3A_371 = tpu.memref_slice %arg3[%dma_wait3A_369, %dma_wait3A_370] : memref<10000x128xf32, #tpu.memory_space<hbm>> -> memref<128x128xf32, #tpu.memory_space<hbm>>
        %dma_wait3A_372 = arith.constant 128 : i32
        %dma_wait3A_373 = arith.constant 0 : i32
        %dma_wait3A_374 = tpu.memref_slice %arg8[%dma_wait3A_372, %dma_wait3A_373] : memref<256x128xf32, #tpu.memory_space<vmem>> -> memref<128x128xf32, #tpu.memory_space<vmem>>
        %dma_wait3A_375 = arith.constant 0 : i32
        %dma_wait3A_376 = arith.constant 0 : i32
        %dma_wait3A_377 = tpu.memref_slice %arg3[%dma_wait3A_375, %dma_wait3A_376] : memref<10000x128xf32, #tpu.memory_space<hbm>> -> memref<128x128xf32, #tpu.memory_space<hbm>>
        tpu.wait_dma2 semaphore(%arg13 : memref<!tpu.dma_semaphore, #tpu.memory_space<semaphore_mem>>) src(%dma_wait3A_377 : memref<128x128xf32, #tpu.memory_space<hbm>>) dst(%dma_wait3A_374 : memref<128x128xf32, #tpu.memory_space<vmem>>)
      } else {
      }
      %add3A_335 = arith.constant 128 : i32
      %add3A_336 = arith.addi %add3A_310, %add3A_335 : i32
      %lt3A_337 = arith.constant 2500 : i32
      %lt3A_338 = arith.cmpi slt, %add3A_336, %lt3A_337 : i32
      %convert_element_type3A_339 = arith.extui %lt3A_338 : i1 to i32
      %cond3A_340 = arith.constant 0 : i32
      %cond3A_341 = arith.cmpi ne, %convert_element_type3A_339, %cond3A_340 : i32
      scf.if %cond3A_341 {
        %add3A_342 = arith.constant 4 : i32
        %add3A_343 = arith.addi %add3A_307, %add3A_342 : i32
        %mul3A_344 = arith.constant 32 : i32
        %mul3A_345 = arith.muli %add3A_343, %mul3A_344 : i32
        %add3A_346 = arith.addi %mul3A_345, %add3A : i32
        %mul3A_347 = arith.constant 128 : i32
        %mul3A_348 = arith.muli %add3A_346, %mul3A_347 : i32
        %multiple_of3A_349 = tpu.assume_multiple %mul3A_348, 128 : i32
        %dma_start3A_350 = arith.constant 1 : i32
        %dma_start3A_351 = arith.constant 3 : i32
        %dma_start3A_352 = arith.constant 0 : i32
        %dma_start3A_353 = tpu.memref_slice %arg7[%dma_start3A_351, %dma_start3A_352] : memref<4x128xi32, #tpu.memory_space<vmem>> -> memref<1x128xi32, #tpu.memory_space<vmem>>
        %dma_start3A_354 = tpu.memref_squeeze %dma_start3A_353 : memref<1x128xi32, #tpu.memory_space<vmem>> -> memref<128xi32, #tpu.memory_space<vmem>>
        %dma_start3A_355 = tpu.memref_slice %arg2[%dma_start3A_350, %multiple_of3A_349] : memref<2x320000xi32, #tpu.memory_space<hbm>> -> memref<1x128xi32, #tpu.memory_space<hbm>>
        %dma_start3A_356 = tpu.memref_squeeze %dma_start3A_355 : memref<1x128xi32, #tpu.memory_space<hbm>> -> memref<128xi32, #tpu.memory_space<hbm>>
        %dma_start3A_357 = arith.constant 0 : i32
        %dma_start3A_358 = tpu.memref_slice %arg7[%dma_start3A_351, %dma_start3A_357] : memref<4x128xi32, #tpu.memory_space<vmem>> -> memref<1x128xi32, #tpu.memory_space<vmem>>
        %dma_start3A_359 = tpu.memref_squeeze %dma_start3A_358 : memref<1x128xi32, #tpu.memory_space<vmem>> -> memref<128xi32, #tpu.memory_space<vmem>>
        %dma_start3A_360 = tpu.memref_slice %arg2[%dma_start3A_350, %multiple_of3A_349] : memref<2x320000xi32, #tpu.memory_space<hbm>> -> memref<1x128xi32, #tpu.memory_space<hbm>>
        %dma_start3A_361 = tpu.memref_squeeze %dma_start3A_360 : memref<1x128xi32, #tpu.memory_space<hbm>> -> memref<128xi32, #tpu.memory_space<hbm>>
        tpu.enqueue_dma source(%dma_start3A_361 : memref<128xi32, #tpu.memory_space<hbm>>) target(%dma_start3A_359 : memref<128xi32, #tpu.memory_space<vmem>>) target_semaphore(%arg21 : memref<!tpu.dma_semaphore, #tpu.memory_space<semaphore_mem>>)
      } else {
      }
    }
    %scan3A_170 = arith.constant 20 : i32
    %barrier3A_171 = arith.constant 0 : index
    tpu.barrier barrier_id(%barrier3A_171)
    %mul3A_172 = arith.constant 632 : i32
    %mul3A_173 = arith.muli %arg1, %mul3A_172 : i32
    %multiple_of3A_174 = tpu.assume_multiple %mul3A_173, 8 : i32
    %lt3A_175 = arith.constant 15 : i32
    %lt3A_176 = arith.cmpi slt, %arg1, %lt3A_175 : i32
    %convert_element_type3A_177 = arith.extui %lt3A_176 : i1 to i32
    %cond3A_178 = arith.constant 0 : i32
    %cond3A_179 = arith.cmpi ne, %convert_element_type3A_177, %cond3A_178 : i32
    scf.if %cond3A_179 {
      "tpu.region"() ({
        %run_scoped3A = tpu.sem_alloc : memref<!tpu.dma_semaphore, #tpu.memory_space<semaphore_mem>>
        %dma_start3A_185 = arith.constant 0 : i32
        %dma_start3A_186 = tpu.memref_slice %arg5[%arg0, %multiple_of3A_174, %dma_start3A_185] : memref<2x10000x128xf32, #tpu.memory_space<hbm>> -> memref<1x632x128xf32, #tpu.memory_space<hbm>>
        %dma_start3A_187 = tpu.memref_squeeze %dma_start3A_186 : memref<1x632x128xf32, #tpu.memory_space<hbm>> -> memref<632x128xf32, #tpu.memory_space<hbm>>
        %dma_start3A_188 = arith.constant 0 : i32
        %dma_start3A_189 = tpu.memref_slice %arg9[%multiple_of3A_174, %dma_start3A_188] : memref<10000x128xf32, #tpu.memory_space<vmem_shared>> -> memref<632x128xf32, #tpu.memory_space<vmem_shared>>
        tpu.enqueue_dma source(%dma_start3A_189 : memref<632x128xf32, #tpu.memory_space<vmem_shared>>) target(%dma_start3A_187 : memref<632x128xf32, #tpu.memory_space<hbm>>) target_semaphore(%run_scoped3A : memref<!tpu.dma_semaphore, #tpu.memory_space<semaphore_mem>>)
        %dma_wait3A_190 = arith.constant 0 : i32
        %dma_wait3A_191 = tpu.memref_slice %arg5[%arg0, %multiple_of3A_174, %dma_wait3A_190] : memref<2x10000x128xf32, #tpu.memory_space<hbm>> -> memref<1x632x128xf32, #tpu.memory_space<hbm>>
        %dma_wait3A_192 = tpu.memref_squeeze %dma_wait3A_191 : memref<1x632x128xf32, #tpu.memory_space<hbm>> -> memref<632x128xf32, #tpu.memory_space<hbm>>
        %dma_wait3A_193 = arith.constant 0 : i32
        %dma_wait3A_194 = tpu.memref_slice %arg9[%multiple_of3A_174, %dma_wait3A_193] : memref<10000x128xf32, #tpu.memory_space<vmem_shared>> -> memref<632x128xf32, #tpu.memory_space<vmem_shared>>
        tpu.wait_dma2 semaphore(%run_scoped3A : memref<!tpu.dma_semaphore, #tpu.memory_space<semaphore_mem>>) src(%dma_wait3A_194 : memref<632x128xf32, #tpu.memory_space<vmem_shared>>) dst(%dma_wait3A_192 : memref<632x128xf32, #tpu.memory_space<hbm>>)
        tpu.yield
      }) : () -> ()
    } else {
    }
    %eq3A_180 = arith.constant 15 : i32
    %eq3A_181 = arith.cmpi eq, %arg1, %eq3A_180 : i32
    %convert_element_type3A_182 = arith.extui %eq3A_181 : i1 to i32
    %cond3A_183 = arith.constant 0 : i32
    %cond3A_184 = arith.cmpi ne, %convert_element_type3A_182, %cond3A_183 : i32
    scf.if %cond3A_184 {
      "tpu.region"() ({
        %run_scoped3A = tpu.sem_alloc : memref<!tpu.dma_semaphore, #tpu.memory_space<semaphore_mem>>
        %dma_start3A_185 = arith.constant 0 : i32
        %dma_start3A_186 = tpu.memref_slice %arg5[%arg0, %multiple_of3A_174, %dma_start3A_185] : memref<2x10000x128xf32, #tpu.memory_space<hbm>> -> memref<1x520x128xf32, #tpu.memory_space<hbm>>
        %dma_start3A_187 = tpu.memref_squeeze %dma_start3A_186 : memref<1x520x128xf32, #tpu.memory_space<hbm>> -> memref<520x128xf32, #tpu.memory_space<hbm>>
        %dma_start3A_188 = arith.constant 0 : i32
        %dma_start3A_189 = tpu.memref_slice %arg9[%multiple_of3A_174, %dma_start3A_188] : memref<10000x128xf32, #tpu.memory_space<vmem_shared>> -> memref<520x128xf32, #tpu.memory_space<vmem_shared>>
        tpu.enqueue_dma source(%dma_start3A_189 : memref<520x128xf32, #tpu.memory_space<vmem_shared>>) target(%dma_start3A_187 : memref<520x128xf32, #tpu.memory_space<hbm>>) target_semaphore(%run_scoped3A : memref<!tpu.dma_semaphore, #tpu.memory_space<semaphore_mem>>)
        %dma_wait3A_190 = arith.constant 0 : i32
        %dma_wait3A_191 = tpu.memref_slice %arg5[%arg0, %multiple_of3A_174, %dma_wait3A_190] : memref<2x10000x128xf32, #tpu.memory_space<hbm>> -> memref<1x520x128xf32, #tpu.memory_space<hbm>>
        %dma_wait3A_192 = tpu.memref_squeeze %dma_wait3A_191 : memref<1x520x128xf32, #tpu.memory_space<hbm>> -> memref<520x128xf32, #tpu.memory_space<hbm>>
        %dma_wait3A_193 = arith.constant 0 : i32
        %dma_wait3A_194 = tpu.memref_slice %arg9[%multiple_of3A_174, %dma_wait3A_193] : memref<10000x128xf32, #tpu.memory_space<vmem_shared>> -> memref<520x128xf32, #tpu.memory_space<vmem_shared>>
        tpu.wait_dma2 semaphore(%run_scoped3A : memref<!tpu.dma_semaphore, #tpu.memory_space<semaphore_mem>>) src(%dma_wait3A_194 : memref<520x128xf32, #tpu.memory_space<vmem_shared>>) dst(%dma_wait3A_192 : memref<520x128xf32, #tpu.memory_space<hbm>>)
        tpu.yield
      }) : () -> ()
    } else {
    }
    return
  }
}

#map = affine_map<(d0, d1) -> (0, 0)>
module attributes {stable_mosaic.version = 14 : i64} {
  func.func @_sc_degree(%arg0: i32, %arg1: i32, %arg2: memref<2x320000xi32, #tpu.memory_space<hbm>>, %arg3: memref<32x10000xf32, #tpu.memory_space<hbm>>, %arg4: memref<80x128xi32, #tpu.memory_space<vmem>>, %arg5: memref<10000xf32, #tpu.memory_space<vmem>>, %arg6: memref<!tpu.dma_semaphore, #tpu.memory_space<semaphore_mem>>) attributes {dimension_semantics = [#tpu.dimension_semantics<core_parallel>, #tpu.dimension_semantics<subcore_parallel>], iteration_bounds = array<i64: 2, 16>, scalar_prefetch = 0 : i64, scratch_operands = 3 : i64, tpu.core_type = #tpu.core_type<sc_vector_subcore>, window_params = [{transform_indices = #map}, {transform_indices = #map}]} {
    %mul3A = arith.constant 2 : i32
    %mul3A_0 = arith.muli %arg1, %mul3A : i32
    %add3A = arith.addi %mul3A_0, %arg0 : i32
    %broadcast_in_dim3A = arith.constant 0 : i32
    %broadcast_in_dim3A_1 = vector.broadcast %broadcast_in_dim3A : i32 to vector<16xi32>
    %swap3A = arith.constant 78 : i32
    %swap3A_2 = arith.index_cast %swap3A : i32 to index
    %swap3A_3 = arith.constant 0 : index
    %swap3A_4 = tpu.vector_load %arg4[%swap3A_2, %swap3A_3] {strides = array<i32>} : memref<80x128xi32, #tpu.memory_space<vmem>>, vector<16xi32>,
    tpu.vector_store %arg4[%swap3A_2, %swap3A_3], %broadcast_in_dim3A_1 {strides = array<i32>} : memref<80x128xi32, #tpu.memory_space<vmem>>, vector<16xi32>,
    %swap3A_5 = arith.constant 78 : i32
    %swap3A_6 = arith.index_cast %swap3A_5 : i32 to index
    %swap3A_7 = arith.constant 16 : index
    %swap3A_8 = tpu.vector_load %arg4[%swap3A_6, %swap3A_7] {strides = array<i32>} : memref<80x128xi32, #tpu.memory_space<vmem>>, vector<16xi32>,
    tpu.vector_store %arg4[%swap3A_6, %swap3A_7], %broadcast_in_dim3A_1 {strides = array<i32>} : memref<80x128xi32, #tpu.memory_space<vmem>>, vector<16xi32>,
    %swap3A_9 = arith.constant 78 : i32
    %swap3A_10 = arith.index_cast %swap3A_9 : i32 to index
    %swap3A_11 = arith.constant 32 : index
    %swap3A_12 = tpu.vector_load %arg4[%swap3A_10, %swap3A_11] {strides = array<i32>} : memref<80x128xi32, #tpu.memory_space<vmem>>, vector<16xi32>,
    tpu.vector_store %arg4[%swap3A_10, %swap3A_11], %broadcast_in_dim3A_1 {strides = array<i32>} : memref<80x128xi32, #tpu.memory_space<vmem>>, vector<16xi32>,
    %swap3A_13 = arith.constant 78 : i32
    %swap3A_14 = arith.index_cast %swap3A_13 : i32 to index
    %swap3A_15 = arith.constant 48 : index
    %swap3A_16 = tpu.vector_load %arg4[%swap3A_14, %swap3A_15] {strides = array<i32>} : memref<80x128xi32, #tpu.memory_space<vmem>>, vector<16xi32>,
    tpu.vector_store %arg4[%swap3A_14, %swap3A_15], %broadcast_in_dim3A_1 {strides = array<i32>} : memref<80x128xi32, #tpu.memory_space<vmem>>, vector<16xi32>,
    %swap3A_17 = arith.constant 78 : i32
    %swap3A_18 = arith.index_cast %swap3A_17 : i32 to index
    %swap3A_19 = arith.constant 64 : index
    %swap3A_20 = tpu.vector_load %arg4[%swap3A_18, %swap3A_19] {strides = array<i32>} : memref<80x128xi32, #tpu.memory_space<vmem>>, vector<16xi32>,
    tpu.vector_store %arg4[%swap3A_18, %swap3A_19], %broadcast_in_dim3A_1 {strides = array<i32>} : memref<80x128xi32, #tpu.memory_space<vmem>>, vector<16xi32>,
    %swap3A_21 = arith.constant 78 : i32
    %swap3A_22 = arith.index_cast %swap3A_21 : i32 to index
    %swap3A_23 = arith.constant 80 : index
    %swap3A_24 = tpu.vector_load %arg4[%swap3A_22, %swap3A_23] {strides = array<i32>} : memref<80x128xi32, #tpu.memory_space<vmem>>, vector<16xi32>,
    tpu.vector_store %arg4[%swap3A_22, %swap3A_23], %broadcast_in_dim3A_1 {strides = array<i32>} : memref<80x128xi32, #tpu.memory_space<vmem>>, vector<16xi32>,
    %swap3A_25 = arith.constant 78 : i32
    %swap3A_26 = arith.index_cast %swap3A_25 : i32 to index
    %swap3A_27 = arith.constant 96 : index
    %swap3A_28 = tpu.vector_load %arg4[%swap3A_26, %swap3A_27] {strides = array<i32>} : memref<80x128xi32, #tpu.memory_space<vmem>>, vector<16xi32>,
    tpu.vector_store %arg4[%swap3A_26, %swap3A_27], %broadcast_in_dim3A_1 {strides = array<i32>} : memref<80x128xi32, #tpu.memory_space<vmem>>, vector<16xi32>,
    %swap3A_29 = arith.constant 78 : i32
    %swap3A_30 = arith.index_cast %swap3A_29 : i32 to index
    %swap3A_31 = arith.constant 112 : index
    %swap3A_32 = tpu.vector_load %arg4[%swap3A_30, %swap3A_31] {strides = array<i32>} : memref<80x128xi32, #tpu.memory_space<vmem>>, vector<16xi32>,
    tpu.vector_store %arg4[%swap3A_30, %swap3A_31], %broadcast_in_dim3A_1 {strides = array<i32>} : memref<80x128xi32, #tpu.memory_space<vmem>>, vector<16xi32>,
    %swap3A_33 = arith.constant 79 : i32
    %swap3A_34 = arith.index_cast %swap3A_33 : i32 to index
    %swap3A_35 = arith.constant 0 : index
    %swap3A_36 = tpu.vector_load %arg4[%swap3A_34, %swap3A_35] {strides = array<i32>} : memref<80x128xi32, #tpu.memory_space<vmem>>, vector<16xi32>,
    tpu.vector_store %arg4[%swap3A_34, %swap3A_35], %broadcast_in_dim3A_1 {strides = array<i32>} : memref<80x128xi32, #tpu.memory_space<vmem>>, vector<16xi32>,
    %swap3A_37 = arith.constant 79 : i32
    %swap3A_38 = arith.index_cast %swap3A_37 : i32 to index
    %swap3A_39 = arith.constant 16 : index
    %swap3A_40 = tpu.vector_load %arg4[%swap3A_38, %swap3A_39] {strides = array<i32>} : memref<80x128xi32, #tpu.memory_space<vmem>>, vector<16xi32>,
    tpu.vector_store %arg4[%swap3A_38, %swap3A_39], %broadcast_in_dim3A_1 {strides = array<i32>} : memref<80x128xi32, #tpu.memory_space<vmem>>, vector<16xi32>,
    %swap3A_41 = arith.constant 79 : i32
    %swap3A_42 = arith.index_cast %swap3A_41 : i32 to index
    %swap3A_43 = arith.constant 32 : index
    %swap3A_44 = tpu.vector_load %arg4[%swap3A_42, %swap3A_43] {strides = array<i32>} : memref<80x128xi32, #tpu.memory_space<vmem>>, vector<16xi32>,
    tpu.vector_store %arg4[%swap3A_42, %swap3A_43], %broadcast_in_dim3A_1 {strides = array<i32>} : memref<80x128xi32, #tpu.memory_space<vmem>>, vector<16xi32>,
    %swap3A_45 = arith.constant 79 : i32
    %swap3A_46 = arith.index_cast %swap3A_45 : i32 to index
    %swap3A_47 = arith.constant 48 : index
    %swap3A_48 = tpu.vector_load %arg4[%swap3A_46, %swap3A_47] {strides = array<i32>} : memref<80x128xi32, #tpu.memory_space<vmem>>, vector<16xi32>,
    tpu.vector_store %arg4[%swap3A_46, %swap3A_47], %broadcast_in_dim3A_1 {strides = array<i32>} : memref<80x128xi32, #tpu.memory_space<vmem>>, vector<16xi32>,
    %swap3A_49 = arith.constant 79 : i32
    %swap3A_50 = arith.index_cast %swap3A_49 : i32 to index
    %swap3A_51 = arith.constant 64 : index
    %swap3A_52 = tpu.vector_load %arg4[%swap3A_50, %swap3A_51] {strides = array<i32>} : memref<80x128xi32, #tpu.memory_space<vmem>>, vector<16xi32>,
    tpu.vector_store %arg4[%swap3A_50, %swap3A_51], %broadcast_in_dim3A_1 {strides = array<i32>} : memref<80x128xi32, #tpu.memory_space<vmem>>, vector<16xi32>,
    %swap3A_53 = arith.constant 79 : i32
    %swap3A_54 = arith.index_cast %swap3A_53 : i32 to index
    %swap3A_55 = arith.constant 80 : index
    %swap3A_56 = tpu.vector_load %arg4[%swap3A_54, %swap3A_55] {strides = array<i32>} : memref<80x128xi32, #tpu.memory_space<vmem>>, vector<16xi32>,
    tpu.vector_store %arg4[%swap3A_54, %swap3A_55], %broadcast_in_dim3A_1 {strides = array<i32>} : memref<80x128xi32, #tpu.memory_space<vmem>>, vector<16xi32>,
    %swap3A_57 = arith.constant 79 : i32
    %swap3A_58 = arith.index_cast %swap3A_57 : i32 to index
    %swap3A_59 = arith.constant 96 : index
    %swap3A_60 = tpu.vector_load %arg4[%swap3A_58, %swap3A_59] {strides = array<i32>} : memref<80x128xi32, #tpu.memory_space<vmem>>, vector<16xi32>,
    tpu.vector_store %arg4[%swap3A_58, %swap3A_59], %broadcast_in_dim3A_1 {strides = array<i32>} : memref<80x128xi32, #tpu.memory_space<vmem>>, vector<16xi32>,
    %swap3A_61 = arith.constant 79 : i32
    %swap3A_62 = arith.index_cast %swap3A_61 : i32 to index
    %swap3A_63 = arith.constant 112 : index
    %swap3A_64 = tpu.vector_load %arg4[%swap3A_62, %swap3A_63] {strides = array<i32>} : memref<80x128xi32, #tpu.memory_space<vmem>>, vector<16xi32>,
    tpu.vector_store %arg4[%swap3A_62, %swap3A_63], %broadcast_in_dim3A_1 {strides = array<i32>} : memref<80x128xi32, #tpu.memory_space<vmem>>, vector<16xi32>,
    %scan3A = arith.constant 0 : i32
    %scan3A_65 = arith.constant 80 : i32
    %scan3A_66 = arith.addi %scan3A, %scan3A_65 : i32
    %scan3A_67 = arith.constant 1 : i32
    scf.for %scan3A_86 = %scan3A to %scan3A_66 step %scan3A_67  : i32 {
      %mul3A_87 = arith.constant 1 : i32
      %mul3A_88 = arith.muli %scan3A_86, %mul3A_87 : i32
      %add3A_89 = arith.constant 0 : i32
      %add3A_90 = arith.addi %add3A_89, %mul3A_88 : i32
      %mul3A_91 = arith.constant 32 : i32
      %mul3A_92 = arith.muli %add3A_90, %mul3A_91 : i32
      %add3A_93 = arith.addi %mul3A_92, %add3A : i32
      %lt3A = arith.constant 2500 : i32
      %lt3A_94 = arith.cmpi slt, %add3A_93, %lt3A : i32
      %convert_element_type3A = arith.extui %lt3A_94 : i1 to i32
      %cond3A = arith.constant 0 : i32
      %cond3A_95 = arith.cmpi ne, %convert_element_type3A, %cond3A : i32
      scf.if %cond3A_95 {
        %mul3A_96 = arith.constant 128 : i32
        %mul3A_97 = arith.muli %add3A_93, %mul3A_96 : i32
        %multiple_of3A = tpu.assume_multiple %mul3A_97, 128 : i32
        %dma_start3A = arith.constant 1 : i32
        %dma_start3A_98 = arith.constant 0 : i32
        %dma_start3A_99 = tpu.memref_slice %arg4[%add3A_90, %dma_start3A_98] : memref<80x128xi32, #tpu.memory_space<vmem>> -> memref<1x128xi32, #tpu.memory_space<vmem>>
        %dma_start3A_100 = tpu.memref_squeeze %dma_start3A_99 : memref<1x128xi32, #tpu.memory_space<vmem>> -> memref<128xi32, #tpu.memory_space<vmem>>
        %dma_start3A_101 = tpu.memref_slice %arg2[%dma_start3A, %multiple_of3A] : memref<2x320000xi32, #tpu.memory_space<hbm>> -> memref<1x128xi32, #tpu.memory_space<hbm>>
        %dma_start3A_102 = tpu.memref_squeeze %dma_start3A_101 : memref<1x128xi32, #tpu.memory_space<hbm>> -> memref<128xi32, #tpu.memory_space<hbm>>
        %dma_start3A_103 = arith.constant 0 : i32
        %dma_start3A_104 = tpu.memref_slice %arg4[%add3A_90, %dma_start3A_103] : memref<80x128xi32, #tpu.memory_space<vmem>> -> memref<1x128xi32, #tpu.memory_space<vmem>>
        %dma_start3A_105 = tpu.memref_squeeze %dma_start3A_104 : memref<1x128xi32, #tpu.memory_space<vmem>> -> memref<128xi32, #tpu.memory_space<vmem>>
        %dma_start3A_106 = tpu.memref_slice %arg2[%dma_start3A, %multiple_of3A] : memref<2x320000xi32, #tpu.memory_space<hbm>> -> memref<1x128xi32, #tpu.memory_space<hbm>>
        %dma_start3A_107 = tpu.memref_squeeze %dma_start3A_106 : memref<1x128xi32, #tpu.memory_space<hbm>> -> memref<128xi32, #tpu.memory_space<hbm>>
        tpu.enqueue_dma source(%dma_start3A_107 : memref<128xi32, #tpu.memory_space<hbm>>) target(%dma_start3A_105 : memref<128xi32, #tpu.memory_space<vmem>>) target_semaphore(%arg6 : memref<!tpu.dma_semaphore, #tpu.memory_space<semaphore_mem>>)
      } else {
      }
    }
    %scan3A_68 = arith.constant 80 : i32
    %scan3A_69 = arith.constant 0 : i32
    %scan3A_70 = arith.constant 625 : i32
    %scan3A_71 = arith.addi %scan3A_69, %scan3A_70 : i32
    %scan3A_72 = arith.constant 1 : i32
    scf.for %scan3A_86 = %scan3A_69 to %scan3A_71 step %scan3A_72  : i32 {
      %mul3A_87 = arith.constant 1 : i32
      %mul3A_88 = arith.muli %scan3A_86, %mul3A_87 : i32
      %add3A_89 = arith.constant 0 : i32
      %add3A_90 = arith.addi %add3A_89, %mul3A_88 : i32
      %broadcast_in_dim3A_91 = arith.constant 0.000000e+00 : f32
      %broadcast_in_dim3A_92 = vector.broadcast %broadcast_in_dim3A_91 : f32 to vector<16xf32>
      %mul3A_93 = arith.constant 16 : i32
      %mul3A_94 = arith.muli %add3A_90, %mul3A_93 : i32
      %swap3A_95 = arith.index_cast %mul3A_94 : i32 to index
      %swap3A_96 = tpu.vector_load %arg5[%swap3A_95] {strides = array<i32>} : memref<10000xf32, #tpu.memory_space<vmem>>, vector<16xf32>,
      tpu.vector_store %arg5[%swap3A_95], %broadcast_in_dim3A_92 {strides = array<i32>} : memref<10000xf32, #tpu.memory_space<vmem>>, vector<16xf32>,
    }
    %scan3A_73 = arith.constant 625 : i32
    %scan3A_74 = arith.constant 0 : i32
    %scan3A_75 = arith.constant 80 : i32
    %scan3A_76 = arith.addi %scan3A_74, %scan3A_75 : i32
    %scan3A_77 = arith.constant 1 : i32
    scf.for %scan3A_86 = %scan3A_74 to %scan3A_76 step %scan3A_77  : i32 {
      %mul3A_87 = arith.constant 1 : i32
      %mul3A_88 = arith.muli %scan3A_86, %mul3A_87 : i32
      %add3A_89 = arith.constant 0 : i32
      %add3A_90 = arith.addi %add3A_89, %mul3A_88 : i32
      %mul3A_91 = arith.constant 32 : i32
      %mul3A_92 = arith.muli %add3A_90, %mul3A_91 : i32
      %add3A_93 = arith.addi %mul3A_92, %add3A : i32
      %lt3A = arith.constant 2500 : i32
      %lt3A_94 = arith.cmpi slt, %add3A_93, %lt3A : i32
      %convert_element_type3A = arith.extui %lt3A_94 : i1 to i32
      %cond3A = arith.constant 0 : i32
      %cond3A_95 = arith.cmpi ne, %convert_element_type3A, %cond3A : i32
      scf.if %cond3A_95 {
        %dma_wait3A = arith.constant 1 : i32
        %dma_wait3A_96 = arith.constant 0 : i32
        %dma_wait3A_97 = tpu.memref_slice %arg4[%add3A_90, %dma_wait3A_96] : memref<80x128xi32, #tpu.memory_space<vmem>> -> memref<1x128xi32, #tpu.memory_space<vmem>>
        %dma_wait3A_98 = tpu.memref_squeeze %dma_wait3A_97 : memref<1x128xi32, #tpu.memory_space<vmem>> -> memref<128xi32, #tpu.memory_space<vmem>>
        %dma_wait3A_99 = arith.constant 0 : i32
        %dma_wait3A_100 = tpu.memref_slice %arg2[%dma_wait3A, %dma_wait3A_99] : memref<2x320000xi32, #tpu.memory_space<hbm>> -> memref<1x128xi32, #tpu.memory_space<hbm>>
        %dma_wait3A_101 = tpu.memref_squeeze %dma_wait3A_100 : memref<1x128xi32, #tpu.memory_space<hbm>> -> memref<128xi32, #tpu.memory_space<hbm>>
        %dma_wait3A_102 = arith.constant 0 : i32
        %dma_wait3A_103 = tpu.memref_slice %arg4[%add3A_90, %dma_wait3A_102] : memref<80x128xi32, #tpu.memory_space<vmem>> -> memref<1x128xi32, #tpu.memory_space<vmem>>
        %dma_wait3A_104 = tpu.memref_squeeze %dma_wait3A_103 : memref<1x128xi32, #tpu.memory_space<vmem>> -> memref<128xi32, #tpu.memory_space<vmem>>
        %dma_wait3A_105 = arith.constant 0 : i32
        %dma_wait3A_106 = tpu.memref_slice %arg2[%dma_wait3A, %dma_wait3A_105] : memref<2x320000xi32, #tpu.memory_space<hbm>> -> memref<1x128xi32, #tpu.memory_space<hbm>>
        %dma_wait3A_107 = tpu.memref_squeeze %dma_wait3A_106 : memref<1x128xi32, #tpu.memory_space<hbm>> -> memref<128xi32, #tpu.memory_space<hbm>>
        tpu.wait_dma2 semaphore(%arg6 : memref<!tpu.dma_semaphore, #tpu.memory_space<semaphore_mem>>) src(%dma_wait3A_107 : memref<128xi32, #tpu.memory_space<hbm>>) dst(%dma_wait3A_104 : memref<128xi32, #tpu.memory_space<vmem>>)
      } else {
      }
    }
    %scan3A_78 = arith.constant 80 : i32
    %broadcast_in_dim3A_79 = arith.constant 1.000000e+00 : f32
    %broadcast_in_dim3A_80 = vector.broadcast %broadcast_in_dim3A_79 : f32 to vector<16xf32>
    %scan3A_81 = arith.constant 0 : i32
    %scan3A_82 = arith.constant 80 : i32
    %scan3A_83 = arith.addi %scan3A_81, %scan3A_82 : i32
    %scan3A_84 = arith.constant 1 : i32
    scf.for %scan3A_86 = %scan3A_81 to %scan3A_83 step %scan3A_84  : i32 {
      %mul3A_87 = arith.constant 1 : i32
      %mul3A_88 = arith.muli %scan3A_86, %mul3A_87 : i32
      %add3A_89 = arith.constant 0 : i32
      %add3A_90 = arith.addi %add3A_89, %mul3A_88 : i32
      %get3A = arith.index_cast %add3A_90 : i32 to index
      %get3A_91 = arith.constant 0 : index
      %get3A_92 = tpu.vector_load %arg4[%get3A, %get3A_91] {strides = array<i32>} : memref<80x128xi32, #tpu.memory_space<vmem>>, vector<16xi32>,
      tpu.vector_store_idx %arg5[%get3A_92], %broadcast_in_dim3A_80 {add = true} : memref<10000xf32, #tpu.memory_space<vmem>>[vector<16xi32>], vector<16xf32>,
      %get3A_93 = arith.index_cast %add3A_90 : i32 to index
      %get3A_94 = arith.constant 16 : index
      %get3A_95 = tpu.vector_load %arg4[%get3A_93, %get3A_94] {strides = array<i32>} : memref<80x128xi32, #tpu.memory_space<vmem>>, vector<16xi32>,
      tpu.vector_store_idx %arg5[%get3A_95], %broadcast_in_dim3A_80 {add = true} : memref<10000xf32, #tpu.memory_space<vmem>>[vector<16xi32>], vector<16xf32>,
      %get3A_96 = arith.index_cast %add3A_90 : i32 to index
      %get3A_97 = arith.constant 32 : index
      %get3A_98 = tpu.vector_load %arg4[%get3A_96, %get3A_97] {strides = array<i32>} : memref<80x128xi32, #tpu.memory_space<vmem>>, vector<16xi32>,
      tpu.vector_store_idx %arg5[%get3A_98], %broadcast_in_dim3A_80 {add = true} : memref<10000xf32, #tpu.memory_space<vmem>>[vector<16xi32>], vector<16xf32>,
      %get3A_99 = arith.index_cast %add3A_90 : i32 to index
      %get3A_100 = arith.constant 48 : index
      %get3A_101 = tpu.vector_load %arg4[%get3A_99, %get3A_100] {strides = array<i32>} : memref<80x128xi32, #tpu.memory_space<vmem>>, vector<16xi32>,
      tpu.vector_store_idx %arg5[%get3A_101], %broadcast_in_dim3A_80 {add = true} : memref<10000xf32, #tpu.memory_space<vmem>>[vector<16xi32>], vector<16xf32>,
      %get3A_102 = arith.index_cast %add3A_90 : i32 to index
      %get3A_103 = arith.constant 64 : index
      %get3A_104 = tpu.vector_load %arg4[%get3A_102, %get3A_103] {strides = array<i32>} : memref<80x128xi32, #tpu.memory_space<vmem>>, vector<16xi32>,
      tpu.vector_store_idx %arg5[%get3A_104], %broadcast_in_dim3A_80 {add = true} : memref<10000xf32, #tpu.memory_space<vmem>>[vector<16xi32>], vector<16xf32>,
      %get3A_105 = arith.index_cast %add3A_90 : i32 to index
      %get3A_106 = arith.constant 80 : index
      %get3A_107 = tpu.vector_load %arg4[%get3A_105, %get3A_106] {strides = array<i32>} : memref<80x128xi32, #tpu.memory_space<vmem>>, vector<16xi32>,
      tpu.vector_store_idx %arg5[%get3A_107], %broadcast_in_dim3A_80 {add = true} : memref<10000xf32, #tpu.memory_space<vmem>>[vector<16xi32>], vector<16xf32>,
      %get3A_108 = arith.index_cast %add3A_90 : i32 to index
      %get3A_109 = arith.constant 96 : index
      %get3A_110 = tpu.vector_load %arg4[%get3A_108, %get3A_109] {strides = array<i32>} : memref<80x128xi32, #tpu.memory_space<vmem>>, vector<16xi32>,
      tpu.vector_store_idx %arg5[%get3A_110], %broadcast_in_dim3A_80 {add = true} : memref<10000xf32, #tpu.memory_space<vmem>>[vector<16xi32>], vector<16xf32>,
      %get3A_111 = arith.index_cast %add3A_90 : i32 to index
      %get3A_112 = arith.constant 112 : index
      %get3A_113 = tpu.vector_load %arg4[%get3A_111, %get3A_112] {strides = array<i32>} : memref<80x128xi32, #tpu.memory_space<vmem>>, vector<16xi32>,
      tpu.vector_store_idx %arg5[%get3A_113], %broadcast_in_dim3A_80 {add = true} : memref<10000xf32, #tpu.memory_space<vmem>>[vector<16xi32>], vector<16xf32>,
    }
    %scan3A_85 = arith.constant 80 : i32
    "tpu.region"() ({
      %run_scoped3A = tpu.sem_alloc : memref<!tpu.dma_semaphore, #tpu.memory_space<semaphore_mem>>
      %dma_start3A = arith.constant 0 : i32
      %dma_start3A_86 = tpu.memref_slice %arg3[%add3A, %dma_start3A] : memref<32x10000xf32, #tpu.memory_space<hbm>> -> memref<1x10000xf32, #tpu.memory_space<hbm>>
      %dma_start3A_87 = tpu.memref_squeeze %dma_start3A_86 : memref<1x10000xf32, #tpu.memory_space<hbm>> -> memref<10000xf32, #tpu.memory_space<hbm>>
      %dma_start3A_88 = arith.constant 0 : i32
      %dma_start3A_89 = tpu.memref_slice %arg3[%add3A, %dma_start3A_88] : memref<32x10000xf32, #tpu.memory_space<hbm>> -> memref<1x10000xf32, #tpu.memory_space<hbm>>
      %dma_start3A_90 = tpu.memref_squeeze %dma_start3A_89 : memref<1x10000xf32, #tpu.memory_space<hbm>> -> memref<10000xf32, #tpu.memory_space<hbm>>
      tpu.enqueue_dma source(%arg5 : memref<10000xf32, #tpu.memory_space<vmem>>) target(%dma_start3A_90 : memref<10000xf32, #tpu.memory_space<hbm>>) target_semaphore(%run_scoped3A : memref<!tpu.dma_semaphore, #tpu.memory_space<semaphore_mem>>)
      %dma_wait3A = arith.constant 0 : i32
      %dma_wait3A_91 = tpu.memref_slice %arg3[%add3A, %dma_wait3A] : memref<32x10000xf32, #tpu.memory_space<hbm>> -> memref<1x10000xf32, #tpu.memory_space<hbm>>
      %dma_wait3A_92 = tpu.memref_squeeze %dma_wait3A_91 : memref<1x10000xf32, #tpu.memory_space<hbm>> -> memref<10000xf32, #tpu.memory_space<hbm>>
      %dma_wait3A_93 = arith.constant 0 : i32
      %dma_wait3A_94 = tpu.memref_slice %arg3[%add3A, %dma_wait3A_93] : memref<32x10000xf32, #tpu.memory_space<hbm>> -> memref<1x10000xf32, #tpu.memory_space<hbm>>
      %dma_wait3A_95 = tpu.memref_squeeze %dma_wait3A_94 : memref<1x10000xf32, #tpu.memory_space<hbm>> -> memref<10000xf32, #tpu.memory_space<hbm>>
      tpu.wait_dma2 semaphore(%run_scoped3A : memref<!tpu.dma_semaphore, #tpu.memory_space<semaphore_mem>>) src(%arg5 : memref<10000xf32, #tpu.memory_space<vmem>>) dst(%dma_wait3A_95 : memref<10000xf32, #tpu.memory_space<hbm>>)
      tpu.yield
    }) : () -> ()
    return
  }
}

module attributes {stable_mosaic.version = 14 : i64} {
  func.func @_tc1_body(%arg0: memref<32x10000xf32, #tpu.memory_space<vmem>>, %arg1: memref<10000x128xf32, #tpu.memory_space<vmem>>, %arg2: memref<128x128xf32, #tpu.memory_space<vmem>>, %arg3: memref<10000x128xf32, #tpu.memory_space<vmem>>, %arg4: memref<10000x1xf32, #tpu.memory_space<vmem>>) attributes {dimension_semantics = [], scalar_prefetch = 0 : i64, scratch_operands = 0 : i64, tpu.core_type = #tpu.core_type<tc>} {
    %get3A = arith.constant 0 : index
    %get3A_0 = arith.constant 0 : index
    %get3A_1 = vector.load %arg0[%get3A, %get3A_0] : memref<32x10000xf32, #tpu.memory_space<vmem>>, vector<32x10000xf32>
    %reduce_sum3A = arith.constant dense<0.000000e+00> : vector<10000xf32>
    %reduce_sum3A_2 = vector.multi_reduction <add>, %get3A_1, %reduce_sum3A [0] : vector<32x10000xf32> to vector<10000xf32>
    %broadcast_in_dim3A = vector.shape_cast %reduce_sum3A_2 : vector<10000xf32> to vector<10000x1xf32>
    %iota3A = tpu.iota {dimensions = array<i32: 0>} : vector<10000x1xi32>
    %eq3A = arith.constant 0 : i32
    %eq3A_3 = vector.broadcast %eq3A : i32 to vector<10000x1xi32>
    %eq3A_4 = arith.cmpi eq, %iota3A, %eq3A_3 : vector<10000x1xi32>
    %jit3A = arith.constant 7.680000e+03 : f32
    %jit3A_5 = arith.constant 0.000000e+00 : f32
    %broadcast_in_dim3A_6 = vector.broadcast %jit3A : f32 to vector<10000x1xf32>
    %broadcast_in_dim3A_7 = vector.broadcast %jit3A_5 : f32 to vector<10000x1xf32>
    %select_n3A = arith.select %eq3A_4, %broadcast_in_dim3A_6, %broadcast_in_dim3A_7 : vector<10000x1xi1>, vector<10000x1xf32>
    %sub3A = arith.subf %broadcast_in_dim3A, %select_n3A : vector<10000x1xf32>
    %add3A = arith.constant 1.000000e+00 : f32
    %add3A_8 = vector.broadcast %add3A : f32 to vector<10000x1xf32>
    %add3A_9 = arith.addf %sub3A, %add3A_8 : vector<10000x1xf32>
    %sqrt3A = math.sqrt %add3A_9 : vector<10000x1xf32>
    %div3A = arith.constant 1.000000e+00 : f32
    %div3A_10 = vector.broadcast %div3A : f32 to vector<10000x1xf32>
    %div3A_11 = arith.divf %div3A_10, %sqrt3A : vector<10000x1xf32>
    %get3A_12 = arith.constant 0 : index
    %get3A_13 = arith.constant 0 : index
    %get3A_14 = vector.load %arg1[%get3A_12, %get3A_13] : memref<10000x128xf32, #tpu.memory_space<vmem>>, vector<10000x128xf32>
    %get3A_15 = arith.constant 0 : index
    %get3A_16 = arith.constant 0 : index
    %get3A_17 = vector.load %arg2[%get3A_15, %get3A_16] : memref<128x128xf32, #tpu.memory_space<vmem>>, vector<128x128xf32>
    %dot_general3A = arith.constant dense<0.000000e+00> : vector<10000x128xf32>
    %dot_general3A_18 = tpu.matmul %get3A_14, %get3A_17, %dot_general3A {dimension_numbers = #tpu.dot_dimension_numbers<[1], [0], [0], [1], [0, 0, 1, 1], [], []>, transpose_lhs_hint = false} : vector<10000x128xf32>, vector<128x128xf32>, vector<10000x128xf32> -> vector<10000x128xf32>
    %mul3A = vector.broadcast %div3A_11 : vector<10000x1xf32> to vector<10000x128xf32>
    %mul3A_19 = arith.mulf %mul3A, %dot_general3A_18 : vector<10000x128xf32>
    %swap3A = arith.constant 0 : index
    %swap3A_20 = arith.constant 0 : index
    %swap3A_21 = vector.load %arg3[%swap3A, %swap3A_20] : memref<10000x128xf32, #tpu.memory_space<vmem>>, vector<10000x128xf32>
    tpu.vector_store %arg3[%swap3A, %swap3A_20], %mul3A_19 {strides = array<i32>} : memref<10000x128xf32, #tpu.memory_space<vmem>>, vector<10000x128xf32>,
    %swap3A_22 = arith.constant 0 : index
    %swap3A_23 = arith.constant 0 : index
    %swap3A_24 = vector.load %arg4[%swap3A_22, %swap3A_23] : memref<10000x1xf32, #tpu.memory_space<vmem>>, vector<10000x1xf32>
    tpu.vector_store %arg4[%swap3A_22, %swap3A_23], %div3A_11 {strides = array<i32>} : memref<10000x1xf32, #tpu.memory_space<vmem>>, vector<10000x1xf32>,
    return
  }
}

module attributes {stable_mosaic.version = 14 : i64} {
  func.func @_tc2_body(%arg0: memref<2x10000x128xf32, #tpu.memory_space<vmem>>, %arg1: memref<10000x128xf32, #tpu.memory_space<vmem>>, %arg2: memref<10000x1xf32, #tpu.memory_space<vmem>>, %arg3: memref<128xf32, #tpu.memory_space<vmem>>, %arg4: memref<10000x128xf32, #tpu.memory_space<vmem>>) attributes {dimension_semantics = [], scalar_prefetch = 0 : i64, scratch_operands = 0 : i64, tpu.core_type = #tpu.core_type<tc>} {
    %get3A = arith.constant 0 : index
    %get3A_0 = arith.constant 0 : index
    %get3A_1 = vector.load %arg2[%get3A, %get3A_0] : memref<10000x1xf32, #tpu.memory_space<vmem>>, vector<10000x1xf32>
    %get3A_2 = arith.constant 0 : index
    %get3A_3 = arith.constant 0 : index
    %get3A_4 = arith.constant 0 : index
    %get3A_5 = vector.load %arg0[%get3A_2, %get3A_3, %get3A_4] : memref<2x10000x128xf32, #tpu.memory_space<vmem>>, vector<1x10000x128xf32>
    %get3A_6 = vector.shape_cast %get3A_5 : vector<1x10000x128xf32> to vector<10000x128xf32>
    %get3A_7 = arith.constant 1 : index
    %get3A_8 = arith.constant 0 : index
    %get3A_9 = arith.constant 0 : index
    %get3A_10 = vector.load %arg0[%get3A_7, %get3A_8, %get3A_9] : memref<2x10000x128xf32, #tpu.memory_space<vmem>>, vector<1x10000x128xf32>
    %get3A_11 = vector.shape_cast %get3A_10 : vector<1x10000x128xf32> to vector<10000x128xf32>
    %add3A = arith.addf %get3A_6, %get3A_11 : vector<10000x128xf32>
    %get3A_12 = arith.constant 0 : index
    %get3A_13 = arith.constant 0 : index
    %get3A_14 = vector.load %arg1[%get3A_12, %get3A_13] : memref<10000x128xf32, #tpu.memory_space<vmem>>, vector<10000x128xf32>
    %add3A_15 = arith.addf %add3A, %get3A_14 : vector<10000x128xf32>
    %mul3A = vector.broadcast %get3A_1 : vector<10000x1xf32> to vector<10000x128xf32>
    %mul3A_16 = arith.mulf %mul3A, %add3A_15 : vector<10000x128xf32>
    %get3A_17 = arith.constant 0 : index
    %get3A_18 = vector.load %arg3[%get3A_17] : memref<128xf32, #tpu.memory_space<vmem>>, vector<128xf32>
    %broadcast_in_dim3A = vector.shape_cast %get3A_18 : vector<128xf32> to vector<1x128xf32>
    %add3A_19 = vector.broadcast %broadcast_in_dim3A : vector<1x128xf32> to vector<10000x128xf32>
    %add3A_20 = arith.addf %mul3A_16, %add3A_19 : vector<10000x128xf32>
    %get3A_21 = arith.constant 0 : index
    %get3A_22 = arith.constant 0 : index
    %get3A_23 = vector.load %arg2[%get3A_21, %get3A_22] : memref<10000x1xf32, #tpu.memory_space<vmem>>, vector<10000x1xf32>
    %max3A = arith.constant 0.000000e+00 : f32
    %max3A_24 = vector.broadcast %max3A : f32 to vector<10000x128xf32>
    %max3A_25 = arith.maximumf %add3A_20, %max3A_24 : vector<10000x128xf32>
    %mul3A_26 = vector.broadcast %get3A_23 : vector<10000x1xf32> to vector<10000x128xf32>
    %mul3A_27 = arith.mulf %mul3A_26, %max3A_25 : vector<10000x128xf32>
    %swap3A = arith.constant 0 : index
    %swap3A_28 = arith.constant 0 : index
    %swap3A_29 = vector.load %arg4[%swap3A, %swap3A_28] : memref<10000x128xf32, #tpu.memory_space<vmem>>, vector<10000x128xf32>
    tpu.vector_store %arg4[%swap3A, %swap3A_28], %mul3A_27 {strides = array<i32>} : memref<10000x128xf32, #tpu.memory_space<vmem>>, vector<10000x128xf32>,
    return
  }
}

module attributes {stable_mosaic.version = 14 : i64} {
  func.func @_tc3_body(%arg0: memref<2x10000x128xf32, #tpu.memory_space<vmem>>, %arg1: memref<10000x128xf32, #tpu.memory_space<vmem>>, %arg2: memref<10000x1xf32, #tpu.memory_space<vmem>>, %arg3: memref<128x16xf32, #tpu.memory_space<vmem>>, %arg4: memref<16xf32, #tpu.memory_space<vmem>>, %arg5: memref<10000x16xf32, #tpu.memory_space<vmem>>) attributes {dimension_semantics = [], scalar_prefetch = 0 : i64, scratch_operands = 0 : i64, tpu.core_type = #tpu.core_type<tc>} {
    %get3A = arith.constant 0 : index
    %get3A_0 = arith.constant 0 : index
    %get3A_1 = vector.load %arg2[%get3A, %get3A_0] : memref<10000x1xf32, #tpu.memory_space<vmem>>, vector<10000x1xf32>
    %get3A_2 = arith.constant 0 : index
    %get3A_3 = arith.constant 0 : index
    %get3A_4 = arith.constant 0 : index
    %get3A_5 = vector.load %arg0[%get3A_2, %get3A_3, %get3A_4] : memref<2x10000x128xf32, #tpu.memory_space<vmem>>, vector<1x10000x128xf32>
    %get3A_6 = vector.shape_cast %get3A_5 : vector<1x10000x128xf32> to vector<10000x128xf32>
    %get3A_7 = arith.constant 1 : index
    %get3A_8 = arith.constant 0 : index
    %get3A_9 = arith.constant 0 : index
    %get3A_10 = vector.load %arg0[%get3A_7, %get3A_8, %get3A_9] : memref<2x10000x128xf32, #tpu.memory_space<vmem>>, vector<1x10000x128xf32>
    %get3A_11 = vector.shape_cast %get3A_10 : vector<1x10000x128xf32> to vector<10000x128xf32>
    %add3A = arith.addf %get3A_6, %get3A_11 : vector<10000x128xf32>
    %get3A_12 = arith.constant 0 : index
    %get3A_13 = arith.constant 0 : index
    %get3A_14 = vector.load %arg1[%get3A_12, %get3A_13] : memref<10000x128xf32, #tpu.memory_space<vmem>>, vector<10000x128xf32>
    %add3A_15 = arith.addf %add3A, %get3A_14 : vector<10000x128xf32>
    %mul3A = vector.broadcast %get3A_1 : vector<10000x1xf32> to vector<10000x128xf32>
    %mul3A_16 = arith.mulf %mul3A, %add3A_15 : vector<10000x128xf32>
    %get3A_17 = arith.constant 0 : index
    %get3A_18 = arith.constant 0 : index
    %get3A_19 = vector.load %arg3[%get3A_17, %get3A_18] : memref<128x16xf32, #tpu.memory_space<vmem>>, vector<128x16xf32>
    %dot_general3A = arith.constant dense<0.000000e+00> : vector<10000x16xf32>
    %dot_general3A_20 = tpu.matmul %mul3A_16, %get3A_19, %dot_general3A {dimension_numbers = #tpu.dot_dimension_numbers<[1], [0], [0], [1], [0, 0, 1, 1], [], []>, transpose_lhs_hint = false} : vector<10000x128xf32>, vector<128x16xf32>, vector<10000x16xf32> -> vector<10000x16xf32>
    %get3A_21 = arith.constant 0 : index
    %get3A_22 = vector.load %arg4[%get3A_21] : memref<16xf32, #tpu.memory_space<vmem>>, vector<16xf32>
    %broadcast_in_dim3A = vector.shape_cast %get3A_22 : vector<16xf32> to vector<1x16xf32>
    %add3A_23 = vector.broadcast %broadcast_in_dim3A : vector<1x16xf32> to vector<10000x16xf32>
    %add3A_24 = arith.addf %dot_general3A_20, %add3A_23 : vector<10000x16xf32>
    %swap3A = arith.constant 0 : index
    %swap3A_25 = arith.constant 0 : index
    %swap3A_26 = vector.load %arg5[%swap3A, %swap3A_25] : memref<10000x16xf32, #tpu.memory_space<vmem>>, vector<10000x16xf32>
    tpu.vector_store %arg5[%swap3A, %swap3A_25], %add3A_24 {strides = array<i32>} : memref<10000x16xf32, #tpu.memory_space<vmem>>, vector<10000x16xf32>,
    return
  }
}

</mosaic_0001>

<sc_bundles>
// kernel: kernel.11.cloned.1.call-start
scs
__scs_entry_jumppad:
0x0: {  	(pc) =	sbr.rel $0x88, $3  }
0x1: {  	(tag) =	ssettag $0x0;
	lr =	simm.s32 $0x1  }
0x2: {  	[smem:$0x3F9B] =	sst lr;
	_ =	strace $0xD0000000  }
0x3: {  	_ = 	snop  }
0x4: {  	_ = 	snop  }
0x5: {  	_ = 	snop  }
0x6: {  	_ = 	snop  }
0x7: {  	_ = 	snop  }
__scs_overlays_trampoline_lowered:
0x8: {  	[smem:$0x3FAA] =	sst s0  }
0x9: {  	[smem:$0x3FAB] =	sst s1  }
0xa: {  	[smem:$0x3FAC] =	sst s2  }
0xb: {  	[smem:$0x3FAD] =	sst s3  }
0xc: {  	[smem:$0x3FAE] =	sst s4  }
0xd: {  	[smem:$0x3FAF] =	sst s5  }
0xe: {  	[smem:$0x3FB0] =	sst s6  }
0xf: {  	[smem:$0x3FB1] =	sst s7  }
0x10: {  	[smem:$0x3FB2] =	sst s8  }
0x11: {  	[smem:$0x3FB3] =	sst s9;
	s0 =	simm.s32 @!p0 $0x0  }
0x12: {  	s1 =	sld [smem:$0x3F99];
	s0 =	simm.s32 @p0 $0x1  }
0x13: {  	[smem:$0x3FB4] =	sst s0;
	s0 =	simm.s32 @!p1 $0x0  }
0x14: {  	s2 =	sld [smem:$0x3F98];
	s0 =	simm.s32 @p1 $0x1  }
0x15: {  	[smem:$0x3FB5] =	sst s0;
	s0 =	simm.s32 @!p2 $0x0  }
0x16: {  	s3 =	sld [smem:$0x3FDB];
	s0 =	simm.s32 @p2 $0x1  }
0x17: {  	s4 =	simm.s32 $0x1BF5;
	[smem:$0x3FB7] =	sst s0  }
0x18: {  	s0 =	sld [smem:$0x3F9A];
	_ =	swait.ge [sflag:s4], $0x0  }
0x19: {  	s7 =	sld [smem:$0x3F9B]  }
0x1a: {  	s8 =	sadd.s32 $0xFFFFE003, lr  }
0x1b: {  	s9 =	sadd.s32 $0xFFFFFEF7, lr;
	s5 =	simm.s32 $0xFFFFFFFF;
	p2 =	slt.u32 s8, $0xFFFFF086  }
0x1c: {  	p1 =	slt.u32 s9, $0xF7A;
	s5 =	simm.s32 @!p2 $0x0  }
0x1d: {  	s5 =	simm.s32 @p1 $0x1;
	p0 =	seq.s32 s7, s2  }
0x1e: {  	s7 =	smul.u32 @!p0 $0xF7A, s2;
	p2 =	seq.s32 @!p0 s5, $0x0  }
0x1f: {  	s9 =	smul.u32 $0xF7A, s1;
	s8 =	simm.s32 @!p0 $0x1BF5;
	p2 =	por !p2, p0  }
0x20: {  	[sflag:s8] =	ssyncset.s32 @!p0 $0xFFFFF086;
	s6 =	sadd.s32 @!p0 s3, s7;
	s7 =	simm.s32 @!p0 $0x108  }
0x21: {  	s3 =	sadd.s32 s3, s9;
	s6 =	sadd.s32 @!p0 $0x88, s6;
	s7 =	simm.s32 @p2 $0x1082  }
0x22: {  	[simem:s7], [sflag:s8] =	dma.local @!p0 [hbm:s6], $0xF7A  }
0x23: {  	s9 =	sor.u32 $0xD0000000, s2;
	s6 =	simm.s32 $0x108;
	_ =	swait.ge @!p0 [sflag:s8], $0x0  }
0x24: {  	s3 =	sadd.s32 $0x88, s3;
	s6 =	simm.s32 @!p1 $0x1082;
	[sflag:s4] =	ssyncset.s32 $0xFFFFF086  }
0x25: {  	[simem:s6], [sflag:s4] =	dma.local [hbm:s3], $0xF7A  }
0x26: {  	[smem:$0x3F9B] =	sst s1;
	(tag) =	ssettag s2;
	_ =	strace s9  }
0x27: {  	s1 =	sld [smem:$0x3FAB]  }
0x28: {  	s2 =	sld [smem:$0x3FAC]  }
0x29: {  	s4 =	sld [smem:$0x3FAE]  }
0x2a: {  	p0 =	seq.s32 s5, $0x0;
	s5 =	sld [smem:$0x3FAF]  }
0x2b: {  	s6 =	sld [smem:$0x3FB0]  }
0x2c: {  	s7 =	sld [smem:$0x3FB1]  }
0x2d: {  	s3 =	simm.s32 $0x108;
	s8 =	sld [smem:$0x3FB2]  }
0x2e: {  	s3 =	simm.s32 @!p0 $0x1082;
	s9 =	sld [smem:$0x3FB3]  }
0x2f: {  	lr =	sadd.s32 s0, s3;
	s0 =	sld [smem:$0x3FAA]  }
0x30: {  	s3 =	sld [smem:$0x3FAD]  }
0x31: {  	[smem:$0x3FB6] =	sst s10  }
0x32: {  	s10 =	sld [smem:$0x3FB4];
	_ =	sdelay $0x3  }
0x33: {  	p0 =	seq.s32 s10, $0x1;
	s10 =	sld [smem:$0x3FB6];
	_ =	sdelay $0x3  }
0x34: {  	[smem:$0x3FB6] =	sst s10  }
0x35: {  	s10 =	sld [smem:$0x3FB5];
	_ =	sdelay $0x3  }
0x36: {  	p1 =	seq.s32 s10, $0x1;
	s10 =	sld [smem:$0x3FB6];
	_ =	sdelay $0x3  }
0x37: {  	[smem:$0x3FB6] =	sst s10  }
0x38: {  	s10 =	sld [smem:$0x3FB7]  }
0x39: {  	_ = 	snop;
	(pc) =	sbr.ind lr, $3  }
0x3a: {  	_ = 	snop  }
0x3b: {  	_ = 	snop  }
0x3c: {  	p2 =	seq.s32 s10, $0x1;
	s10 =	sld [smem:$0x3FB6]  }
0x3d: {  	_ =	shalt  }
0x3e: {  	_ =	shalt  }
0x3f: {  	_ =	shalt  }
0x40: {  	_ =	shalt  }
0x41: {  	_ =	shalt  }
0x42: {  	_ =	shalt  }
0x43: {  	_ =	shalt  }
0x44: {  	_ =	shalt  }
0x45: {  	_ =	shalt  }
0x46: {  	_ =	shalt  }
0x47: {  	_ =	shalt  }
0x48: {  	_ =	shalt  }
0x49: {  	_ =	shalt  }
0x4a: {  	_ =	shalt  }
0x4b: {  	_ =	shalt  }
0x4c: {  	_ =	shalt  }
0x4d: {  	_ =	shalt  }
0x4e: {  	_ =	shalt  }
0x4f: {  	_ =	shalt  }
0x50: {  	_ =	shalt  }
0x51: {  	_ =	shalt  }
0x52: {  	_ =	shalt  }
0x53: {  	_ =	shalt  }
0x54: {  	_ =	shalt  }
0x55: {  	_ =	shalt  }
0x56: {  	_ =	shalt  }
0x57: {  	_ =	shalt  }
0x58: {  	_ =	shalt  }
0x59: {  	_ =	shalt  }
0x5a: {  	_ =	shalt  }
0x5b: {  	_ =	shalt  }
0x5c: {  	_ =	shalt  }
0x5d: {  	_ =	shalt  }
0x5e: {  	_ =	shalt  }
0x5f: {  	_ =	shalt  }
0x60: {  	_ =	shalt  }
0x61: {  	_ =	shalt  }
0x62: {  	_ =	shalt  }
0x63: {  	_ =	shalt  }
0x64: {  	_ =	shalt  }
0x65: {  	_ =	shalt  }
0x66: {  	_ =	shalt  }
0x67: {  	_ =	shalt  }
0x68: {  	_ =	shalt  }
0x69: {  	_ =	shalt  }
0x6a: {  	_ =	shalt  }
0x6b: {  	_ =	shalt  }
0x6c: {  	_ =	shalt  }
0x6d: {  	_ =	shalt  }
0x6e: {  	_ =	shalt  }
0x6f: {  	_ =	shalt  }
0x70: {  	_ =	shalt  }
0x71: {  	_ =	shalt  }
0x72: {  	_ =	shalt  }
0x73: {  	_ =	shalt  }
0x74: {  	_ =	shalt  }
0x75: {  	_ =	shalt  }
0x76: {  	_ =	shalt  }
0x77: {  	_ =	shalt  }
0x78: {  	_ =	shalt  }
0x79: {  	_ =	shalt  }
0x7a: {  	_ =	shalt  }
0x7b: {  	_ =	shalt  }
0x7c: {  	_ =	shalt  }
0x7d: {  	_ =	shalt  }
0x7e: {  	_ =	shalt  }
0x7f: {  	_ =	shalt  }
0x80: {  	_ =	shalt  }
0x81: {  	_ =	shalt  }
0x82: {  	_ =	shalt  }
0x83: {  	_ =	shalt  }
0x84: {  	_ =	shalt  }
0x85: {  	_ =	shalt  }
0x86: {  	_ =	shalt  }
0x87: {  	_ =	shalt  }
.Lfunc_end0:
.L_simem_size_0:
called_computation.1_lowered:
.L_overlay_start_0:
0x88: {  	s2 =	sld [smem:$0x3FD9]  }
0x89: {  	s3 =	sld [smem:$0x3FFE];
	_ =	sdelay $0x1  }
0x8a: {  	s1 =	srdreg.scid  }
0x8b: {  	s0 =	sand.u32 $0x1, s1  }
0x8c: {  	s17 =	sshll.u32 s0, $0xA;
	s2 =	sadd.s32 s3, s2  }
0x8d: {  	s2 =	sadd.s32 s2, s17  }
0x8e: {  	[smem:$0x3FC2] =	sst s2  }
0x8f: {  	_ = 	snop  }
0x90: {  	s2 =	sld [smem:$0x3FC8]  }
0x91: {  	s18 =	sld [smem:$0x3FD0];
	(tm) =	ssettm $0x1  }
0x92: {  	s4 =	sld [smem:$0x3FFB];
	_ =	sdelay $0x3  }
0x93: {  	_ =	strace s4  }
0x94: {  	s4 =	sld [smem:$0x3FFC];
	_ =	sdelay $0x3  }
0x95: {  	_ =	strace s4  }
0x96: {  	s4 =	sld [smem:$0x3FFD];
	_ =	sdelay $0x3  }
0x97: {  	_ =	strace s4  }
0x98: {  	_ =	strace $0x8FFFFFFF  }
0x99: {  	s19 =	sld [smem:$0x3FDB];
	_ =	sdelay $0x1  }
0x9a: {  	s5 =	simm.s32 $_scs_section_size  }
0x9b: {  	s6 =	simm.s32 $_size__tile_overlayer_lowered;
	s7 =	simm.s32 $_tile_overlayer_lowered  }
0x9c: {  	s22 =	simm.s32 $0x1BFF;
	s21 =	sshll.u32 s7, $0x1;
	s4 =	sadd.s32 s5, s19  }
0x9d: {  	s8 =	simm.s32 $0x0;
	s20 =	sshll.u32 s6, $0x1;
	s6 =	sadd.s32 s21, s4  }
0x9e: {  	[timem:s8], [sflag:s22] =	dma.local [hbm:s6], s20  }
0x9f: {  	_ =	swait.ge [sflag:s22], s20  }
0xa0: {  	s5 =	ssub.s32 $0x0, s20;
	[sflag:s22] =	ssyncset.done $0x0  }
0xa1: {  	[sflag:s22] =	ssyncadd.s32 s5;
	_ =	sdelay $0x1  }
0xa2: {  	s23 =	simm.s32 $0x1B8B  }
0xa3: {  	_ =	swait.ge [sflag:s23], $0x1  }
0xa4: {  	[sflag:s23] =	ssyncset.done $0x0  }
0xa5: {  	s25 =	simm.s32 $0x1B8E;
	s24 =	sld [smem:$0x3FFE];
	[sflag:s23] =	ssyncadd.s32 $0xFFFFFFFF  }
0xa6: {  	s26 =	simm.s32 $execute0_lowered;
	[smem:$0x3FD2] =	sst s25  }
0xa7: {  	s6 =	sshll.u32 s26, $0x1;
	_ =	strace $0x80000049;
	[dreg:$0x1] =	wrdreg $0xFFFFFFFF  }
0xa8: {  	s28 =	simm.s32 $_size_execute0_lowered;
	s4 =	sadd.s32 s4, s6;
	[dreg:$0x0] =	wrdreg $0x0  }
0xa9: {  	s6 =	sshll.u32 s28, $0x1;
	[dreg:$0x2] =	wrdreg s4  }
0xaa: {  	[dreg:$0x3] =	wrdreg s6  }
0xab: {  	[dreg:$0x4] =	wrdreg $0xC0  }
0xac: {  	_ =	task [dreg:s8], $0x5FFFF  }
0xad: {  	[dreg:$0x1] =	wrdreg $0xFFFFFFFF  }
0xae: {  	[dreg:$0x0] =	wrdreg $0x60  }
0xaf: {  	[dreg:$0x2] =	wrdreg s2  }
0xb0: {  	[dreg:$0x3] =	wrdreg s24  }
0xb1: {  	[dreg:$0x4] =	wrdreg s18  }
0xb2: {  	[dreg:$0x5] =	wrdreg $0x84000  }
0xb3: {  	[dreg:$0x6] =	wrdreg $0x9  }
0xb4: {  	_ =	task.clear_ibuf [dreg:s8], $0x7FFFF;
	_ =	strace $0x90000049  }
0xb5: {  	s29 =	simm.s32 $0x9;
	_ =	strace $0x8000004B  }
0xb6: {  	_ =	swait.ge [sflag:s29], $0x1  }
0xb7: {  	[sflag:s29] =	ssyncadd.s32 $0xFFFFFFFF  }
0xb8: {  	_ =	strace $0x9000004B  }
0xb9: {  	_ =	sfence  }
0xba: {  	s30 =	sld [smem:$0x0];
	_ =	sdelay $0x2  }
0xbb: {  	s31 =	sshll.u32 s1, $0xD;
	s1 =	sshrl.u32 s1, $0x2  }
0xbc: {  	s3 =	sand.u32 $0x4000, s31;
	s1 =	sadd.s32 s1, s30  }
0xbd: {  	s0 =	sor.u32 s3, s0;
	s1 =	sshll.u32 s1, $0x11  }
0xbe: {  	s0 =	sor.u32 s1, s0  }
0xbf: {  	s0 =	sadd.s32 $0x8F2B, s0  }
0xc0: {  	[sflag:s0] =	ssyncadd.remote.s32 $0x1  }
0xc1: {  	_ =	sfence.sel $0xFFFF  }
0xc2: {  	[dreg:$0x0] =	wrdreg $0xFFFFFFFF;
	(pc) =	sbr.abs _section_cstart, $3  }
0xc3: {  	[dreg:$0x1] =	wrdreg $0xFFFFFFFF  }
0xc4: {  	_ =	task.clear_ibuf [dreg:s8], $0x2FFFF;
	_ =	strace $0x9FFFFFFF  }
0xc5: {  	(tm) =	ssettm $0x7FFFFFFF  }
tec
execute0_lowered:
.L_overlay_start_1:
0x0: {  	(tag) =	ssettag $0x1  }
0x1: {  	s0 =	rddreg [dreg:$0x0]  }
0x2: {  	s1 =	rddreg [dreg:$0x1]  }
0x3: {  	s2 =	rddreg [dreg:$0x3]  }
0x4: {  	s4 =	simm.s32 $0x0;
	s3 =	srdreg.scid;
	s11 =	stileid.u32  }
0x5: {  	s29 =	simm.s32 $0x5;
	s30 =	simm.s32 $0x400;
	s31 =	simm.s32 $0x6  }
0x6: {  	s28 =	simm.s32 $0x9;
	[smem:$0x7FF] =	sst s4;
	s3 =	sand.u32 $0x1, s3  }
0x7: {  	s6 =	sshll.u32 s11, $0x1;
	s5 =	sadd.s32 $0x2200, s1;
	s14 =	smul.u32 $0x4F000, s11  }
0x8: {  	s1 =	sadd.s32 $0x29400, s1;
	s18 =	smul.u32 $0x13C00, s11;
	s22 =	sadd.s32 $0x128400, s2  }
0x9: {  	s24 =	sshll.u32 s11, $0x6;
	p0 =	seq.s32 s11, $0xF;
	s11 =	simm.s32 $0x4  }
0xa: {  	_ =	strace $0x8000004A;
	s7 =	ssub.s32 $0x2, s3;
	s8 =	sor.u32 s3, s6  }
0xb: {  	s16 =	smul.u32 $0x138800, s3;
	[dreg:$0xf] =	wrdreg s22;
	s25 =	sshll.u32 s3, $0x5  }
0xc: {  	s22 =	simm.s32 $0x80;
	[dreg:$0x5] =	wrdreg s8;
	s8 =	sshll.u32 s8, $0x5  }
0xd: {  	s3 =	simm.s32 $0x1;
	s12 =	sshrl.u32 s7, $0x1;
	s13 =	sadd.s32 s0, s8  }
0xe: {  	s6 =	ssub.s32 s7, s12;
	s9 =	sadd.s32 $0x10, s13;
	[dreg:$0x6] =	wrdreg s13  }
0xf: {  	s8 =	sshrl.u32 s14, $0x2;
	s15 =	sadd.s32 $0x400, s13;
	[dreg:$0x7] =	wrdreg s9  }
0x10: {  	s21 =	sadd.s32 s18, s16;
	s10 =	sadd.s32 $0x410, s13;
	[dreg:$0x8] =	wrdreg s15  }
0x11: {  	s0 =	sadd.s32 s24, s0;
	s17 =	sadd.s32 $0x800, s13;
	[dreg:$0x9] =	wrdreg s10  }
0x12: {  	s24 =	simm.s32 $0x100;
	s12 =	sadd.s32 $0x810, s13;
	[dreg:$0xa] =	wrdreg s17  }
0x13: {  	s19 =	sadd.s32 $0xC00, s13;
	s7 =	sadd.s32 $0xC10, s13;
	[dreg:$0xb] =	wrdreg s12  }
0x14: {  	s20 =	sadd.s32 s8, s2;
	s8 =	sshrl.u32 s21, $0x3;
	[dreg:$0xc] =	wrdreg s19  }
0x15: {  	s26 =	smax.u32 s6, $0x1;
	s21 =	simm.s32 $0x200;
	[dreg:$0xd] =	wrdreg s7  }
0x16: {  	s6 =	simm.s32 $0x8;
	s13 =	simm.s32 $0x0;
	[dreg:$0xe] =	wrdreg s20  }
0x17: {  	s9 =	sshrl.u32 s16, $0x3;
	s23 =	sadd.s32 s1, s8;
	[dreg:$0x12] =	wrdreg s26  }
.Ltmp0:
0x18: {  	s20 =	sadd.s32 s25, s0;
	s25 =	simm.s32 $0x300;
	(pc) =	sbr.rel .LBB2_1-.Ltmp0, $4  }
0x19: {  	s26 =	simm.s32 $0x180;
	s0 =	simm.s32 $0x4400;
	s8 =	simm.s32 $0x7  }
0x1a: {  	s10 =	simm.s32 $0xA;
	s12 =	simm.s32 $0xB;
	s1 =	sadd.s32 s1, s9  }
0x1b: {  	[dreg:$0x10] =	wrdreg s23;
	s23 =	simm.s32 $0x280;
	s1 =	sadd.s32 $0x25080, s1  }
0x1c: {  	s9 =	simm.s32 $0x2;
	[dreg:$0x11] =	wrdreg s1;
	s1 =	simm.s32 $0x3  }
.LBB2_17:
0x1d: {  	[bflag:$0x0] =	sbarrier.arrive $0xFFFF  }
0x1e: {  	s14 =	rddreg [dreg:$0x11]  }
0x1f: {  	s7 =	simm.s32 @p0 $0x1FCD;
	s15 =	rddreg [dreg:$0x13]  }
0x20: {  	[hbm:s14], [sflag:s7] =	dma.local @p0 [spmem:s15], $0x2080  }
0x21: {  	s7 =	simm.s32 @p0 $0xD  }
0x22: {  	_ =	swait.ge @p0 [sflag:s7], $0x2080  }
0x23: {  	s14 =	rddreg [dreg:$0x14]  }
0x24: {  	[sflag:s7] =	ssyncset.done @p0 $0x0;
	s15 =	rddreg [dreg:$0x15]  }
0x25: {  	[sflag:s7] =	ssyncadd.s32 @p0 $0xFFFFDF80;
	s7 =	rddreg [dreg:$0x10]  }
0x26: {  	[hbm:s7], [sflag:s14] =	dma.local @!p0 [spmem:s15], $0x2780  }
0x27: {  	s7 =	simm.s32 @!p0 $0xD  }
0x28: {  	_ =	swait.ge @!p0 [sflag:s7], $0x2780  }
0x29: {  	s13 =	sadd.s32 $0x1, s13;
	s19 =	rddreg [dreg:$0x12]  }
0x2a: {  	p1 =	sne.s32 s13, s19  }
.Ltmp1:
0x2b: {  	_ = 	snop;
	(pc) =	sbr.rel @!p1 .LBB2_18-.Ltmp1, $3  }
0x2c: {  	_ =	sdelay $0x1  }
0x2d: {  	[sflag:s7] =	ssyncset.done @!p0 $0x0  }
0x2e: {  	[sflag:s7] =	ssyncadd.s32 @!p0 $0xFFFFD880  }
.LBB2_1:
0x2f: {  	s7 =	rddreg [dreg:$0x6]  }
0x30: {  	[tilespmem:s4], [sflag:$0x5] =	stream.linear.gather [hbm4b:s7+s4], $0x80, $0x38;
	[tilespmem:$0x1BC80] =	vst v63  }
0x31: {  	s19 =	rddreg [dreg:$0x7]  }
0x32: {  	[tilespmem:s21], [sflag:$0x9] =	stream.linear.gather [hbm4b:s19+s4], $0x80, $0x38;
	[tilespmem:$0x1BC80] =	vst v63  }
0x33: {  	s14 =	rddreg [dreg:$0x8]  }
0x34: {  	[tilespmem:s22], [sflag:$0x6] =	stream.linear.gather [hbm4b:s14+s4], $0x80, $0x38;
	[tilespmem:$0x1BC80] =	vst v63  }
0x35: {  	s15 =	rddreg [dreg:$0x9]  }
0x36: {  	[tilespmem:s23], [sflag:$0xA] =	stream.linear.gather [hbm4b:s15+s4], $0x80, $0x38;
	[tilespmem:$0x1BC80] =	vst v63  }
0x37: {  	s16 =	rddreg [dreg:$0xa]  }
0x38: {  	[tilespmem:s24], [sflag:$0x7] =	stream.linear.gather [hbm4b:s16+s4], $0x80, $0x38;
	[tilespmem:$0x1BC80] =	vst v63  }
0x39: {  	s17 =	rddreg [dreg:$0xb]  }
0x3a: {  	[tilespmem:s25], [sflag:$0xB] =	stream.linear.gather [hbm4b:s17+s4], $0x80, $0x38;
	[tilespmem:$0x1BC80] =	vst v63  }
0x3b: {  	s18 =	rddreg [dreg:$0xc]  }
0x3c: {  	[tilespmem:s26], [sflag:$0x8] =	stream.linear.gather [hbm4b:s18+s4], $0x80, $0x38;
	[tilespmem:$0x1BC80] =	vst v63  }
0x3d: {  	s19 =	rddreg [dreg:$0xd];
	s14 =	simm.s32 $0x380  }
0x3e: {  	[tilespmem:s14], [sflag:$0xC] =	stream.linear.gather [hbm4b:s19+s4], $0x80, $0x38;
	[tilespmem:$0x1BC80] =	vst v63  }
0x3f: {  	_ =	swait.ge [sflag:s29], $0x80  }
0x40: {  	[sflag:s29] =	ssyncset.done $0x0  }
0x41: {  	s7 =	rddreg [dreg:$0xf];
	[sflag:s29] =	ssyncadd.s32 $0xFFFFFF80  }
0x42: {  	[tilespmem:s30], [sflag:$0x1] =	stream.indirect.gather [hbm4b:s5+s22], $0x80, s4, s22, $0xb8;
	[tilespmem:$0x1BC80] =	vst v63  }
0x43: {  	s14 =	sshrl.u32 @p0 s7, $0x3;
	s7 =	rddreg [dreg:$0x2]  }
0x44: {  	s15 =	simm.s32 @p0 $0x1FCD;
	[dreg:$0x13] =	wrdreg s14  }
0x45: {  	[spmem:s14], [sflag:s15] =	dma.local @p0 [hbm:s7], $0x2080  }
0x46: {  	s15 =	simm.s32 @p0 $0xD  }
0x47: {  	s14 =	stileid.u32;
	_ =	swait.ge @p0 [sflag:s15], $0x2080  }
0x48: {  	s16 =	sshll.u32 @!p0 s14, $0x6;
	[sflag:s15] =	ssyncset.done @p0 $0x0  }
0x49: {  	s14 =	rddreg [dreg:$0xe];
	[sflag:s15] =	ssyncadd.s32 @p0 $0xFFFFDF80;
	s15 =	sor.u32 @!p0 $0x1C0D, s16  }
0x4a: {  	s14 =	sshrl.u32 @!p0 s14, $0x3;
	[dreg:$0x14] =	wrdreg s15  }
0x4b: {  	s17 =	simm.s32 @!p0 $0xD;
	[dreg:$0x15] =	wrdreg s14  }
0x4c: {  	[spmem:s14], [sflag:s15] =	dma.local @!p0 [hbm:s7], $0x2780  }
.Ltmp2:
0x4d: {  	_ =	swait.ge @!p0 [sflag:s17], $0x2780;
	(pc) =	sbr.rel .LBB2_2-.Ltmp2, $4  }
0x4e: {  	[sflag:s17] =	ssyncset.done @!p0 $0x0  }
0x4f: {  	[sflag:s17] =	ssyncadd.s32 @!p0 $0xFFFFD880  }
0x50: {  	[bflag:$0x0] =	sbarrier.arrive $0xFFFF  }
0x51: {  	s18 =	simm.s32 $0x0;
	s17 =	rddreg [dreg:$0x5]  }
.LBB2_12:
0x52: {  	s7 =	sadd.s32 s18, s20  }
0x53: {  	s19 =	sadd.s32 $0x1800, s7  }
0x54: {  	[tilespmem:s24], [sflag:$0x7] =	stream.linear.gather [hbm4b:s19+s4], $0x80, $0x38;
	[tilespmem:$0x1BC80] =	vst v63  }
0x55: {  	_ =	swait.ge [sflag:s12], $0x80  }
0x56: {  	[sflag:s12] =	ssyncset.done $0x0  }
0x57: {  	[sflag:s12] =	ssyncadd.s32 $0xFFFFFF80  }
0x58: {  	[spmem:s2] =	stream.indirect.scatter.add.f32 [tilespmem:s30], [sflag:$0x3], $0x80, s25, s22, $0xb8;
	[tilespmem:$0x1BC80] =	vst v63  }
0x59: {  	_ =	swait.ge [sflag:s1], $0x4000  }
0x5a: {  	[sflag:s1] =	ssyncset.done $0x0  }
0x5b: {  	s7 =	sadd.s32 $0x1810, s7;
	[sflag:s1] =	ssyncadd.s32 $0xFFFFC000  }
0x5c: {  	[tilespmem:s25], [sflag:$0xB] =	stream.linear.gather [hbm4b:s7+s4], $0x80, $0x38;
	[tilespmem:$0x1BC80] =	vst v63  }
.LBB2_15:
0x5d: {  	_ =	swait.ge [sflag:s29], $0x80  }
0x5e: {  	[sflag:s29] =	ssyncset.done $0x0  }
0x5f: {  	[sflag:s29] =	ssyncadd.s32 $0xFFFFFF80  }
0x60: {  	[tilespmem:s30], [sflag:$0x1] =	stream.indirect.gather [hbm4b:s5+s22], $0x80, s4, s22, $0xb8;
	[tilespmem:$0x1BC80] =	vst v63  }
.LBB2_16:
0x61: {  	s7 =	simm.s32 @p2 $0x2  }
0x62: {  	p1 =	sgt.u32 @p2 s17, $0x8E3;
	_ =	swait.ge @p2 [sflag:s7], $0x4000  }
0x63: {  	p3 =	por !p1, !p2;
	[sflag:s7] =	ssyncset.done @p2 $0x0  }
0x64: {  	[sflag:s7] =	ssyncadd.s32 @p2 $0xFFFFC000;
	s7 =	simm.s32 @!p3 $0xC  }
0x65: {  	_ =	swait.ge @!p3 [sflag:s7], $0x80  }
0x66: {  	s19 =	simm.s32 @!p3 $0x380;
	[sflag:s7] =	ssyncset.done @!p3 $0x0  }
0x67: {  	s14 =	simm.s32 @!p3 $0x4400;
	[sflag:s7] =	ssyncadd.s32 @!p3 $0xFFFFFF80;
	s7 =	simm.s32 @!p3 $0x80  }
0x68: {  	[spmem:s2] =	stream.indirect.scatter.add.f32 @!p3 [tilespmem:s14], [sflag:$0x4], $0x80, s19, s7, $0xb8;
	[tilespmem:$0x1BC80] =	vst v63  }
0x69: {  	s7 =	simm.s32 @!p3 $0x4  }
0x6a: {  	_ =	swait.ge @!p3 [sflag:s7], $0x4000  }
0x6b: {  	p1 =	por p1, !p2;
	[sflag:s7] =	ssyncset.done @!p3 $0x0  }
0x6c: {  	[sflag:s7] =	ssyncadd.s32 @!p3 $0xFFFFC000;
	s7 =	sadd.s32 @!p1 s18, s20  }
0x6d: {  	s15 =	simm.s32 @!p1 $0x180;
	s19 =	simm.s32 @!p1 $0x0;
	s14 =	sadd.s32 @!p1 $0x1C00, s7  }
0x6e: {  	[tilespmem:s15], [sflag:$0x8] =	stream.linear.gather @!p1 [hbm4b:s14+s19], $0x80, $0x38;
	[tilespmem:$0x1BC80] =	vst v63  }
0x6f: {  	s14 =	simm.s32 @!p1 $0xC  }
0x70: {  	_ =	swait.ge @!p1 [sflag:s14], $0x80  }
0x71: {  	s16 =	simm.s32 @!p1 $0x4400;
	[sflag:s14] =	ssyncset.done @!p1 $0x0  }
0x72: {  	s15 =	simm.s32 @!p1 $0x380;
	[sflag:s14] =	ssyncadd.s32 @!p1 $0xFFFFFF80;
	s14 =	simm.s32 @!p1 $0x80  }
0x73: {  	[spmem:s2] =	stream.indirect.scatter.add.f32 @!p1 [tilespmem:s16], [sflag:$0x4], $0x80, s15, s14, $0xb8;
	[tilespmem:$0x1BC80] =	vst v63  }
0x74: {  	s14 =	simm.s32 @!p1 $0x4  }
0x75: {  	_ =	swait.ge @!p1 [sflag:s14], $0x4000  }
0x76: {  	[sflag:s14] =	ssyncset.done @!p1 $0x0  }
0x77: {  	s18 =	sadd.s32 $0x1000, s18;
	s7 =	sadd.s32 @!p1 $0x1C10, s7;
	[sflag:s14] =	ssyncadd.s32 @!p1 $0xFFFFC000  }
0x78: {  	[tilespmem:s15], [sflag:$0xC] =	stream.linear.gather @!p1 [hbm4b:s7+s19], $0x80, $0x38;
	[tilespmem:$0x1BC80] =	vst v63  }
0x79: {  	p1 =	sne.s32 s18, $0x14000  }
.Ltmp3:
0x7a: {  	_ = 	snop;
	(pc) =	sbr.rel @!p1 .LBB2_17-.Ltmp3, $2  }
0x7b: {  	_ =	sdelay $0x2  }
0x7c: {  	s17 =	sadd.s32 $0x80, s17  }
.LBB2_2:
0x7d: {  	_ =	swait.ge [sflag:s31], $0x80  }
0x7e: {  	p1 =	sgt.u32 s17, $0x943;
	[sflag:s31] =	ssyncset.done $0x0  }
.Ltmp4:
0x7f: {  	[sflag:s31] =	ssyncadd.s32 $0xFFFFFF80;
	(pc) =	sbr.rel @p1 .LBB2_4-.Ltmp4, $4  }
0x80: {  	[tilespmem:s0], [sflag:$0x2] =	stream.indirect.gather [hbm4b:s5+s22], $0x80, s22, s22, $0xb8;
	[tilespmem:$0x1BC80] =	vst v63  }
0x81: {  	_ =	swait.ge [sflag:s3], $0x4000  }
0x82: {  	[sflag:s3] =	ssyncset.done $0x0  }
0x83: {  	[sflag:s3] =	ssyncadd.s32 $0xFFFFC000  }
0x84: {  	s19 =	sadd.s32 s18, s20  }
0x85: {  	s7 =	sadd.s32 $0x1000, s19  }
0x86: {  	[tilespmem:s4], [sflag:$0x5] =	stream.linear.gather [hbm4b:s7+s4], $0x80, $0x38;
	[tilespmem:$0x1BC80] =	vst v63  }
0x87: {  	_ =	swait.ge [sflag:s28], $0x80  }
0x88: {  	[sflag:s28] =	ssyncset.done $0x0  }
0x89: {  	[sflag:s28] =	ssyncadd.s32 $0xFFFFFF80  }
0x8a: {  	[spmem:s2] =	stream.indirect.scatter.add.f32 [tilespmem:s30], [sflag:$0x3], $0x80, s21, s22, $0xb8;
	[tilespmem:$0x1BC80] =	vst v63  }
.Ltmp5:
0x8b: {  	_ = 	snop;
	(pc) =	sbr.rel .LBB2_5-.Ltmp5, $4  }
0x8c: {  	_ =	swait.ge [sflag:s1], $0x4000  }
0x8d: {  	[sflag:s1] =	ssyncset.done $0x0  }
0x8e: {  	s19 =	sadd.s32 $0x1010, s19;
	[sflag:s1] =	ssyncadd.s32 $0xFFFFC000  }
0x8f: {  	[tilespmem:s21], [sflag:$0x9] =	stream.linear.gather [hbm4b:s19+s4], $0x80, $0x38;
	[tilespmem:$0x1BC80] =	vst v63  }
.LBB2_4:
0x90: {  	_ =	swait.ge [sflag:s28], $0x80  }
0x91: {  	p2 =	sgt.u32 s17, $0x983;
	[sflag:s28] =	ssyncset.done $0x0  }
.Ltmp6:
0x92: {  	[sflag:s28] =	ssyncadd.s32 $0xFFFFFF80;
	(pc) =	sbr.rel @p2 .LBB2_6-.Ltmp6, $4  }
0x93: {  	[spmem:s2] =	stream.indirect.scatter.add.f32 [tilespmem:s30], [sflag:$0x3], $0x80, s21, s22, $0xb8;
	[tilespmem:$0x1BC80] =	vst v63  }
0x94: {  	_ =	swait.ge [sflag:s1], $0x4000  }
0x95: {  	[sflag:s1] =	ssyncset.done $0x0  }
0x96: {  	p3 =	por $0x0, $0x0;
	[sflag:s1] =	ssyncadd.s32 $0xFFFFC000  }
.LBB2_5:
0x97: {  	_ =	swait.ge [sflag:s8], $0x80  }
0x98: {  	[sflag:s8] =	ssyncset.done $0x0  }
0x99: {  	p3 =	por $0x1, $0x1;
	[sflag:s8] =	ssyncadd.s32 $0xFFFFFF80  }
0x9a: {  	[tilespmem:s30], [sflag:$0x1] =	stream.indirect.gather [hbm4b:s5+s22], $0x80, s24, s22, $0xb8;
	[tilespmem:$0x1BC80] =	vst v63  }
.LBB2_6:
0x9b: {  	p2 =	sgt.u32 s17, $0x923  }
.Ltmp7:
0x9c: {  	_ = 	snop;
	(pc) =	sbr.rel @p2 .LBB2_8-.Ltmp7, $4  }
0x9d: {  	_ = 	snop  }
0x9e: {  	_ =	swait.ge [sflag:s9], $0x4000  }
0x9f: {  	[sflag:s9] =	ssyncset.done $0x0  }
0xa0: {  	[sflag:s9] =	ssyncadd.s32 $0xFFFFC000  }
0xa1: {  	s7 =	sadd.s32 s18, s20  }
0xa2: {  	s19 =	sadd.s32 $0x1400, s7  }
0xa3: {  	[tilespmem:s22], [sflag:$0x6] =	stream.linear.gather [hbm4b:s19+s4], $0x80, $0x38;
	[tilespmem:$0x1BC80] =	vst v63  }
0xa4: {  	_ =	swait.ge [sflag:s10], $0x80  }
0xa5: {  	[sflag:s10] =	ssyncset.done $0x0  }
0xa6: {  	[sflag:s10] =	ssyncadd.s32 $0xFFFFFF80  }
0xa7: {  	[spmem:s2] =	stream.indirect.scatter.add.f32 [tilespmem:s0], [sflag:$0x4], $0x80, s23, s22, $0xb8;
	[tilespmem:$0x1BC80] =	vst v63  }
.Ltmp8:
0xa8: {  	_ = 	snop;
	(pc) =	sbr.rel .LBB2_9-.Ltmp8, $4  }
0xa9: {  	_ =	swait.ge [sflag:s11], $0x4000  }
0xaa: {  	[sflag:s11] =	ssyncset.done $0x0  }
0xab: {  	s7 =	sadd.s32 $0x1410, s7;
	[sflag:s11] =	ssyncadd.s32 $0xFFFFC000  }
0xac: {  	[tilespmem:s23], [sflag:$0xA] =	stream.linear.gather [hbm4b:s7+s4], $0x80, $0x38;
	[tilespmem:$0x1BC80] =	vst v63  }
.LBB2_8:
0xad: {  	_ =	swait.ge [sflag:s10], $0x80  }
0xae: {  	p4 =	sgt.u32 s17, $0x963;
	[sflag:s10] =	ssyncset.done $0x0  }
.Ltmp9:
0xaf: {  	[sflag:s10] =	ssyncadd.s32 $0xFFFFFF80;
	(pc) =	sbr.rel @p4 .LBB2_10-.Ltmp9, $4  }
0xb0: {  	[spmem:s2] =	stream.indirect.scatter.add.f32 [tilespmem:s0], [sflag:$0x4], $0x80, s23, s22, $0xb8;
	[tilespmem:$0x1BC80] =	vst v63  }
0xb1: {  	_ =	swait.ge [sflag:s11], $0x4000  }
0xb2: {  	[sflag:s11] =	ssyncset.done $0x0  }
0xb3: {  	p2 =	por $0x0, $0x0;
	[sflag:s11] =	ssyncadd.s32 $0xFFFFC000  }
.LBB2_9:
0xb4: {  	_ =	swait.ge [sflag:s6], $0x80  }
0xb5: {  	[sflag:s6] =	ssyncset.done $0x0  }
0xb6: {  	p2 =	por $0x1, $0x1;
	[sflag:s6] =	ssyncadd.s32 $0xFFFFFF80  }
0xb7: {  	[tilespmem:s0], [sflag:$0x2] =	stream.indirect.gather [hbm4b:s5+s22], $0x80, s26, s22, $0xb8;
	[tilespmem:$0x1BC80] =	vst v63  }
.LBB2_10:
.Ltmp10:
0xb8: {  	(pc) =	sbr.rel @!p3 .LBB2_14-.Ltmp10, $1  }
0xb9: {  	_ =	sdelay $0x3  }
0xba: {  	p3 =	sgt.u32 s17, $0x903  }
.Ltmp11:
0xbb: {  	_ = 	snop;
	(pc) =	sbr.rel @!p3 .LBB2_12-.Ltmp11, $4  }
0xbc: {  	_ = 	snop  }
0xbd: {  	_ =	swait.ge [sflag:s3], $0x4000  }
0xbe: {  	[sflag:s3] =	ssyncset.done $0x0  }
0xbf: {  	[sflag:s3] =	ssyncadd.s32 $0xFFFFC000  }
0xc0: {  	_ =	swait.ge [sflag:s12], $0x80  }
0xc1: {  	[sflag:s12] =	ssyncset.done $0x0  }
0xc2: {  	[sflag:s12] =	ssyncadd.s32 $0xFFFFFF80  }
0xc3: {  	[spmem:s2] =	stream.indirect.scatter.add.f32 [tilespmem:s30], [sflag:$0x3], $0x80, s25, s22, $0xb8;
	[tilespmem:$0x1BC80] =	vst v63  }
0xc4: {  	_ =	swait.ge [sflag:s1], $0x4000  }
0xc5: {  	[sflag:s1] =	ssyncset.done $0x0  }
0xc6: {  	[sflag:s1] =	ssyncadd.s32 $0xFFFFC000  }
.LBB2_14:
.Ltmp12:
0xc7: {  	(pc) =	sbr.rel @p1 .LBB2_16-.Ltmp12, $4  }
.Ltmp13:
0xc8: {  	(pc) =	sbr.rel @!p1 .LBB2_15-.Ltmp13, $4  }
0xc9: {  	_ = 	snop  }
0xca: {  	_ = 	snop  }
0xcb: {  	_ = 	snop  }
0xcc: {  	_ = 	snop  }
.LBB2_18:
0xcd: {  	_ =	sfence.sel $0x180000  }
0xce: {  	[bflag:$0x0] =	sbarrier.arrive $0xFFFF  }
0xcf: {  	_ =	strace $0x9000004A  }
0xd0: {  	s0 =	stileid.u32;
	[bflag:$0x2] =	sbarrier.arrive $0xFFFF  }
0xd1: {  	p0 =	sne.s32 s0, $0x0;
	s0 =	rddreg [dreg:$0x4]  }
0xd2: {  	s0 =	sadd.s32 @!p0 $0x100000, s0  }
0xd3: {  	[sflag:s0] =	ssyncadd.tile.s32 @!p0 $0x1;
	_ =	shalt  }
.Lfunc_end2:
_tile_overlayer_lowered:
.L_overlay_start_2:
0xd4: {  	(tag) =	ssettag $0x2  }
0xd5: {  	s0 =	rddreg [dreg:$0x0];
	s2 =	stileid.u32  }
0xd6: {  	s1 =	rddreg [dreg:$0x1];
	p0 =	sne.s32 s2, $0x0  }
0xd7: {  	s3 =	rddreg [dreg:$0x2];
	[bflag:$0x3] =	sbarrier.arrive $0xFFFF;
	s2 =	simm.s32 @!p0 $0x1C0D  }
0xd8: {  	[timem:s3], [sflag:s2] =	dma.local @!p0 [hbm:s0], s1  }
0xd9: {  	s0 =	simm.s32 @!p0 $0xD  }
0xda: {  	_ =	swait.ge @!p0 [sflag:s0], s1  }
0xdb: {  	s1 =	ssub.s32 @!p0 $0x0, s1;
	[sflag:s0] =	ssyncset.done @!p0 $0x0  }
0xdc: {  	[sflag:s0] =	ssyncadd.s32 @!p0 s1  }
0xdd: {  	[bflag:$0x3] =	sbarrier.arrive $0xFFFF  }
0xde: {  	_ =	shalt  }

// kernel: kernel.14.cloned.1.call-start
scs
__scs_entry_jumppad:
0x0: {  	(pc) =	sbr.rel $0x88, $3  }
0x1: {  	(tag) =	ssettag $0x0;
	lr =	simm.s32 $0x1  }
0x2: {  	[smem:$0x3F9B] =	sst lr;
	_ =	strace $0xD0000000  }
0x3: {  	_ = 	snop  }
0x4: {  	_ = 	snop  }
0x5: {  	_ = 	snop  }
0x6: {  	_ = 	snop  }
0x7: {  	_ = 	snop  }
__scs_overlays_trampoline_lowered:
0x8: {  	[smem:$0x3FAA] =	sst s0  }
0x9: {  	[smem:$0x3FAB] =	sst s1  }
0xa: {  	[smem:$0x3FAC] =	sst s2  }
0xb: {  	[smem:$0x3FAD] =	sst s3  }
0xc: {  	[smem:$0x3FAE] =	sst s4  }
0xd: {  	[smem:$0x3FAF] =	sst s5  }
0xe: {  	[smem:$0x3FB0] =	sst s6  }
0xf: {  	[smem:$0x3FB1] =	sst s7  }
0x10: {  	[smem:$0x3FB2] =	sst s8  }
0x11: {  	[smem:$0x3FB3] =	sst s9;
	s0 =	simm.s32 @!p0 $0x0  }
0x12: {  	s1 =	sld [smem:$0x3F99];
	s0 =	simm.s32 @p0 $0x1  }
0x13: {  	[smem:$0x3FB4] =	sst s0;
	s0 =	simm.s32 @!p1 $0x0  }
0x14: {  	s2 =	sld [smem:$0x3F98];
	s0 =	simm.s32 @p1 $0x1  }
0x15: {  	[smem:$0x3FB5] =	sst s0;
	s0 =	simm.s32 @!p2 $0x0  }
0x16: {  	s3 =	sld [smem:$0x3FDB];
	s0 =	simm.s32 @p2 $0x1  }
0x17: {  	s4 =	simm.s32 $0x1BF5;
	[smem:$0x3FB7] =	sst s0  }
0x18: {  	s0 =	sld [smem:$0x3F9A];
	_ =	swait.ge [sflag:s4], $0x0  }
0x19: {  	s7 =	sld [smem:$0x3F9B]  }
0x1a: {  	s8 =	sadd.s32 $0xFFFFE003, lr  }
0x1b: {  	s9 =	sadd.s32 $0xFFFFFEF7, lr;
	s5 =	simm.s32 $0xFFFFFFFF;
	p2 =	slt.u32 s8, $0xFFFFF086  }
0x1c: {  	p1 =	slt.u32 s9, $0xF7A;
	s5 =	simm.s32 @!p2 $0x0  }
0x1d: {  	s5 =	simm.s32 @p1 $0x1;
	p0 =	seq.s32 s7, s2  }
0x1e: {  	s7 =	smul.u32 @!p0 $0xF7A, s2;
	p2 =	seq.s32 @!p0 s5, $0x0  }
0x1f: {  	s9 =	smul.u32 $0xF7A, s1;
	s8 =	simm.s32 @!p0 $0x1BF5;
	p2 =	por !p2, p0  }
0x20: {  	[sflag:s8] =	ssyncset.s32 @!p0 $0xFFFFF086;
	s6 =	sadd.s32 @!p0 s3, s7;
	s7 =	simm.s32 @!p0 $0x108  }
0x21: {  	s3 =	sadd.s32 s3, s9;
	s6 =	sadd.s32 @!p0 $0x88, s6;
	s7 =	simm.s32 @p2 $0x1082  }
0x22: {  	[simem:s7], [sflag:s8] =	dma.local @!p0 [hbm:s6], $0xF7A  }
0x23: {  	s9 =	sor.u32 $0xD0000000, s2;
	s6 =	simm.s32 $0x108;
	_ =	swait.ge @!p0 [sflag:s8], $0x0  }
0x24: {  	s3 =	sadd.s32 $0x88, s3;
	s6 =	simm.s32 @!p1 $0x1082;
	[sflag:s4] =	ssyncset.s32 $0xFFFFF086  }
0x25: {  	[simem:s6], [sflag:s4] =	dma.local [hbm:s3], $0xF7A  }
0x26: {  	[smem:$0x3F9B] =	sst s1;
	(tag) =	ssettag s2;
	_ =	strace s9  }
0x27: {  	s1 =	sld [smem:$0x3FAB]  }
0x28: {  	s2 =	sld [smem:$0x3FAC]  }
0x29: {  	s4 =	sld [smem:$0x3FAE]  }
0x2a: {  	p0 =	seq.s32 s5, $0x0;
	s5 =	sld [smem:$0x3FAF]  }
0x2b: {  	s6 =	sld [smem:$0x3FB0]  }
0x2c: {  	s7 =	sld [smem:$0x3FB1]  }
0x2d: {  	s3 =	simm.s32 $0x108;
	s8 =	sld [smem:$0x3FB2]  }
0x2e: {  	s3 =	simm.s32 @!p0 $0x1082;
	s9 =	sld [smem:$0x3FB3]  }
0x2f: {  	lr =	sadd.s32 s0, s3;
	s0 =	sld [smem:$0x3FAA]  }
0x30: {  	s3 =	sld [smem:$0x3FAD]  }
0x31: {  	[smem:$0x3FB6] =	sst s10  }
0x32: {  	s10 =	sld [smem:$0x3FB4];
	_ =	sdelay $0x3  }
0x33: {  	p0 =	seq.s32 s10, $0x1;
	s10 =	sld [smem:$0x3FB6];
	_ =	sdelay $0x3  }
0x34: {  	[smem:$0x3FB6] =	sst s10  }
0x35: {  	s10 =	sld [smem:$0x3FB5];
	_ =	sdelay $0x3  }
0x36: {  	p1 =	seq.s32 s10, $0x1;
	s10 =	sld [smem:$0x3FB6];
	_ =	sdelay $0x3  }
0x37: {  	[smem:$0x3FB6] =	sst s10  }
0x38: {  	s10 =	sld [smem:$0x3FB7]  }
0x39: {  	_ = 	snop;
	(pc) =	sbr.ind lr, $3  }
0x3a: {  	_ = 	snop  }
0x3b: {  	_ = 	snop  }
0x3c: {  	p2 =	seq.s32 s10, $0x1;
	s10 =	sld [smem:$0x3FB6]  }
0x3d: {  	_ =	shalt  }
0x3e: {  	_ =	shalt  }
0x3f: {  	_ =	shalt  }
0x40: {  	_ =	shalt  }
0x41: {  	_ =	shalt  }
0x42: {  	_ =	shalt  }
0x43: {  	_ =	shalt  }
0x44: {  	_ =	shalt  }
0x45: {  	_ =	shalt  }
0x46: {  	_ =	shalt  }
0x47: {  	_ =	shalt  }
0x48: {  	_ =	shalt  }
0x49: {  	_ =	shalt  }
0x4a: {  	_ =	shalt  }
0x4b: {  	_ =	shalt  }
0x4c: {  	_ =	shalt  }
0x4d: {  	_ =	shalt  }
0x4e: {  	_ =	shalt  }
0x4f: {  	_ =	shalt  }
0x50: {  	_ =	shalt  }
0x51: {  	_ =	shalt  }
0x52: {  	_ =	shalt  }
0x53: {  	_ =	shalt  }
0x54: {  	_ =	shalt  }
0x55: {  	_ =	shalt  }
0x56: {  	_ =	shalt  }
0x57: {  	_ =	shalt  }
0x58: {  	_ =	shalt  }
0x59: {  	_ =	shalt  }
0x5a: {  	_ =	shalt  }
0x5b: {  	_ =	shalt  }
0x5c: {  	_ =	shalt  }
0x5d: {  	_ =	shalt  }
0x5e: {  	_ =	shalt  }
0x5f: {  	_ =	shalt  }
0x60: {  	_ =	shalt  }
0x61: {  	_ =	shalt  }
0x62: {  	_ =	shalt  }
0x63: {  	_ =	shalt  }
0x64: {  	_ =	shalt  }
0x65: {  	_ =	shalt  }
0x66: {  	_ =	shalt  }
0x67: {  	_ =	shalt  }
0x68: {  	_ =	shalt  }
0x69: {  	_ =	shalt  }
0x6a: {  	_ =	shalt  }
0x6b: {  	_ =	shalt  }
0x6c: {  	_ =	shalt  }
0x6d: {  	_ =	shalt  }
0x6e: {  	_ =	shalt  }
0x6f: {  	_ =	shalt  }
0x70: {  	_ =	shalt  }
0x71: {  	_ =	shalt  }
0x72: {  	_ =	shalt  }
0x73: {  	_ =	shalt  }
0x74: {  	_ =	shalt  }
0x75: {  	_ =	shalt  }
0x76: {  	_ =	shalt  }
0x77: {  	_ =	shalt  }
0x78: {  	_ =	shalt  }
0x79: {  	_ =	shalt  }
0x7a: {  	_ =	shalt  }
0x7b: {  	_ =	shalt  }
0x7c: {  	_ =	shalt  }
0x7d: {  	_ =	shalt  }
0x7e: {  	_ =	shalt  }
0x7f: {  	_ =	shalt  }
0x80: {  	_ =	shalt  }
0x81: {  	_ =	shalt  }
0x82: {  	_ =	shalt  }
0x83: {  	_ =	shalt  }
0x84: {  	_ =	shalt  }
0x85: {  	_ =	shalt  }
0x86: {  	_ =	shalt  }
0x87: {  	_ =	shalt  }
.Lfunc_end0:
.L_simem_size_0:
called_computation.2_lowered:
.L_overlay_start_0:
0x88: {  	s2 =	sld [smem:$0x3FD9]  }
0x89: {  	s3 =	sld [smem:$0x3FFE];
	_ =	sdelay $0x1  }
0x8a: {  	s1 =	srdreg.scid  }
0x8b: {  	s0 =	sand.u32 $0x1, s1  }
0x8c: {  	s17 =	sshll.u32 s0, $0xA;
	s2 =	sadd.s32 s3, s2  }
0x8d: {  	s2 =	sadd.s32 s2, s17  }
0x8e: {  	[smem:$0x3FC2] =	sst s2  }
0x8f: {  	_ = 	snop  }
0x90: {  	s2 =	sld [smem:$0x3FC8]  }
0x91: {  	s18 =	sld [smem:$0x3FD0];
	(tm) =	ssettm $0x1  }
0x92: {  	s4 =	sld [smem:$0x3FFB];
	_ =	sdelay $0x3  }
0x93: {  	_ =	strace s4  }
0x94: {  	s4 =	sld [smem:$0x3FFC];
	_ =	sdelay $0x3  }
0x95: {  	_ =	strace s4  }
0x96: {  	s4 =	sld [smem:$0x3FFD];
	_ =	sdelay $0x3  }
0x97: {  	_ =	strace s4  }
0x98: {  	_ =	strace $0x8FFFFFFF  }
0x99: {  	s19 =	sld [smem:$0x3FDB];
	_ =	sdelay $0x1  }
0x9a: {  	s5 =	simm.s32 $_scs_section_size  }
0x9b: {  	s6 =	simm.s32 $_size__tile_overlayer_lowered;
	s7 =	simm.s32 $_tile_overlayer_lowered  }
0x9c: {  	s22 =	simm.s32 $0x1BFF;
	s21 =	sshll.u32 s7, $0x1;
	s4 =	sadd.s32 s5, s19  }
0x9d: {  	s8 =	simm.s32 $0x0;
	s20 =	sshll.u32 s6, $0x1;
	s6 =	sadd.s32 s21, s4  }
0x9e: {  	[timem:s8], [sflag:s22] =	dma.local [hbm:s6], s20  }
0x9f: {  	_ =	swait.ge [sflag:s22], s20  }
0xa0: {  	s5 =	ssub.s32 $0x0, s20;
	[sflag:s22] =	ssyncset.done $0x0  }
0xa1: {  	[sflag:s22] =	ssyncadd.s32 s5;
	_ =	sdelay $0x1  }
0xa2: {  	s23 =	simm.s32 $0x1B8B  }
0xa3: {  	_ =	swait.ge [sflag:s23], $0x1  }
0xa4: {  	[sflag:s23] =	ssyncset.done $0x0  }
0xa5: {  	s25 =	simm.s32 $0x1B8E;
	s24 =	sld [smem:$0x3FFE];
	[sflag:s23] =	ssyncadd.s32 $0xFFFFFFFF  }
0xa6: {  	s26 =	simm.s32 $execute0_lowered;
	[smem:$0x3FD2] =	sst s25  }
0xa7: {  	s6 =	sshll.u32 s26, $0x1;
	_ =	strace $0x8000004C;
	[dreg:$0x1] =	wrdreg $0xFFFFFFFF  }
0xa8: {  	s28 =	simm.s32 $_size_execute0_lowered;
	s4 =	sadd.s32 s4, s6;
	[dreg:$0x0] =	wrdreg $0x0  }
0xa9: {  	s6 =	sshll.u32 s28, $0x1;
	[dreg:$0x2] =	wrdreg s4  }
0xaa: {  	[dreg:$0x3] =	wrdreg s6  }
0xab: {  	[dreg:$0x4] =	wrdreg $0xC0  }
0xac: {  	_ =	task [dreg:s8], $0x5FFFF  }
0xad: {  	[dreg:$0x1] =	wrdreg $0xFFFFFFFF  }
0xae: {  	[dreg:$0x0] =	wrdreg $0x60  }
0xaf: {  	[dreg:$0x2] =	wrdreg s2  }
0xb0: {  	[dreg:$0x3] =	wrdreg s24  }
0xb1: {  	[dreg:$0x4] =	wrdreg s18  }
0xb2: {  	[dreg:$0x5] =	wrdreg $0x84000  }
0xb3: {  	[dreg:$0x6] =	wrdreg $0x9  }
0xb4: {  	_ =	task.clear_ibuf [dreg:s8], $0x7FFFF;
	_ =	strace $0x9000004C  }
0xb5: {  	s29 =	simm.s32 $0x9;
	_ =	strace $0x8000004E  }
0xb6: {  	_ =	swait.ge [sflag:s29], $0x1  }
0xb7: {  	[sflag:s29] =	ssyncadd.s32 $0xFFFFFFFF  }
0xb8: {  	_ =	strace $0x9000004E  }
0xb9: {  	_ =	sfence  }
0xba: {  	s30 =	sld [smem:$0x0];
	_ =	sdelay $0x2  }
0xbb: {  	s31 =	sshll.u32 s1, $0xD;
	s1 =	sshrl.u32 s1, $0x2  }
0xbc: {  	s3 =	sand.u32 $0x4000, s31;
	s1 =	sadd.s32 s1, s30  }
0xbd: {  	s0 =	sor.u32 s3, s0;
	s1 =	sshll.u32 s1, $0x11  }
0xbe: {  	s0 =	sor.u32 s1, s0  }
0xbf: {  	s0 =	sadd.s32 $0x8F2B, s0  }
0xc0: {  	[sflag:s0] =	ssyncadd.remote.s32 $0x1  }
0xc1: {  	_ =	sfence.sel $0xFFFF  }
0xc2: {  	[dreg:$0x0] =	wrdreg $0xFFFFFFFF;
	(pc) =	sbr.abs _section_cstart, $3  }
0xc3: {  	[dreg:$0x1] =	wrdreg $0xFFFFFFFF  }
0xc4: {  	_ =	task.clear_ibuf [dreg:s8], $0x2FFFF;
	_ =	strace $0x9FFFFFFF  }
0xc5: {  	(tm) =	ssettm $0x7FFFFFFF  }
tec
execute0_lowered:
.L_overlay_start_1:
0x0: {  	(tag) =	ssettag $0x1  }
0x1: {  	s0 =	rddreg [dreg:$0x0]  }
0x2: {  	s1 =	rddreg [dreg:$0x1]  }
0x3: {  	s2 =	rddreg [dreg:$0x3]  }
0x4: {  	s4 =	simm.s32 $0x0;
	s3 =	srdreg.scid;
	s11 =	stileid.u32  }
0x5: {  	s29 =	simm.s32 $0x5;
	s30 =	simm.s32 $0x400;
	s31 =	simm.s32 $0x6  }
0x6: {  	s28 =	simm.s32 $0x9;
	[smem:$0x7FF] =	sst s4;
	s3 =	sand.u32 $0x1, s3  }
0x7: {  	s6 =	sshll.u32 s11, $0x1;
	s5 =	sadd.s32 $0x2200, s1;
	s14 =	smul.u32 $0x4F000, s11  }
0x8: {  	s1 =	sadd.s32 $0x29400, s1;
	s18 =	smul.u32 $0x13C00, s11;
	s22 =	sadd.s32 $0x128400, s2  }
0x9: {  	s24 =	sshll.u32 s11, $0x6;
	p0 =	seq.s32 s11, $0xF;
	s11 =	simm.s32 $0x4  }
0xa: {  	_ =	strace $0x8000004D;
	s7 =	ssub.s32 $0x2, s3;
	s8 =	sor.u32 s3, s6  }
0xb: {  	s16 =	smul.u32 $0x138800, s3;
	[dreg:$0xf] =	wrdreg s22;
	s25 =	sshll.u32 s3, $0x5  }
0xc: {  	s22 =	simm.s32 $0x80;
	[dreg:$0x5] =	wrdreg s8;
	s8 =	sshll.u32 s8, $0x5  }
0xd: {  	s3 =	simm.s32 $0x1;
	s12 =	sshrl.u32 s7, $0x1;
	s13 =	sadd.s32 s0, s8  }
0xe: {  	s6 =	ssub.s32 s7, s12;
	s9 =	sadd.s32 $0x10, s13;
	[dreg:$0x6] =	wrdreg s13  }
0xf: {  	s8 =	sshrl.u32 s14, $0x2;
	s15 =	sadd.s32 $0x400, s13;
	[dreg:$0x7] =	wrdreg s9  }
0x10: {  	s21 =	sadd.s32 s18, s16;
	s10 =	sadd.s32 $0x410, s13;
	[dreg:$0x8] =	wrdreg s15  }
0x11: {  	s0 =	sadd.s32 s24, s0;
	s17 =	sadd.s32 $0x800, s13;
	[dreg:$0x9] =	wrdreg s10  }
0x12: {  	s24 =	simm.s32 $0x100;
	s12 =	sadd.s32 $0x810, s13;
	[dreg:$0xa] =	wrdreg s17  }
0x13: {  	s19 =	sadd.s32 $0xC00, s13;
	s7 =	sadd.s32 $0xC10, s13;
	[dreg:$0xb] =	wrdreg s12  }
0x14: {  	s20 =	sadd.s32 s8, s2;
	s8 =	sshrl.u32 s21, $0x3;
	[dreg:$0xc] =	wrdreg s19  }
0x15: {  	s26 =	smax.u32 s6, $0x1;
	s21 =	simm.s32 $0x200;
	[dreg:$0xd] =	wrdreg s7  }
0x16: {  	s6 =	simm.s32 $0x8;
	s13 =	simm.s32 $0x0;
	[dreg:$0xe] =	wrdreg s20  }
0x17: {  	s9 =	sshrl.u32 s16, $0x3;
	s23 =	sadd.s32 s1, s8;
	[dreg:$0x12] =	wrdreg s26  }
.Ltmp0:
0x18: {  	s20 =	sadd.s32 s25, s0;
	s25 =	simm.s32 $0x300;
	(pc) =	sbr.rel .LBB2_1-.Ltmp0, $4  }
0x19: {  	s26 =	simm.s32 $0x180;
	s0 =	simm.s32 $0x4400;
	s8 =	simm.s32 $0x7  }
0x1a: {  	s10 =	simm.s32 $0xA;
	s12 =	simm.s32 $0xB;
	s1 =	sadd.s32 s1, s9  }
0x1b: {  	[dreg:$0x10] =	wrdreg s23;
	s23 =	simm.s32 $0x280;
	s1 =	sadd.s32 $0x25080, s1  }
0x1c: {  	s9 =	simm.s32 $0x2;
	[dreg:$0x11] =	wrdreg s1;
	s1 =	simm.s32 $0x3  }
.LBB2_17:
0x1d: {  	[bflag:$0x0] =	sbarrier.arrive $0xFFFF  }
0x1e: {  	s14 =	rddreg [dreg:$0x11]  }
0x1f: {  	s7 =	simm.s32 @p0 $0x1FCD;
	s15 =	rddreg [dreg:$0x13]  }
0x20: {  	[hbm:s14], [sflag:s7] =	dma.local @p0 [spmem:s15], $0x2080  }
0x21: {  	s7 =	simm.s32 @p0 $0xD  }
0x22: {  	_ =	swait.ge @p0 [sflag:s7], $0x2080  }
0x23: {  	s14 =	rddreg [dreg:$0x14]  }
0x24: {  	[sflag:s7] =	ssyncset.done @p0 $0x0;
	s15 =	rddreg [dreg:$0x15]  }
0x25: {  	[sflag:s7] =	ssyncadd.s32 @p0 $0xFFFFDF80;
	s7 =	rddreg [dreg:$0x10]  }
0x26: {  	[hbm:s7], [sflag:s14] =	dma.local @!p0 [spmem:s15], $0x2780  }
0x27: {  	s7 =	simm.s32 @!p0 $0xD  }
0x28: {  	_ =	swait.ge @!p0 [sflag:s7], $0x2780  }
0x29: {  	s13 =	sadd.s32 $0x1, s13;
	s19 =	rddreg [dreg:$0x12]  }
0x2a: {  	p1 =	sne.s32 s13, s19  }
.Ltmp1:
0x2b: {  	_ = 	snop;
	(pc) =	sbr.rel @!p1 .LBB2_18-.Ltmp1, $3  }
0x2c: {  	_ =	sdelay $0x1  }
0x2d: {  	[sflag:s7] =	ssyncset.done @!p0 $0x0  }
0x2e: {  	[sflag:s7] =	ssyncadd.s32 @!p0 $0xFFFFD880  }
.LBB2_1:
0x2f: {  	s7 =	rddreg [dreg:$0x6]  }
0x30: {  	[tilespmem:s4], [sflag:$0x5] =	stream.linear.gather [hbm4b:s7+s4], $0x80, $0x38;
	[tilespmem:$0x1BC80] =	vst v63  }
0x31: {  	s19 =	rddreg [dreg:$0x7]  }
0x32: {  	[tilespmem:s21], [sflag:$0x9] =	stream.linear.gather [hbm4b:s19+s4], $0x80, $0x38;
	[tilespmem:$0x1BC80] =	vst v63  }
0x33: {  	s14 =	rddreg [dreg:$0x8]  }
0x34: {  	[tilespmem:s22], [sflag:$0x6] =	stream.linear.gather [hbm4b:s14+s4], $0x80, $0x38;
	[tilespmem:$0x1BC80] =	vst v63  }
0x35: {  	s15 =	rddreg [dreg:$0x9]  }
0x36: {  	[tilespmem:s23], [sflag:$0xA] =	stream.linear.gather [hbm4b:s15+s4], $0x80, $0x38;
	[tilespmem:$0x1BC80] =	vst v63  }
0x37: {  	s16 =	rddreg [dreg:$0xa]  }
0x38: {  	[tilespmem:s24], [sflag:$0x7] =	stream.linear.gather [hbm4b:s16+s4], $0x80, $0x38;
	[tilespmem:$0x1BC80] =	vst v63  }
0x39: {  	s17 =	rddreg [dreg:$0xb]  }
0x3a: {  	[tilespmem:s25], [sflag:$0xB] =	stream.linear.gather [hbm4b:s17+s4], $0x80, $0x38;
	[tilespmem:$0x1BC80] =	vst v63  }
0x3b: {  	s18 =	rddreg [dreg:$0xc]  }
0x3c: {  	[tilespmem:s26], [sflag:$0x8] =	stream.linear.gather [hbm4b:s18+s4], $0x80, $0x38;
	[tilespmem:$0x1BC80] =	vst v63  }
0x3d: {  	s19 =	rddreg [dreg:$0xd];
	s14 =	simm.s32 $0x380  }
0x3e: {  	[tilespmem:s14], [sflag:$0xC] =	stream.linear.gather [hbm4b:s19+s4], $0x80, $0x38;
	[tilespmem:$0x1BC80] =	vst v63  }
0x3f: {  	_ =	swait.ge [sflag:s29], $0x80  }
0x40: {  	[sflag:s29] =	ssyncset.done $0x0  }
0x41: {  	s7 =	rddreg [dreg:$0xf];
	[sflag:s29] =	ssyncadd.s32 $0xFFFFFF80  }
0x42: {  	[tilespmem:s30], [sflag:$0x1] =	stream.indirect.gather [hbm4b:s5+s22], $0x80, s4, s22, $0xb8;
	[tilespmem:$0x1BC80] =	vst v63  }
0x43: {  	s14 =	sshrl.u32 @p0 s7, $0x3;
	s7 =	rddreg [dreg:$0x2]  }
0x44: {  	s15 =	simm.s32 @p0 $0x1FCD;
	[dreg:$0x13] =	wrdreg s14  }
0x45: {  	[spmem:s14], [sflag:s15] =	dma.local @p0 [hbm:s7], $0x2080  }
0x46: {  	s15 =	simm.s32 @p0 $0xD  }
0x47: {  	s14 =	stileid.u32;
	_ =	swait.ge @p0 [sflag:s15], $0x2080  }
0x48: {  	s16 =	sshll.u32 @!p0 s14, $0x6;
	[sflag:s15] =	ssyncset.done @p0 $0x0  }
0x49: {  	s14 =	rddreg [dreg:$0xe];
	[sflag:s15] =	ssyncadd.s32 @p0 $0xFFFFDF80;
	s15 =	sor.u32 @!p0 $0x1C0D, s16  }
0x4a: {  	s14 =	sshrl.u32 @!p0 s14, $0x3;
	[dreg:$0x14] =	wrdreg s15  }
0x4b: {  	s17 =	simm.s32 @!p0 $0xD;
	[dreg:$0x15] =	wrdreg s14  }
0x4c: {  	[spmem:s14], [sflag:s15] =	dma.local @!p0 [hbm:s7], $0x2780  }
.Ltmp2:
0x4d: {  	_ =	swait.ge @!p0 [sflag:s17], $0x2780;
	(pc) =	sbr.rel .LBB2_2-.Ltmp2, $4  }
0x4e: {  	[sflag:s17] =	ssyncset.done @!p0 $0x0  }
0x4f: {  	[sflag:s17] =	ssyncadd.s32 @!p0 $0xFFFFD880  }
0x50: {  	[bflag:$0x0] =	sbarrier.arrive $0xFFFF  }
0x51: {  	s18 =	simm.s32 $0x0;
	s17 =	rddreg [dreg:$0x5]  }
.LBB2_12:
0x52: {  	s7 =	sadd.s32 s18, s20  }
0x53: {  	s19 =	sadd.s32 $0x1800, s7  }
0x54: {  	[tilespmem:s24], [sflag:$0x7] =	stream.linear.gather [hbm4b:s19+s4], $0x80, $0x38;
	[tilespmem:$0x1BC80] =	vst v63  }
0x55: {  	_ =	swait.ge [sflag:s12], $0x80  }
0x56: {  	[sflag:s12] =	ssyncset.done $0x0  }
0x57: {  	[sflag:s12] =	ssyncadd.s32 $0xFFFFFF80  }
0x58: {  	[spmem:s2] =	stream.indirect.scatter.add.f32 [tilespmem:s30], [sflag:$0x3], $0x80, s25, s22, $0xb8;
	[tilespmem:$0x1BC80] =	vst v63  }
0x59: {  	_ =	swait.ge [sflag:s1], $0x4000  }
0x5a: {  	[sflag:s1] =	ssyncset.done $0x0  }
0x5b: {  	s7 =	sadd.s32 $0x1810, s7;
	[sflag:s1] =	ssyncadd.s32 $0xFFFFC000  }
0x5c: {  	[tilespmem:s25], [sflag:$0xB] =	stream.linear.gather [hbm4b:s7+s4], $0x80, $0x38;
	[tilespmem:$0x1BC80] =	vst v63  }
.LBB2_15:
0x5d: {  	_ =	swait.ge [sflag:s29], $0x80  }
0x5e: {  	[sflag:s29] =	ssyncset.done $0x0  }
0x5f: {  	[sflag:s29] =	ssyncadd.s32 $0xFFFFFF80  }
0x60: {  	[tilespmem:s30], [sflag:$0x1] =	stream.indirect.gather [hbm4b:s5+s22], $0x80, s4, s22, $0xb8;
	[tilespmem:$0x1BC80] =	vst v63  }
.LBB2_16:
0x61: {  	s7 =	simm.s32 @p2 $0x2  }
0x62: {  	p1 =	sgt.u32 @p2 s17, $0x8E3;
	_ =	swait.ge @p2 [sflag:s7], $0x4000  }
0x63: {  	p3 =	por !p1, !p2;
	[sflag:s7] =	ssyncset.done @p2 $0x0  }
0x64: {  	[sflag:s7] =	ssyncadd.s32 @p2 $0xFFFFC000;
	s7 =	simm.s32 @!p3 $0xC  }
0x65: {  	_ =	swait.ge @!p3 [sflag:s7], $0x80  }
0x66: {  	s19 =	simm.s32 @!p3 $0x380;
	[sflag:s7] =	ssyncset.done @!p3 $0x0  }
0x67: {  	s14 =	simm.s32 @!p3 $0x4400;
	[sflag:s7] =	ssyncadd.s32 @!p3 $0xFFFFFF80;
	s7 =	simm.s32 @!p3 $0x80  }
0x68: {  	[spmem:s2] =	stream.indirect.scatter.add.f32 @!p3 [tilespmem:s14], [sflag:$0x4], $0x80, s19, s7, $0xb8;
	[tilespmem:$0x1BC80] =	vst v63  }
0x69: {  	s7 =	simm.s32 @!p3 $0x4  }
0x6a: {  	_ =	swait.ge @!p3 [sflag:s7], $0x4000  }
0x6b: {  	p1 =	por p1, !p2;
	[sflag:s7] =	ssyncset.done @!p3 $0x0  }
0x6c: {  	[sflag:s7] =	ssyncadd.s32 @!p3 $0xFFFFC000;
	s7 =	sadd.s32 @!p1 s18, s20  }
0x6d: {  	s15 =	simm.s32 @!p1 $0x180;
	s19 =	simm.s32 @!p1 $0x0;
	s14 =	sadd.s32 @!p1 $0x1C00, s7  }
0x6e: {  	[tilespmem:s15], [sflag:$0x8] =	stream.linear.gather @!p1 [hbm4b:s14+s19], $0x80, $0x38;
	[tilespmem:$0x1BC80] =	vst v63  }
0x6f: {  	s14 =	simm.s32 @!p1 $0xC  }
0x70: {  	_ =	swait.ge @!p1 [sflag:s14], $0x80  }
0x71: {  	s16 =	simm.s32 @!p1 $0x4400;
	[sflag:s14] =	ssyncset.done @!p1 $0x0  }
0x72: {  	s15 =	simm.s32 @!p1 $0x380;
	[sflag:s14] =	ssyncadd.s32 @!p1 $0xFFFFFF80;
	s14 =	simm.s32 @!p1 $0x80  }
0x73: {  	[spmem:s2] =	stream.indirect.scatter.add.f32 @!p1 [tilespmem:s16], [sflag:$0x4], $0x80, s15, s14, $0xb8;
	[tilespmem:$0x1BC80] =	vst v63  }
0x74: {  	s14 =	simm.s32 @!p1 $0x4  }
0x75: {  	_ =	swait.ge @!p1 [sflag:s14], $0x4000  }
0x76: {  	[sflag:s14] =	ssyncset.done @!p1 $0x0  }
0x77: {  	s18 =	sadd.s32 $0x1000, s18;
	s7 =	sadd.s32 @!p1 $0x1C10, s7;
	[sflag:s14] =	ssyncadd.s32 @!p1 $0xFFFFC000  }
0x78: {  	[tilespmem:s15], [sflag:$0xC] =	stream.linear.gather @!p1 [hbm4b:s7+s19], $0x80, $0x38;
	[tilespmem:$0x1BC80] =	vst v63  }
0x79: {  	p1 =	sne.s32 s18, $0x14000  }
.Ltmp3:
0x7a: {  	_ = 	snop;
	(pc) =	sbr.rel @!p1 .LBB2_17-.Ltmp3, $2  }
0x7b: {  	_ =	sdelay $0x2  }
0x7c: {  	s17 =	sadd.s32 $0x80, s17  }
.LBB2_2:
0x7d: {  	_ =	swait.ge [sflag:s31], $0x80  }
0x7e: {  	p1 =	sgt.u32 s17, $0x943;
	[sflag:s31] =	ssyncset.done $0x0  }
.Ltmp4:
0x7f: {  	[sflag:s31] =	ssyncadd.s32 $0xFFFFFF80;
	(pc) =	sbr.rel @p1 .LBB2_4-.Ltmp4, $4  }
0x80: {  	[tilespmem:s0], [sflag:$0x2] =	stream.indirect.gather [hbm4b:s5+s22], $0x80, s22, s22, $0xb8;
	[tilespmem:$0x1BC80] =	vst v63  }
0x81: {  	_ =	swait.ge [sflag:s3], $0x4000  }
0x82: {  	[sflag:s3] =	ssyncset.done $0x0  }
0x83: {  	[sflag:s3] =	ssyncadd.s32 $0xFFFFC000  }
0x84: {  	s19 =	sadd.s32 s18, s20  }
0x85: {  	s7 =	sadd.s32 $0x1000, s19  }
0x86: {  	[tilespmem:s4], [sflag:$0x5] =	stream.linear.gather [hbm4b:s7+s4], $0x80, $0x38;
	[tilespmem:$0x1BC80] =	vst v63  }
0x87: {  	_ =	swait.ge [sflag:s28], $0x80  }
0x88: {  	[sflag:s28] =	ssyncset.done $0x0  }
0x89: {  	[sflag:s28] =	ssyncadd.s32 $0xFFFFFF80  }
0x8a: {  	[spmem:s2] =	stream.indirect.scatter.add.f32 [tilespmem:s30], [sflag:$0x3], $0x80, s21, s22, $0xb8;
	[tilespmem:$0x1BC80] =	vst v63  }
.Ltmp5:
0x8b: {  	_ = 	snop;
	(pc) =	sbr.rel .LBB2_5-.Ltmp5, $4  }
0x8c: {  	_ =	swait.ge [sflag:s1], $0x4000  }
0x8d: {  	[sflag:s1] =	ssyncset.done $0x0  }
0x8e: {  	s19 =	sadd.s32 $0x1010, s19;
	[sflag:s1] =	ssyncadd.s32 $0xFFFFC000  }
0x8f: {  	[tilespmem:s21], [sflag:$0x9] =	stream.linear.gather [hbm4b:s19+s4], $0x80, $0x38;
	[tilespmem:$0x1BC80] =	vst v63  }
.LBB2_4:
0x90: {  	_ =	swait.ge [sflag:s28], $0x80  }
0x91: {  	p2 =	sgt.u32 s17, $0x983;
	[sflag:s28] =	ssyncset.done $0x0  }
.Ltmp6:
0x92: {  	[sflag:s28] =	ssyncadd.s32 $0xFFFFFF80;
	(pc) =	sbr.rel @p2 .LBB2_6-.Ltmp6, $4  }
0x93: {  	[spmem:s2] =	stream.indirect.scatter.add.f32 [tilespmem:s30], [sflag:$0x3], $0x80, s21, s22, $0xb8;
	[tilespmem:$0x1BC80] =	vst v63  }
0x94: {  	_ =	swait.ge [sflag:s1], $0x4000  }
0x95: {  	[sflag:s1] =	ssyncset.done $0x0  }
0x96: {  	p3 =	por $0x0, $0x0;
	[sflag:s1] =	ssyncadd.s32 $0xFFFFC000  }
.LBB2_5:
0x97: {  	_ =	swait.ge [sflag:s8], $0x80  }
0x98: {  	[sflag:s8] =	ssyncset.done $0x0  }
0x99: {  	p3 =	por $0x1, $0x1;
	[sflag:s8] =	ssyncadd.s32 $0xFFFFFF80  }
0x9a: {  	[tilespmem:s30], [sflag:$0x1] =	stream.indirect.gather [hbm4b:s5+s22], $0x80, s24, s22, $0xb8;
	[tilespmem:$0x1BC80] =	vst v63  }
.LBB2_6:
0x9b: {  	p2 =	sgt.u32 s17, $0x923  }
.Ltmp7:
0x9c: {  	_ = 	snop;
	(pc) =	sbr.rel @p2 .LBB2_8-.Ltmp7, $4  }
0x9d: {  	_ = 	snop  }
0x9e: {  	_ =	swait.ge [sflag:s9], $0x4000  }
0x9f: {  	[sflag:s9] =	ssyncset.done $0x0  }
0xa0: {  	[sflag:s9] =	ssyncadd.s32 $0xFFFFC000  }
0xa1: {  	s7 =	sadd.s32 s18, s20  }
0xa2: {  	s19 =	sadd.s32 $0x1400, s7  }
0xa3: {  	[tilespmem:s22], [sflag:$0x6] =	stream.linear.gather [hbm4b:s19+s4], $0x80, $0x38;
	[tilespmem:$0x1BC80] =	vst v63  }
0xa4: {  	_ =	swait.ge [sflag:s10], $0x80  }
0xa5: {  	[sflag:s10] =	ssyncset.done $0x0  }
0xa6: {  	[sflag:s10] =	ssyncadd.s32 $0xFFFFFF80  }
0xa7: {  	[spmem:s2] =	stream.indirect.scatter.add.f32 [tilespmem:s0], [sflag:$0x4], $0x80, s23, s22, $0xb8;
	[tilespmem:$0x1BC80] =	vst v63  }
.Ltmp8:
0xa8: {  	_ = 	snop;
	(pc) =	sbr.rel .LBB2_9-.Ltmp8, $4  }
0xa9: {  	_ =	swait.ge [sflag:s11], $0x4000  }
0xaa: {  	[sflag:s11] =	ssyncset.done $0x0  }
0xab: {  	s7 =	sadd.s32 $0x1410, s7;
	[sflag:s11] =	ssyncadd.s32 $0xFFFFC000  }
0xac: {  	[tilespmem:s23], [sflag:$0xA] =	stream.linear.gather [hbm4b:s7+s4], $0x80, $0x38;
	[tilespmem:$0x1BC80] =	vst v63  }
.LBB2_8:
0xad: {  	_ =	swait.ge [sflag:s10], $0x80  }
0xae: {  	p4 =	sgt.u32 s17, $0x963;
	[sflag:s10] =	ssyncset.done $0x0  }
.Ltmp9:
0xaf: {  	[sflag:s10] =	ssyncadd.s32 $0xFFFFFF80;
	(pc) =	sbr.rel @p4 .LBB2_10-.Ltmp9, $4  }
0xb0: {  	[spmem:s2] =	stream.indirect.scatter.add.f32 [tilespmem:s0], [sflag:$0x4], $0x80, s23, s22, $0xb8;
	[tilespmem:$0x1BC80] =	vst v63  }
0xb1: {  	_ =	swait.ge [sflag:s11], $0x4000  }
0xb2: {  	[sflag:s11] =	ssyncset.done $0x0  }
0xb3: {  	p2 =	por $0x0, $0x0;
	[sflag:s11] =	ssyncadd.s32 $0xFFFFC000  }
.LBB2_9:
0xb4: {  	_ =	swait.ge [sflag:s6], $0x80  }
0xb5: {  	[sflag:s6] =	ssyncset.done $0x0  }
0xb6: {  	p2 =	por $0x1, $0x1;
	[sflag:s6] =	ssyncadd.s32 $0xFFFFFF80  }
0xb7: {  	[tilespmem:s0], [sflag:$0x2] =	stream.indirect.gather [hbm4b:s5+s22], $0x80, s26, s22, $0xb8;
	[tilespmem:$0x1BC80] =	vst v63  }
.LBB2_10:
.Ltmp10:
0xb8: {  	(pc) =	sbr.rel @!p3 .LBB2_14-.Ltmp10, $1  }
0xb9: {  	_ =	sdelay $0x3  }
0xba: {  	p3 =	sgt.u32 s17, $0x903  }
.Ltmp11:
0xbb: {  	_ = 	snop;
	(pc) =	sbr.rel @!p3 .LBB2_12-.Ltmp11, $4  }
0xbc: {  	_ = 	snop  }
0xbd: {  	_ =	swait.ge [sflag:s3], $0x4000  }
0xbe: {  	[sflag:s3] =	ssyncset.done $0x0  }
0xbf: {  	[sflag:s3] =	ssyncadd.s32 $0xFFFFC000  }
0xc0: {  	_ =	swait.ge [sflag:s12], $0x80  }
0xc1: {  	[sflag:s12] =	ssyncset.done $0x0  }
0xc2: {  	[sflag:s12] =	ssyncadd.s32 $0xFFFFFF80  }
0xc3: {  	[spmem:s2] =	stream.indirect.scatter.add.f32 [tilespmem:s30], [sflag:$0x3], $0x80, s25, s22, $0xb8;
	[tilespmem:$0x1BC80] =	vst v63  }
0xc4: {  	_ =	swait.ge [sflag:s1], $0x4000  }
0xc5: {  	[sflag:s1] =	ssyncset.done $0x0  }
0xc6: {  	[sflag:s1] =	ssyncadd.s32 $0xFFFFC000  }
.LBB2_14:
.Ltmp12:
0xc7: {  	(pc) =	sbr.rel @p1 .LBB2_16-.Ltmp12, $4  }
.Ltmp13:
0xc8: {  	(pc) =	sbr.rel @!p1 .LBB2_15-.Ltmp13, $4  }
0xc9: {  	_ = 	snop  }
0xca: {  	_ = 	snop  }
0xcb: {  	_ = 	snop  }
0xcc: {  	_ = 	snop  }
.LBB2_18:
0xcd: {  	_ =	sfence.sel $0x180000  }
0xce: {  	[bflag:$0x0] =	sbarrier.arrive $0xFFFF  }
0xcf: {  	_ =	strace $0x9000004D  }
0xd0: {  	s0 =	stileid.u32;
	[bflag:$0x2] =	sbarrier.arrive $0xFFFF  }
0xd1: {  	p0 =	sne.s32 s0, $0x0;
	s0 =	rddreg [dreg:$0x4]  }
0xd2: {  	s0 =	sadd.s32 @!p0 $0x100000, s0  }
0xd3: {  	[sflag:s0] =	ssyncadd.tile.s32 @!p0 $0x1;
	_ =	shalt  }
.Lfunc_end2:
_tile_overlayer_lowered:
.L_overlay_start_2:
0xd4: {  	(tag) =	ssettag $0x2  }
0xd5: {  	s0 =	rddreg [dreg:$0x0];
	s2 =	stileid.u32  }
0xd6: {  	s1 =	rddreg [dreg:$0x1];
	p0 =	sne.s32 s2, $0x0  }
0xd7: {  	s3 =	rddreg [dreg:$0x2];
	[bflag:$0x3] =	sbarrier.arrive $0xFFFF;
	s2 =	simm.s32 @!p0 $0x1C0D  }
0xd8: {  	[timem:s3], [sflag:s2] =	dma.local @!p0 [hbm:s0], s1  }
0xd9: {  	s0 =	simm.s32 @!p0 $0xD  }
0xda: {  	_ =	swait.ge @!p0 [sflag:s0], s1  }
0xdb: {  	s1 =	ssub.s32 @!p0 $0x0, s1;
	[sflag:s0] =	ssyncset.done @!p0 $0x0  }
0xdc: {  	[sflag:s0] =	ssyncadd.s32 @!p0 s1  }
0xdd: {  	[bflag:$0x3] =	sbarrier.arrive $0xFFFF  }
0xde: {  	_ =	shalt  }

// kernel: kernel.8.cloned.1.call-start
scs
__scs_entry_jumppad:
0x0: {  	(pc) =	sbr.rel $0x88, $3  }
0x1: {  	(tag) =	ssettag $0x0;
	lr =	simm.s32 $0x1  }
0x2: {  	[smem:$0x3F9B] =	sst lr;
	_ =	strace $0xD0000000  }
0x3: {  	_ = 	snop  }
0x4: {  	_ = 	snop  }
0x5: {  	_ = 	snop  }
0x6: {  	_ = 	snop  }
0x7: {  	_ = 	snop  }
__scs_overlays_trampoline_lowered:
0x8: {  	[smem:$0x3FAA] =	sst s0  }
0x9: {  	[smem:$0x3FAB] =	sst s1  }
0xa: {  	[smem:$0x3FAC] =	sst s2  }
0xb: {  	[smem:$0x3FAD] =	sst s3  }
0xc: {  	[smem:$0x3FAE] =	sst s4  }
0xd: {  	[smem:$0x3FAF] =	sst s5  }
0xe: {  	[smem:$0x3FB0] =	sst s6  }
0xf: {  	[smem:$0x3FB1] =	sst s7  }
0x10: {  	[smem:$0x3FB2] =	sst s8  }
0x11: {  	[smem:$0x3FB3] =	sst s9;
	s0 =	simm.s32 @!p0 $0x0  }
0x12: {  	s1 =	sld [smem:$0x3F99];
	s0 =	simm.s32 @p0 $0x1  }
0x13: {  	[smem:$0x3FB4] =	sst s0;
	s0 =	simm.s32 @!p1 $0x0  }
0x14: {  	s2 =	sld [smem:$0x3F98];
	s0 =	simm.s32 @p1 $0x1  }
0x15: {  	[smem:$0x3FB5] =	sst s0;
	s0 =	simm.s32 @!p2 $0x0  }
0x16: {  	s3 =	sld [smem:$0x3FDB];
	s0 =	simm.s32 @p2 $0x1  }
0x17: {  	s4 =	simm.s32 $0x1BF5;
	[smem:$0x3FB7] =	sst s0  }
0x18: {  	s0 =	sld [smem:$0x3F9A];
	_ =	swait.ge [sflag:s4], $0x0  }
0x19: {  	s7 =	sld [smem:$0x3F9B]  }
0x1a: {  	s8 =	sadd.s32 $0xFFFFE003, lr  }
0x1b: {  	s9 =	sadd.s32 $0xFFFFFEF7, lr;
	s5 =	simm.s32 $0xFFFFFFFF;
	p2 =	slt.u32 s8, $0xFFFFF086  }
0x1c: {  	p1 =	slt.u32 s9, $0xF7A;
	s5 =	simm.s32 @!p2 $0x0  }
0x1d: {  	s5 =	simm.s32 @p1 $0x1;
	p0 =	seq.s32 s7, s2  }
0x1e: {  	s7 =	smul.u32 @!p0 $0xF7A, s2;
	p2 =	seq.s32 @!p0 s5, $0x0  }
0x1f: {  	s9 =	smul.u32 $0xF7A, s1;
	s8 =	simm.s32 @!p0 $0x1BF5;
	p2 =	por !p2, p0  }
0x20: {  	[sflag:s8] =	ssyncset.s32 @!p0 $0xFFFFF086;
	s6 =	sadd.s32 @!p0 s3, s7;
	s7 =	simm.s32 @!p0 $0x108  }
0x21: {  	s3 =	sadd.s32 s3, s9;
	s6 =	sadd.s32 @!p0 $0x88, s6;
	s7 =	simm.s32 @p2 $0x1082  }
0x22: {  	[simem:s7], [sflag:s8] =	dma.local @!p0 [hbm:s6], $0xF7A  }
0x23: {  	s9 =	sor.u32 $0xD0000000, s2;
	s6 =	simm.s32 $0x108;
	_ =	swait.ge @!p0 [sflag:s8], $0x0  }
0x24: {  	s3 =	sadd.s32 $0x88, s3;
	s6 =	simm.s32 @!p1 $0x1082;
	[sflag:s4] =	ssyncset.s32 $0xFFFFF086  }
0x25: {  	[simem:s6], [sflag:s4] =	dma.local [hbm:s3], $0xF7A  }
0x26: {  	[smem:$0x3F9B] =	sst s1;
	(tag) =	ssettag s2;
	_ =	strace s9  }
0x27: {  	s1 =	sld [smem:$0x3FAB]  }
0x28: {  	s2 =	sld [smem:$0x3FAC]  }
0x29: {  	s4 =	sld [smem:$0x3FAE]  }
0x2a: {  	p0 =	seq.s32 s5, $0x0;
	s5 =	sld [smem:$0x3FAF]  }
0x2b: {  	s6 =	sld [smem:$0x3FB0]  }
0x2c: {  	s7 =	sld [smem:$0x3FB1]  }
0x2d: {  	s3 =	simm.s32 $0x108;
	s8 =	sld [smem:$0x3FB2]  }
0x2e: {  	s3 =	simm.s32 @!p0 $0x1082;
	s9 =	sld [smem:$0x3FB3]  }
0x2f: {  	lr =	sadd.s32 s0, s3;
	s0 =	sld [smem:$0x3FAA]  }
0x30: {  	s3 =	sld [smem:$0x3FAD]  }
0x31: {  	[smem:$0x3FB6] =	sst s10  }
0x32: {  	s10 =	sld [smem:$0x3FB4];
	_ =	sdelay $0x3  }
0x33: {  	p0 =	seq.s32 s10, $0x1;
	s10 =	sld [smem:$0x3FB6];
	_ =	sdelay $0x3  }
0x34: {  	[smem:$0x3FB6] =	sst s10  }
0x35: {  	s10 =	sld [smem:$0x3FB5];
	_ =	sdelay $0x3  }
0x36: {  	p1 =	seq.s32 s10, $0x1;
	s10 =	sld [smem:$0x3FB6];
	_ =	sdelay $0x3  }
0x37: {  	[smem:$0x3FB6] =	sst s10  }
0x38: {  	s10 =	sld [smem:$0x3FB7]  }
0x39: {  	_ = 	snop;
	(pc) =	sbr.ind lr, $3  }
0x3a: {  	_ = 	snop  }
0x3b: {  	_ = 	snop  }
0x3c: {  	p2 =	seq.s32 s10, $0x1;
	s10 =	sld [smem:$0x3FB6]  }
0x3d: {  	_ =	shalt  }
0x3e: {  	_ =	shalt  }
0x3f: {  	_ =	shalt  }
0x40: {  	_ =	shalt  }
0x41: {  	_ =	shalt  }
0x42: {  	_ =	shalt  }
0x43: {  	_ =	shalt  }
0x44: {  	_ =	shalt  }
0x45: {  	_ =	shalt  }
0x46: {  	_ =	shalt  }
0x47: {  	_ =	shalt  }
0x48: {  	_ =	shalt  }
0x49: {  	_ =	shalt  }
0x4a: {  	_ =	shalt  }
0x4b: {  	_ =	shalt  }
0x4c: {  	_ =	shalt  }
0x4d: {  	_ =	shalt  }
0x4e: {  	_ =	shalt  }
0x4f: {  	_ =	shalt  }
0x50: {  	_ =	shalt  }
0x51: {  	_ =	shalt  }
0x52: {  	_ =	shalt  }
0x53: {  	_ =	shalt  }
0x54: {  	_ =	shalt  }
0x55: {  	_ =	shalt  }
0x56: {  	_ =	shalt  }
0x57: {  	_ =	shalt  }
0x58: {  	_ =	shalt  }
0x59: {  	_ =	shalt  }
0x5a: {  	_ =	shalt  }
0x5b: {  	_ =	shalt  }
0x5c: {  	_ =	shalt  }
0x5d: {  	_ =	shalt  }
0x5e: {  	_ =	shalt  }
0x5f: {  	_ =	shalt  }
0x60: {  	_ =	shalt  }
0x61: {  	_ =	shalt  }
0x62: {  	_ =	shalt  }
0x63: {  	_ =	shalt  }
0x64: {  	_ =	shalt  }
0x65: {  	_ =	shalt  }
0x66: {  	_ =	shalt  }
0x67: {  	_ =	shalt  }
0x68: {  	_ =	shalt  }
0x69: {  	_ =	shalt  }
0x6a: {  	_ =	shalt  }
0x6b: {  	_ =	shalt  }
0x6c: {  	_ =	shalt  }
0x6d: {  	_ =	shalt  }
0x6e: {  	_ =	shalt  }
0x6f: {  	_ =	shalt  }
0x70: {  	_ =	shalt  }
0x71: {  	_ =	shalt  }
0x72: {  	_ =	shalt  }
0x73: {  	_ =	shalt  }
0x74: {  	_ =	shalt  }
0x75: {  	_ =	shalt  }
0x76: {  	_ =	shalt  }
0x77: {  	_ =	shalt  }
0x78: {  	_ =	shalt  }
0x79: {  	_ =	shalt  }
0x7a: {  	_ =	shalt  }
0x7b: {  	_ =	shalt  }
0x7c: {  	_ =	shalt  }
0x7d: {  	_ =	shalt  }
0x7e: {  	_ =	shalt  }
0x7f: {  	_ =	shalt  }
0x80: {  	_ =	shalt  }
0x81: {  	_ =	shalt  }
0x82: {  	_ =	shalt  }
0x83: {  	_ =	shalt  }
0x84: {  	_ =	shalt  }
0x85: {  	_ =	shalt  }
0x86: {  	_ =	shalt  }
0x87: {  	_ =	shalt  }
.Lfunc_end0:
.L_simem_size_0:
called_computation_lowered:
.L_overlay_start_0:
0x88: {  	s2 =	sld [smem:$0x3FD9]  }
0x89: {  	s3 =	sld [smem:$0x3FFE];
	_ =	sdelay $0x1  }
0x8a: {  	s1 =	srdreg.scid  }
0x8b: {  	s0 =	sand.u32 $0x1, s1  }
0x8c: {  	s17 =	sshll.u32 s0, $0xA;
	s2 =	sadd.s32 s3, s2  }
0x8d: {  	s2 =	sadd.s32 s2, s17  }
0x8e: {  	[smem:$0x3FC2] =	sst s2  }
0x8f: {  	_ = 	snop  }
0x90: {  	s2 =	sld [smem:$0x3FC8];
	(tm) =	ssettm $0x1  }
0x91: {  	s18 =	sld [smem:$0x3FFB];
	_ =	sdelay $0x3  }
0x92: {  	_ =	strace s18  }
0x93: {  	s3 =	sld [smem:$0x3FFC];
	_ =	sdelay $0x3  }
0x94: {  	_ =	strace s3  }
0x95: {  	s3 =	sld [smem:$0x3FFD];
	_ =	sdelay $0x3  }
0x96: {  	_ =	strace s3  }
0x97: {  	_ =	strace $0x8FFFFFFF  }
0x98: {  	s19 =	sld [smem:$0x3FDB];
	_ =	sdelay $0x1  }
0x99: {  	s4 =	simm.s32 $_scs_section_size  }
0x9a: {  	s5 =	simm.s32 $_size__tile_overlayer_lowered;
	s6 =	simm.s32 $_tile_overlayer_lowered  }
0x9b: {  	s22 =	simm.s32 $0x1BFF;
	s21 =	sshll.u32 s6, $0x1;
	s3 =	sadd.s32 s4, s19  }
0x9c: {  	s7 =	simm.s32 $0x0;
	s20 =	sshll.u32 s5, $0x1;
	s5 =	sadd.s32 s21, s3  }
0x9d: {  	[timem:s7], [sflag:s22] =	dma.local [hbm:s5], s20  }
0x9e: {  	_ =	swait.ge [sflag:s22], s20  }
0x9f: {  	s4 =	ssub.s32 $0x0, s20;
	[sflag:s22] =	ssyncset.done $0x0  }
0xa0: {  	[sflag:s22] =	ssyncadd.s32 s4;
	_ =	sdelay $0x1  }
0xa1: {  	s23 =	simm.s32 $0x1B8B  }
0xa2: {  	_ =	swait.ge [sflag:s23], $0x1  }
0xa3: {  	[sflag:s23] =	ssyncset.done $0x0  }
0xa4: {  	s25 =	simm.s32 $0x1B8E;
	s24 =	sld [smem:$0x3FFE];
	[sflag:s23] =	ssyncadd.s32 $0xFFFFFFFF  }
0xa5: {  	s26 =	simm.s32 $execute0_lowered;
	[smem:$0x3FD2] =	sst s25  }
0xa6: {  	s5 =	sshll.u32 s26, $0x1;
	_ =	strace $0x80000046;
	[dreg:$0x1] =	wrdreg $0xFFFFFFFF  }
0xa7: {  	s28 =	simm.s32 $_size_execute0_lowered;
	s3 =	sadd.s32 s3, s5;
	[dreg:$0x0] =	wrdreg $0x0  }
0xa8: {  	s5 =	sshll.u32 s28, $0x1;
	[dreg:$0x2] =	wrdreg s3  }
0xa9: {  	[dreg:$0x3] =	wrdreg s5  }
0xaa: {  	[dreg:$0x4] =	wrdreg $0xC0  }
0xab: {  	_ =	task [dreg:s7], $0x5FFFF  }
0xac: {  	[dreg:$0x1] =	wrdreg $0xFFFFFFFF  }
0xad: {  	[dreg:$0x0] =	wrdreg $0x60  }
0xae: {  	[dreg:$0x2] =	wrdreg s2  }
0xaf: {  	[dreg:$0x3] =	wrdreg s24  }
0xb0: {  	[dreg:$0x4] =	wrdreg $0x9  }
0xb1: {  	_ =	task.clear_ibuf [dreg:s7], $0x5FFFF;
	_ =	strace $0x90000046  }
0xb2: {  	s29 =	simm.s32 $0x9;
	_ =	strace $0x80000048  }
0xb3: {  	_ =	swait.ge [sflag:s29], $0x1  }
0xb4: {  	[sflag:s29] =	ssyncadd.s32 $0xFFFFFFFF  }
0xb5: {  	_ =	strace $0x90000048  }
0xb6: {  	_ =	sfence  }
0xb7: {  	s30 =	sld [smem:$0x0];
	_ =	sdelay $0x2  }
0xb8: {  	s31 =	sshll.u32 s1, $0xD;
	s1 =	sshrl.u32 s1, $0x2  }
0xb9: {  	s3 =	sand.u32 $0x4000, s31;
	s1 =	sadd.s32 s1, s30  }
0xba: {  	s0 =	sor.u32 s3, s0;
	s1 =	sshll.u32 s1, $0x11  }
0xbb: {  	s0 =	sor.u32 s1, s0  }
0xbc: {  	s0 =	sadd.s32 $0x8F2B, s0  }
0xbd: {  	[sflag:s0] =	ssyncadd.remote.s32 $0x1  }
0xbe: {  	_ =	sfence.sel $0xFFFF  }
0xbf: {  	[dreg:$0x0] =	wrdreg $0xFFFFFFFF;
	(pc) =	sbr.abs _section_cstart, $3  }
0xc0: {  	[dreg:$0x1] =	wrdreg $0xFFFFFFFF  }
0xc1: {  	_ =	task.clear_ibuf [dreg:s7], $0x2FFFF;
	_ =	strace $0x9FFFFFFF  }
0xc2: {  	(tm) =	ssettm $0x7FFFFFFF  }
0xc3: {  	_ =	shalt  }
tec
execute0_lowered:
.L_overlay_start_1:
0x0: {  	(tag) =	ssettag $0x1  }
0x1: {  	s1 =	srdreg.scid  }
0x2: {  	s0 =	stileid.u32;
	s6 =	rddreg [dreg:$0x0]  }
0x3: {  	s7 =	rddreg [dreg:$0x1];
	s3 =	simm.s32 $0x0;
	s11 =	simm.s32 $0x2  }
0x4: {  	s4 =	sand.u32 $0x1, s1;
	s5 =	sshll.u32 s0, $0x1;
	s1 =	rddreg [dreg:$0x2]  }
0x5: {  	s26 =	sshrl.u32 s0, $0x2;
	[smem:$0x7FF] =	sst s3;
	s2 =	sor.u32 s4, s5  }
0x6: {  	s10 =	sshll.u32 s0, $0x6;
	s8 =	smul.u32 $0x13C00, s26;
	s9 =	sshll.u32 s2, $0x7  }
0x7: {  	_ =	strace $0x80000047;
	s28 =	ssub.s32 $0x2, s4;
	s9 =	sand.u32 $0x380, s9  }
0x8: {  	s6 =	sadd.s32 s10, s6;
	s30 =	sshll.u32 s4, $0x5;
	s8 =	sor.u32 s8, s9  }
0x9: {  	s4 =	ssub.s32 $0x9C4, s5;
	s10 =	simm.s32 $0x400;
	s8 =	sshrl.u32 s8, $0x3  }
0xa: {  	s29 =	sshrl.u32 s28, $0x1;
	s31 =	sadd.s32 s30, s6;
	s7 =	sadd.s32 s8, s7  }
0xb: {  	s9 =	simm.s32 $0x80;
	s8 =	ssub.s32 s28, s29;
	s5 =	sadd.s32 $0x2200, s7  }
0xc: {  	v0 =	vimm.s32 $0x0;
	v1 =	vimm.f32 $0.0e+00;
	v2 =	vimm.f32 $1.000000000e+00;
	s6 =	smax.u32 s8, $0x1;
	s7 =	sadd.s32 $0x10, s31;
	s8 =	simm.s32 $0x2800  }
.LBB2_1:
0xd: {  	[tilespmem:$0x2700] =	vst v0  }
0xe: {  	[tilespmem:$0x2710] =	vst v0  }
0xf: {  	[tilespmem:$0x2720] =	vst v0  }
0x10: {  	[tilespmem:$0x2730] =	vst v0  }
0x11: {  	[tilespmem:$0x2740] =	vst v0  }
0x12: {  	[tilespmem:$0x2750] =	vst v0  }
0x13: {  	[tilespmem:$0x2760] =	vst v0  }
0x14: {  	[tilespmem:$0x2770] =	vst v0  }
0x15: {  	[tilespmem:$0x2780] =	vst v0  }
0x16: {  	[tilespmem:$0x2790] =	vst v0  }
0x17: {  	[tilespmem:$0x27A0] =	vst v0  }
0x18: {  	[tilespmem:$0x27B0] =	vst v0  }
0x19: {  	[tilespmem:$0x27C0] =	vst v0  }
0x1a: {  	s12 =	sadd.s32 $0x0, s2;
	[tilespmem:$0x27D0] =	vst v0;
	s13 =	simm.s32 $0x20  }
0x1b: {  	[tilespmem:$0x27E0] =	vst v0;
	s14 =	simm.s32 $0x80;
	s15 =	sadd.s32 $0x400, s7;
	p0 =	sgt.u32 s12, $0x9C3  }
0x1c: {  	[tilespmem:$0x27F0] =	vst v0;
	s16 =	simm.s32 $0x0;
	s17 =	smov.u32 s7;
	s18 =	simm.s32 @!p0 $0x0  }
.LBB2_2:
0x1d: {  	[tilespmem:s16], [sflag:$0x1] =	stream.linear.gather @!p0 [hbm4b:s17+s18], $0x80, $0x38;
	[tilespmem:$0x4F80] =	vst v63  }
0x1e: {  	s12 =	smov.u32 s13;
	s13 =	sadd.s32 $0x20, s13  }
0x1f: {  	p1 =	sne.s32 s13, $0xA00  }
.Ltmp0:
0x20: {  	(pc) =	sbr.rel @p1 .LBB2_2-.Ltmp0, $4  }
0x21: {  	s16 =	smov.u32 s14;
	s17 =	smov.u32 s15  }
0x22: {  	s12 =	sadd.s32 s12, s2  }
0x23: {  	p0 =	sgt.u32 s12, $0x9C3;
	s12 =	simm.s32 $0x0  }
0x24: {  	s14 =	sadd.s32 $0x80, s14;
	s15 =	sadd.s32 $0x400, s15;
	s18 =	simm.s32 @!p0 $0x0  }
0x25: {  	[tilespmem:s16], [sflag:$0x1] =	stream.linear.gather @!p0 [hbm4b:s17+s18], $0x80, $0x38;
	[tilespmem:$0x4F80] =	vst v63  }
0x26: {  	s13 =	simm.s32 $0x40;
	s14 =	simm.s32 $0x0  }
.LBB2_4:
0x27: {  	p0 =	sne.s32 s13, $0x9C00;
	[tilespmem:s14+$0x2800] =	vst v1;
	s14 =	smov.u32 s13;
	s13 =	sadd.s32 $0x40, s13  }
.Ltmp1:
0x28: {  	(pc) =	sbr.rel @p0 .LBB2_4-.Ltmp1, $2  }
0x29: {  	_ =	sdelay $0x2  }
0x2a: {  	s14 =	sshra.s32 s14, $0x2  }
0x2b: {  	[tilespmem:s14+$0x2800] =	vst v1  }
.LBB2_6:
0x2c: {  	p0 =	sge.u32 s12, s4;
	s12 =	sadd.s32 $0x20, s12  }
0x2d: {  	p1 =	sne.s32 s12, $0xA00  }
.Ltmp2:
0x2e: {  	_ = 	snop;
	(pc) =	sbr.rel @p1 .LBB2_6-.Ltmp2, $4  }
0x2f: {  	s13 =	simm.s32 @!p0 $0x1  }
0x30: {  	_ =	swait.ge @!p0 [sflag:s13], $0x80  }
0x31: {  	[sflag:s13] =	ssyncset.done @!p0 $0x0  }
0x32: {  	[sflag:s13] =	ssyncadd.s32 @!p0 $0xFFFFFF80  }
0x33: {  	s12 =	simm.s32 $0x0  }
.LBB2_8:
0x34: {  	s13 =	sshra.s32 s12, $0x2  }
0x35: {  	v3 =	vld [tilespmem:s13+$0x0];
	_ =	sdelay $0x7  }
0x36: {  	[tilespmem:v3+s8+$0x0] =	vst.idx.add.f32.msk $0xffff, v2  }
0x37: {  	v3 =	vld [tilespmem:s13+$0x10];
	_ =	sdelay $0x7  }
0x38: {  	[tilespmem:v3+s8+$0x0] =	vst.idx.add.f32.msk $0xffff, v2  }
0x39: {  	v3 =	vld [tilespmem:s13+$0x20];
	_ =	sdelay $0x7  }
0x3a: {  	[tilespmem:v3+s8+$0x0] =	vst.idx.add.f32.msk $0xffff, v2  }
0x3b: {  	v3 =	vld [tilespmem:s13+$0x30];
	_ =	sdelay $0x7  }
0x3c: {  	[tilespmem:v3+s8+$0x0] =	vst.idx.add.f32.msk $0xffff, v2  }
0x3d: {  	v3 =	vld [tilespmem:s13+$0x40];
	_ =	sdelay $0x7  }
0x3e: {  	[tilespmem:v3+s8+$0x0] =	vst.idx.add.f32.msk $0xffff, v2  }
0x3f: {  	v3 =	vld [tilespmem:s13+$0x50];
	_ =	sdelay $0x7  }
0x40: {  	[tilespmem:v3+s8+$0x0] =	vst.idx.add.f32.msk $0xffff, v2  }
0x41: {  	v3 =	vld [tilespmem:s13+$0x60];
	_ =	sdelay $0x7  }
0x42: {  	[tilespmem:v3+s8+$0x0] =	vst.idx.add.f32.msk $0xffff, v2  }
0x43: {  	v3 =	vld [tilespmem:s13+$0x70];
	_ =	sdelay $0x2  }
0x44: {  	p0 =	sne.s32 s12, $0x9E00  }
.Ltmp3:
0x45: {  	_ = 	snop;
	(pc) =	sbr.rel @p0 .LBB2_8-.Ltmp3, $2  }
0x46: {  	_ =	sdelay $0x2  }
0x47: {  	s12 =	sadd.s32 $0x200, s12;
	[tilespmem:v3+s8+$0x0] =	vst.idx.add.f32.msk $0xffff, v2  }
0x48: {  	s3 =	sadd.s32 $0x1, s3  }
0x49: {  	p0 =	sne.s32 s3, s6  }
.Ltmp4:
0x4a: {  	_ = 	snop;
	(pc) =	sbr.rel @p0 .LBB2_1-.Ltmp4, $4  }
0x4b: {  	[hbm4b:s5+s9] =	stream.strided.scatter [tilespmem:s8], [sflag:$0x2], $0x2780, s10, s9, $0x38;
	[tilespmem:$0x4F80] =	vst v63  }
0x4c: {  	_ =	swait.ge [sflag:s11], $0x2780  }
0x4d: {  	[sflag:s11] =	ssyncset.done $0x0  }
0x4e: {  	[sflag:s11] =	ssyncadd.s32 $0xFFFFD880  }
0x4f: {  	_ =	sfence.sel $0x180000  }
0x50: {  	[bflag:$0x0] =	sbarrier.arrive $0xFFFF  }
0x51: {  	p0 =	sne.s32 s0, $0x0;
	_ =	strace $0x90000047  }
0x52: {  	s0 =	sadd.s32 @!p0 $0x100000, s1;
	[bflag:$0x2] =	sbarrier.arrive $0xFFFF  }
0x53: {  	[sflag:s0] =	ssyncadd.tile.s32 @!p0 $0x1;
	_ =	shalt  }
.Lfunc_end2:
_tile_overlayer_lowered:
.L_overlay_start_2:
0x54: {  	(tag) =	ssettag $0x2  }
0x55: {  	s0 =	rddreg [dreg:$0x0];
	s2 =	stileid.u32  }
0x56: {  	s1 =	rddreg [dreg:$0x1];
	p0 =	sne.s32 s2, $0x0  }
0x57: {  	s3 =	rddreg [dreg:$0x2];
	[bflag:$0x3] =	sbarrier.arrive $0xFFFF;
	s2 =	simm.s32 @!p0 $0x1C02  }
0x58: {  	[timem:s3], [sflag:s2] =	dma.local @!p0 [hbm:s0], s1  }
0x59: {  	s0 =	simm.s32 @!p0 $0x2  }
0x5a: {  	_ =	swait.ge @!p0 [sflag:s0], s1  }
0x5b: {  	s1 =	ssub.s32 @!p0 $0x0, s1;
	[sflag:s0] =	ssyncset.done @!p0 $0x0  }
0x5c: {  	[sflag:s0] =	ssyncadd.s32 @!p0 s1  }
0x5d: {  	[bflag:$0x3] =	sbarrier.arrive $0xFFFF  }
0x5e: {  	_ =	shalt  }

</sc_bundles>
